<compile_context>
chip_gen: v7x
topology: tpu7x:2x2x1
jax: 0.10.2.dev20260603
libtpu: 0.0.44.dev20260713+nightly
codegen_flags: <defaults>
</compile_context>

<pallas_src>
import jax
import jax.numpy as jnp
from jax import lax
from jax.experimental import pallas as pl
from jax.experimental.pallas import tpu as pltpu
from jax.experimental.pallas import tpu_sc as plsc

N = 10000
D = 128
E = 320000
EPS = 1e-5

NC = 2
NS = 16
NW = NC * NS
EPT = E // NW
CHUNK = 80
NCH = EPT // CHUNK
NPAD = 10240
RPT = NPAD // NS

_MESH = plsc.VectorSubcoreMesh(core_axis_name="c", subcore_axis_name="s")
_SC_PARAMS = pltpu.CompilerParams(needs_layout_passes=False)


def _deg_body(dst_hbm, degp_hbm, idx_v, hist_v):
    c = lax.axis_index("c")
    s = lax.axis_index("s")
    wid = c * NS + s
    zero16 = jnp.zeros((16,), jnp.float32)

    @pl.loop(0, NPAD // 16, unroll=8)
    def _(i):
        hist_v[pl.ds(i * 16, 16)] = zero16

    pltpu.sync_copy(dst_hbm.at[pl.ds(wid * EPT, EPT)], idx_v)
    ones16 = jnp.ones((16,), jnp.float32)

    @pl.loop(0, EPT // 16, unroll=16)
    def _(i):
        idx = idx_v[pl.ds(i * 16, 16)]
        plsc.addupdate_scatter(hist_v, [idx], ones16)

    pltpu.sync_copy(hist_v, degp_hbm.at[wid])


_deg_kernel = pl.kernel(
    _deg_body,
    out_type=jax.ShapeDtypeStruct((NW, NPAD), jnp.float32),
    mesh=_MESH,
    compiler_params=_SC_PARAMS,
    scratch_types=[
        pltpu.VMEM((EPT,), jnp.int32),
        pltpu.VMEM((NPAD,), jnp.float32),
    ],
)


NBUF = 3
NFULL = NCH // NBUF


def _agg_body(g_hbm, src_hbm, dst_hbm, out_hbm, sidx_v,
              didx_bufs, rows_bufs, acc_sh, sems):
    c = lax.axis_index("c")
    s = lax.axis_index("s")
    wid = c * NS + s
    zero16 = jnp.zeros((16,), jnp.float32)
    rows_a, sem_a = rows_bufs[0], sems[0]

    sidx_copy = pltpu.async_copy(src_hbm.at[pl.ds(wid * EPT, EPT)], sidx_v, sem_a)

    @pl.loop(0, CHUNK, unroll=4)
    def _(r):
        @pl.loop(0, D // 16)
        def _(j):
            rows_a[r, pl.ds(j * 16, 16)] = zero16

    @pl.loop(0, RPT // CHUNK)
    def _(j):
        pltpu.sync_copy(rows_a, acc_sh.at[pl.ds(s * RPT + j * CHUNK, CHUNK)])

    sidx_copy.wait()

    def start_chunk(k, j):
        pltpu.async_copy(g_hbm.at[sidx_v.at[pl.ds(k * CHUNK, CHUNK)]],
                         rows_bufs[j], sems[j])
        pltpu.async_copy(dst_hbm.at[pl.ds(wid * EPT + k * CHUNK, CHUNK)],
                         didx_bufs[j], sems[j])

    def wait_chunk(j):
        pltpu.make_async_copy(g_hbm.at[pl.ds(0, CHUNK)], rows_bufs[j], sems[j]).wait()
        pltpu.make_async_copy(dst_hbm.at[pl.ds(0, CHUNK)], didx_bufs[j], sems[j]).wait()

    def scatter(j):
        pltpu.sync_copy(rows_bufs[j], acc_sh.at[didx_bufs[j]], add=True)

    for j in range(NBUF):
        start_chunk(j, j)

    plsc.subcore_barrier()

    @pl.loop(0, NFULL)
    def _(i):
        k = i * NBUF
        for j in range(NBUF):
            cidx = k + j
            wait_chunk(j)
            scatter(j)

            @pl.when(cidx + NBUF < NCH)
            def _():
                start_chunk(cidx + NBUF, j)

    for j in range(NCH % NBUF):
        wait_chunk(j)
        scatter(j)

    plsc.subcore_barrier()

    pltpu.sync_copy(acc_sh.at[pl.ds(s * RPT, RPT)], out_hbm.at[c, pl.ds(s * RPT, RPT)])


_agg_kernel = pl.kernel(
    _agg_body,
    out_type=jax.ShapeDtypeStruct((NC, NPAD, D), jnp.float32),
    mesh=_MESH,
    compiler_params=_SC_PARAMS,
    scratch_types=[
        pltpu.VMEM((EPT,), jnp.int32),
        tuple(pltpu.VMEM((CHUNK,), jnp.int32) for _ in range(NBUF)),
        tuple(pltpu.VMEM((CHUNK, D), jnp.float32) for _ in range(NBUF)),
        pltpu.VMEM_SHARED((NPAD, D), jnp.float32),
        tuple(pltpu.SemaphoreType.DMA for _ in range(NBUF)),
    ],
)

R = 5120
NBLK = NPAD // R


def _dinv_of(degp_blk):
    deg = jnp.sum(degp_blk, axis=0) + 1.0
    return lax.rsqrt(deg)[:, None]


def _mm_scale_body(x_ref, w_ref, degp_ref, g_ref):
    h = jnp.dot(x_ref[...], w_ref[...], preferred_element_type=jnp.float32)
    g_ref[...] = h * _dinv_of(degp_ref[...])


def _mm_scale(x, w, degp):
    return pl.pallas_call(
        _mm_scale_body,
        grid=(NBLK,),
        in_specs=[
            pl.BlockSpec((R, D), lambda i: (i, 0)),
            pl.BlockSpec((D, D), lambda i: (0, 0)),
            pl.BlockSpec((NW, R), lambda i: (0, i)),
        ],
        out_specs=pl.BlockSpec((R, D), lambda i: (i, 0)),
        out_shape=jax.ShapeDtypeStruct((N, D), jnp.float32),
    )(x, w, degp)


def _bn_mm_body(sp_ref, g_ref, degp_ref, b_ref, gamma_ref, beta_ref, w_ref,
                g2_ref, t_v, st_v):
    p = pl.program_id(0)
    i = pl.program_id(1)
    dinv = _dinv_of(degp_ref[...])

    @pl.when(p == 0)
    def _():
        t = (sp_ref[0] + sp_ref[1] + g_ref[...]) * dinv + b_ref[...]
        t_v[pl.ds(i * R, R), :] = t
        rows = i * R + lax.broadcasted_iota(jnp.int32, (R, 1), 0)
        tm = jnp.where(rows < N, t, 0.0)
        st = jnp.concatenate(
            [jnp.sum(tm, axis=0, keepdims=True),
             jnp.sum(tm * tm, axis=0, keepdims=True)],
            axis=0,
        )

        @pl.when(i == 0)
        def _():
            st_v[...] = st

        @pl.when(i > 0)
        def _():
            st_v[...] = st_v[...] + st

    @pl.when(p == 1)
    def _():
        mean = st_v[0:1, :] * (1.0 / N)
        var = st_v[1:2, :] * (1.0 / N) - mean * mean
        y = gamma_ref[...] * (t_v[pl.ds(i * R, R), :] - mean) * lax.rsqrt(var + EPS) + beta_ref[...]
        y = jnp.maximum(y, 0.0)
        h2 = jnp.dot(y, w_ref[...], preferred_element_type=jnp.float32)
        g2_ref[...] = h2 * dinv


def _bn_mm(sp, g, degp, b1, gamma, beta, w2):
    return pl.pallas_call(
        _bn_mm_body,
        grid=(2, NBLK),
        in_specs=[
            pl.BlockSpec((NC, R, D), lambda p, i: (0, i * (1 - p), 0)),
            pl.BlockSpec((R, D), lambda p, i: (i * (1 - p), 0)),
            pl.BlockSpec((NW, R), lambda p, i: (0, i)),
            pl.BlockSpec((1, D), lambda p, i: (0, 0)),
            pl.BlockSpec((1, D), lambda p, i: (0, 0)),
            pl.BlockSpec((1, D), lambda p, i: (0, 0)),
            pl.BlockSpec((D, D), lambda p, i: (0, 0)),
        ],
        out_specs=pl.BlockSpec((R, D), lambda p, i: (i, 0)),
        out_shape=jax.ShapeDtypeStruct((N, D), jnp.float32),
        scratch_shapes=[
            pltpu.VMEM((NPAD, D), jnp.float32),
            pltpu.VMEM((2, D), jnp.float32),
        ],
    )(sp, g, degp, b1, gamma, beta, w2)


def _final_body(sp_ref, g_ref, degp_ref, b_ref, out_ref):
    out_ref[...] = (sp_ref[0] + sp_ref[1] + g_ref[...]) * _dinv_of(degp_ref[...]) + b_ref[...]


def _final(sp, g, degp, b2):
    return pl.pallas_call(
        _final_body,
        grid=(NBLK,),
        in_specs=[
            pl.BlockSpec((NC, R, D), lambda i: (0, i, 0)),
            pl.BlockSpec((R, D), lambda i: (i, 0)),
            pl.BlockSpec((NW, R), lambda i: (0, i)),
            pl.BlockSpec((1, D), lambda i: (0, 0)),
        ],
        out_specs=pl.BlockSpec((R, D), lambda i: (i, 0)),
        out_shape=jax.ShapeDtypeStruct((N, D), jnp.float32),
    )(sp, g, degp, b2)


def kernel(x, edge_index, W1, b1, gamma, beta, W2, b2):
    src = edge_index[0].astype(jnp.int32)
    dst = edge_index[1].astype(jnp.int32)

    degp = _deg_kernel(dst)
    g1 = _mm_scale(x, W1, degp)
    sp1 = _agg_kernel(g1, src, dst)
    g2 = _bn_mm(sp1, g1, degp, b1.reshape(1, D), gamma.reshape(1, D),
                beta.reshape(1, D), W2)
    sp2 = _agg_kernel(g2, src, dst)
    return _final(sp2, g2, degp, b2.reshape(1, D))

# --- scband reference (transcript-rebuilt; emitter-appended) ---
"""Pipeline reference for scband-graph-encoder-33363305955551 (READ-ONLY COPY).

The authoritative reference and input builder live on the scoring server;
editing this copy changes nothing except your own understanding.
"""

import jax, jax.numpy as jnp
import numpy as np

N_NODES = 10000
D_IN = 128
D_HID = 128
N_EDGES = 320000
EPS = 1e-5


def setup_inputs(seed: int = 0) -> dict:
    key = jax.random.key(seed)
    ks = jax.random.split(key, 8)
    x = jax.random.normal(ks[0], (N_NODES, D_IN), dtype=jnp.float32)
    edge_index = jax.random.randint(ks[1], (2, N_EDGES), 0, N_NODES, dtype=jnp.int64)
    s1 = 1.0 / np.sqrt(D_IN)
    s2 = 1.0 / np.sqrt(D_HID)
    W1 = jax.random.uniform(ks[2], (D_IN, D_HID), dtype=jnp.float32, minval=-s1, maxval=s1)
    b1 = jnp.zeros((D_HID,), dtype=jnp.float32)
    gamma = jnp.ones((D_HID,), dtype=jnp.float32)
    beta = jnp.zeros((D_HID,), dtype=jnp.float32)
    W2 = jax.random.uniform(ks[3], (D_HID, D_HID), dtype=jnp.float32, minval=-s2, maxval=s2)
    b2 = jnp.zeros((D_HID,), dtype=jnp.float32)
    return {"x": x, "edge_index": edge_index, "W1": W1, "b1": b1,
            "gamma": gamma, "beta": beta, "W2": W2, "b2": b2}


def _gcn_conv(x, edge_index, W, b):
    # Linear transform
    h = x @ W
    n = x.shape[0]
    src = edge_index[0]
    dst = edge_index[1]
    # Add self-loops (as in torch_geometric GCNConv default)
    loop = jnp.arange(n, dtype=src.dtype)
    src = jnp.concatenate([src, loop])
    dst = jnp.concatenate([dst, loop])
    # Symmetric normalization: deg^{-1/2}[src] * deg^{-1/2}[dst]
    deg = jnp.zeros((n,), dtype=h.dtype).at[dst].add(1.0)
    dinv = jnp.where(deg > 0, jax.lax.rsqrt(deg), 0.0)
    norm = dinv[src] * dinv[dst]
    # Message passing: gather from src, scatter-add to dst
    msgs = norm[:, None] * h[src]
    out = jnp.zeros_like(h).at[dst].add(msgs)
    return out + b


def _batch_norm(x, gamma, beta):
    mean = jnp.mean(x, axis=0)
    var = jnp.var(x, axis=0)
    return gamma * (x - mean) * jax.lax.rsqrt(var + EPS) + beta


def reference(x, edge_index, W1, b1, gamma, beta, W2, b2):
    h = _gcn_conv(x, edge_index, W1, b1)
    h = jax.nn.relu(_batch_norm(h, gamma, beta))
    # dropout is identity in eval mode
    out = _gcn_conv(h, edge_index, W2, b2)
    return out

if __name__ == "__main__":
    import jax
    _d = setup_inputs()
    print(jax.jit(kernel)(*tuple(_d.values())))

</pallas_src>

<mosaic_0001>
#map = affine_map<(d0, d1) -> (0)>
#map1 = affine_map<(d0, d1) -> (0, 0)>
module attributes {stable_mosaic.version = 14 : i64} {
  func.func @_deg_body(%arg0: i32, %arg1: i32, %arg2: memref<320000xi32, #tpu.memory_space<hbm>>, %arg3: memref<32x10240xf32, #tpu.memory_space<hbm>>, %arg4: memref<10000xi32, #tpu.memory_space<vmem>>, %arg5: memref<10240xf32, #tpu.memory_space<vmem>>) attributes {dimension_semantics = [#tpu.dimension_semantics<core_parallel>, #tpu.dimension_semantics<subcore_parallel>], iteration_bounds = array<i64: 2, 16>, scalar_prefetch = 0 : i64, scratch_operands = 2 : i64, tpu.core_type = #tpu.core_type<sc_vector_subcore>, window_params = [{transform_indices = #map}, {transform_indices = #map1}]} {
    %mul3A = arith.constant 16 : i32
    %mul3A_0 = arith.muli %arg0, %mul3A : i32
    %add3A = arith.addi %mul3A_0, %arg1 : i32
    %broadcast_in_dim3A = arith.constant 0.000000e+00 : f32
    %broadcast_in_dim3A_1 = vector.broadcast %broadcast_in_dim3A : f32 to vector<16xf32>
    %scan3A = arith.constant 0 : i32
    %scan3A_2 = arith.constant 640 : i32
    %scan3A_3 = arith.addi %scan3A, %scan3A_2 : i32
    %scan3A_4 = arith.constant 8 : i32
    scf.for %scan3A_24 = %scan3A to %scan3A_3 step %scan3A_4  : i32 {
      %mul3A_25 = arith.constant 1 : i32
      %mul3A_26 = arith.muli %scan3A_24, %mul3A_25 : i32
      %add3A_27 = arith.constant 0 : i32
      %add3A_28 = arith.addi %add3A_27, %mul3A_26 : i32
      %mul3A_29 = arith.constant 16 : i32
      %mul3A_30 = arith.muli %add3A_28, %mul3A_29 : i32
      %swap3A = arith.index_cast %mul3A_30 : i32 to index
      %swap3A_31 = tpu.vector_load %arg5[%swap3A] {strides = array<i32>} : memref<10240xf32, #tpu.memory_space<vmem>>, vector<16xf32>,
      tpu.vector_store %arg5[%swap3A], %broadcast_in_dim3A_1 {strides = array<i32>} : memref<10240xf32, #tpu.memory_space<vmem>>, vector<16xf32>,
      %scan3A_32 = arith.constant 1 : i32
      %scan3A_33 = arith.addi %scan3A_24, %scan3A_32 : i32
      %mul3A_34 = arith.constant 1 : i32
      %mul3A_35 = arith.muli %scan3A_33, %mul3A_34 : i32
      %add3A_36 = arith.constant 0 : i32
      %add3A_37 = arith.addi %add3A_36, %mul3A_35 : i32
      %mul3A_38 = arith.constant 16 : i32
      %mul3A_39 = arith.muli %add3A_37, %mul3A_38 : i32
      %swap3A_40 = arith.index_cast %mul3A_39 : i32 to index
      %swap3A_41 = tpu.vector_load %arg5[%swap3A_40] {strides = array<i32>} : memref<10240xf32, #tpu.memory_space<vmem>>, vector<16xf32>,
      tpu.vector_store %arg5[%swap3A_40], %broadcast_in_dim3A_1 {strides = array<i32>} : memref<10240xf32, #tpu.memory_space<vmem>>, vector<16xf32>,
      %scan3A_42 = arith.constant 2 : i32
      %scan3A_43 = arith.addi %scan3A_24, %scan3A_42 : i32
      %mul3A_44 = arith.constant 1 : i32
      %mul3A_45 = arith.muli %scan3A_43, %mul3A_44 : i32
      %add3A_46 = arith.constant 0 : i32
      %add3A_47 = arith.addi %add3A_46, %mul3A_45 : i32
      %mul3A_48 = arith.constant 16 : i32
      %mul3A_49 = arith.muli %add3A_47, %mul3A_48 : i32
      %swap3A_50 = arith.index_cast %mul3A_49 : i32 to index
      %swap3A_51 = tpu.vector_load %arg5[%swap3A_50] {strides = array<i32>} : memref<10240xf32, #tpu.memory_space<vmem>>, vector<16xf32>,
      tpu.vector_store %arg5[%swap3A_50], %broadcast_in_dim3A_1 {strides = array<i32>} : memref<10240xf32, #tpu.memory_space<vmem>>, vector<16xf32>,
      %scan3A_52 = arith.constant 3 : i32
      %scan3A_53 = arith.addi %scan3A_24, %scan3A_52 : i32
      %mul3A_54 = arith.constant 1 : i32
      %mul3A_55 = arith.muli %scan3A_53, %mul3A_54 : i32
      %add3A_56 = arith.constant 0 : i32
      %add3A_57 = arith.addi %add3A_56, %mul3A_55 : i32
      %mul3A_58 = arith.constant 16 : i32
      %mul3A_59 = arith.muli %add3A_57, %mul3A_58 : i32
      %swap3A_60 = arith.index_cast %mul3A_59 : i32 to index
      %swap3A_61 = tpu.vector_load %arg5[%swap3A_60] {strides = array<i32>} : memref<10240xf32, #tpu.memory_space<vmem>>, vector<16xf32>,
      tpu.vector_store %arg5[%swap3A_60], %broadcast_in_dim3A_1 {strides = array<i32>} : memref<10240xf32, #tpu.memory_space<vmem>>, vector<16xf32>,
      %scan3A_62 = arith.constant 4 : i32
      %scan3A_63 = arith.addi %scan3A_24, %scan3A_62 : i32
      %mul3A_64 = arith.constant 1 : i32
      %mul3A_65 = arith.muli %scan3A_63, %mul3A_64 : i32
      %add3A_66 = arith.constant 0 : i32
      %add3A_67 = arith.addi %add3A_66, %mul3A_65 : i32
      %mul3A_68 = arith.constant 16 : i32
      %mul3A_69 = arith.muli %add3A_67, %mul3A_68 : i32
      %swap3A_70 = arith.index_cast %mul3A_69 : i32 to index
      %swap3A_71 = tpu.vector_load %arg5[%swap3A_70] {strides = array<i32>} : memref<10240xf32, #tpu.memory_space<vmem>>, vector<16xf32>,
      tpu.vector_store %arg5[%swap3A_70], %broadcast_in_dim3A_1 {strides = array<i32>} : memref<10240xf32, #tpu.memory_space<vmem>>, vector<16xf32>,
      %scan3A_72 = arith.constant 5 : i32
      %scan3A_73 = arith.addi %scan3A_24, %scan3A_72 : i32
      %mul3A_74 = arith.constant 1 : i32
      %mul3A_75 = arith.muli %scan3A_73, %mul3A_74 : i32
      %add3A_76 = arith.constant 0 : i32
      %add3A_77 = arith.addi %add3A_76, %mul3A_75 : i32
      %mul3A_78 = arith.constant 16 : i32
      %mul3A_79 = arith.muli %add3A_77, %mul3A_78 : i32
      %swap3A_80 = arith.index_cast %mul3A_79 : i32 to index
      %swap3A_81 = tpu.vector_load %arg5[%swap3A_80] {strides = array<i32>} : memref<10240xf32, #tpu.memory_space<vmem>>, vector<16xf32>,
      tpu.vector_store %arg5[%swap3A_80], %broadcast_in_dim3A_1 {strides = array<i32>} : memref<10240xf32, #tpu.memory_space<vmem>>, vector<16xf32>,
      %scan3A_82 = arith.constant 6 : i32
      %scan3A_83 = arith.addi %scan3A_24, %scan3A_82 : i32
      %mul3A_84 = arith.constant 1 : i32
      %mul3A_85 = arith.muli %scan3A_83, %mul3A_84 : i32
      %add3A_86 = arith.constant 0 : i32
      %add3A_87 = arith.addi %add3A_86, %mul3A_85 : i32
      %mul3A_88 = arith.constant 16 : i32
      %mul3A_89 = arith.muli %add3A_87, %mul3A_88 : i32
      %swap3A_90 = arith.index_cast %mul3A_89 : i32 to index
      %swap3A_91 = tpu.vector_load %arg5[%swap3A_90] {strides = array<i32>} : memref<10240xf32, #tpu.memory_space<vmem>>, vector<16xf32>,
      tpu.vector_store %arg5[%swap3A_90], %broadcast_in_dim3A_1 {strides = array<i32>} : memref<10240xf32, #tpu.memory_space<vmem>>, vector<16xf32>,
      %scan3A_92 = arith.constant 7 : i32
      %scan3A_93 = arith.addi %scan3A_24, %scan3A_92 : i32
      %mul3A_94 = arith.constant 1 : i32
      %mul3A_95 = arith.muli %scan3A_93, %mul3A_94 : i32
      %add3A_96 = arith.constant 0 : i32
      %add3A_97 = arith.addi %add3A_96, %mul3A_95 : i32
      %mul3A_98 = arith.constant 16 : i32
      %mul3A_99 = arith.muli %add3A_97, %mul3A_98 : i32
      %swap3A_100 = arith.index_cast %mul3A_99 : i32 to index
      %swap3A_101 = tpu.vector_load %arg5[%swap3A_100] {strides = array<i32>} : memref<10240xf32, #tpu.memory_space<vmem>>, vector<16xf32>,
      tpu.vector_store %arg5[%swap3A_100], %broadcast_in_dim3A_1 {strides = array<i32>} : memref<10240xf32, #tpu.memory_space<vmem>>, vector<16xf32>,
    }
    %scan3A_5 = arith.constant 640 : i32
    %mul3A_6 = arith.constant 10000 : i32
    %mul3A_7 = arith.muli %add3A, %mul3A_6 : i32
    "tpu.region"() ({
      %run_scoped3A = tpu.sem_alloc : memref<!tpu.dma_semaphore, #tpu.memory_space<semaphore_mem>>
      %dma_start3A = tpu.memref_slice %arg2[%mul3A_7] : memref<320000xi32, #tpu.memory_space<hbm>> -> memref<10000xi32, #tpu.memory_space<hbm>>
      %dma_start3A_24 = tpu.memref_slice %arg2[%mul3A_7] : memref<320000xi32, #tpu.memory_space<hbm>> -> memref<10000xi32, #tpu.memory_space<hbm>>
      tpu.enqueue_dma source(%dma_start3A_24 : memref<10000xi32, #tpu.memory_space<hbm>>) target(%arg4 : memref<10000xi32, #tpu.memory_space<vmem>>) target_semaphore(%run_scoped3A : memref<!tpu.dma_semaphore, #tpu.memory_space<semaphore_mem>>)
      %dma_wait3A = tpu.memref_slice %arg2[%mul3A_7] : memref<320000xi32, #tpu.memory_space<hbm>> -> memref<10000xi32, #tpu.memory_space<hbm>>
      %dma_wait3A_25 = tpu.memref_slice %arg2[%mul3A_7] : memref<320000xi32, #tpu.memory_space<hbm>> -> memref<10000xi32, #tpu.memory_space<hbm>>
      tpu.wait_dma2 semaphore(%run_scoped3A : memref<!tpu.dma_semaphore, #tpu.memory_space<semaphore_mem>>) src(%dma_wait3A_25 : memref<10000xi32, #tpu.memory_space<hbm>>) dst(%arg4 : memref<10000xi32, #tpu.memory_space<vmem>>)
      tpu.yield
    }) : () -> ()
    %broadcast_in_dim3A_8 = arith.constant 1.000000e+00 : f32
    %broadcast_in_dim3A_9 = vector.broadcast %broadcast_in_dim3A_8 : f32 to vector<16xf32>
    %scan3A_10 = arith.constant 0 : i32
    %scan3A_11 = arith.constant 624 : i32
    %scan3A_12 = arith.addi %scan3A_10, %scan3A_11 : i32
    %scan3A_13 = arith.constant 16 : i32
    scf.for %scan3A_24 = %scan3A_10 to %scan3A_12 step %scan3A_13  : i32 {
      %mul3A_25 = arith.constant 1 : i32
      %mul3A_26 = arith.muli %scan3A_24, %mul3A_25 : i32
      %add3A_27 = arith.constant 0 : i32
      %add3A_28 = arith.addi %add3A_27, %mul3A_26 : i32
      %mul3A_29 = arith.constant 16 : i32
      %mul3A_30 = arith.muli %add3A_28, %mul3A_29 : i32
      %get3A_31 = arith.index_cast %mul3A_30 : i32 to index
      %get3A_32 = tpu.vector_load %arg4[%get3A_31] {strides = array<i32>} : memref<10000xi32, #tpu.memory_space<vmem>>, vector<16xi32>,
      tpu.vector_store_idx %arg5[%get3A_32], %broadcast_in_dim3A_9 {add = true} : memref<10240xf32, #tpu.memory_space<vmem>>[vector<16xi32>], vector<16xf32>,
      %scan3A_33 = arith.constant 1 : i32
      %scan3A_34 = arith.addi %scan3A_24, %scan3A_33 : i32
      %mul3A_35 = arith.constant 1 : i32
      %mul3A_36 = arith.muli %scan3A_34, %mul3A_35 : i32
      %add3A_37 = arith.constant 0 : i32
      %add3A_38 = arith.addi %add3A_37, %mul3A_36 : i32
      %mul3A_39 = arith.constant 16 : i32
      %mul3A_40 = arith.muli %add3A_38, %mul3A_39 : i32
      %get3A_41 = arith.index_cast %mul3A_40 : i32 to index
      %get3A_42 = tpu.vector_load %arg4[%get3A_41] {strides = array<i32>} : memref<10000xi32, #tpu.memory_space<vmem>>, vector<16xi32>,
      tpu.vector_store_idx %arg5[%get3A_42], %broadcast_in_dim3A_9 {add = true} : memref<10240xf32, #tpu.memory_space<vmem>>[vector<16xi32>], vector<16xf32>,
      %scan3A_43 = arith.constant 2 : i32
      %scan3A_44 = arith.addi %scan3A_24, %scan3A_43 : i32
      %mul3A_45 = arith.constant 1 : i32
      %mul3A_46 = arith.muli %scan3A_44, %mul3A_45 : i32
      %add3A_47 = arith.constant 0 : i32
      %add3A_48 = arith.addi %add3A_47, %mul3A_46 : i32
      %mul3A_49 = arith.constant 16 : i32
      %mul3A_50 = arith.muli %add3A_48, %mul3A_49 : i32
      %get3A_51 = arith.index_cast %mul3A_50 : i32 to index
      %get3A_52 = tpu.vector_load %arg4[%get3A_51] {strides = array<i32>} : memref<10000xi32, #tpu.memory_space<vmem>>, vector<16xi32>,
      tpu.vector_store_idx %arg5[%get3A_52], %broadcast_in_dim3A_9 {add = true} : memref<10240xf32, #tpu.memory_space<vmem>>[vector<16xi32>], vector<16xf32>,
      %scan3A_53 = arith.constant 3 : i32
      %scan3A_54 = arith.addi %scan3A_24, %scan3A_53 : i32
      %mul3A_55 = arith.constant 1 : i32
      %mul3A_56 = arith.muli %scan3A_54, %mul3A_55 : i32
      %add3A_57 = arith.constant 0 : i32
      %add3A_58 = arith.addi %add3A_57, %mul3A_56 : i32
      %mul3A_59 = arith.constant 16 : i32
      %mul3A_60 = arith.muli %add3A_58, %mul3A_59 : i32
      %get3A_61 = arith.index_cast %mul3A_60 : i32 to index
      %get3A_62 = tpu.vector_load %arg4[%get3A_61] {strides = array<i32>} : memref<10000xi32, #tpu.memory_space<vmem>>, vector<16xi32>,
      tpu.vector_store_idx %arg5[%get3A_62], %broadcast_in_dim3A_9 {add = true} : memref<10240xf32, #tpu.memory_space<vmem>>[vector<16xi32>], vector<16xf32>,
      %scan3A_63 = arith.constant 4 : i32
      %scan3A_64 = arith.addi %scan3A_24, %scan3A_63 : i32
      %mul3A_65 = arith.constant 1 : i32
      %mul3A_66 = arith.muli %scan3A_64, %mul3A_65 : i32
      %add3A_67 = arith.constant 0 : i32
      %add3A_68 = arith.addi %add3A_67, %mul3A_66 : i32
      %mul3A_69 = arith.constant 16 : i32
      %mul3A_70 = arith.muli %add3A_68, %mul3A_69 : i32
      %get3A_71 = arith.index_cast %mul3A_70 : i32 to index
      %get3A_72 = tpu.vector_load %arg4[%get3A_71] {strides = array<i32>} : memref<10000xi32, #tpu.memory_space<vmem>>, vector<16xi32>,
      tpu.vector_store_idx %arg5[%get3A_72], %broadcast_in_dim3A_9 {add = true} : memref<10240xf32, #tpu.memory_space<vmem>>[vector<16xi32>], vector<16xf32>,
      %scan3A_73 = arith.constant 5 : i32
      %scan3A_74 = arith.addi %scan3A_24, %scan3A_73 : i32
      %mul3A_75 = arith.constant 1 : i32
      %mul3A_76 = arith.muli %scan3A_74, %mul3A_75 : i32
      %add3A_77 = arith.constant 0 : i32
      %add3A_78 = arith.addi %add3A_77, %mul3A_76 : i32
      %mul3A_79 = arith.constant 16 : i32
      %mul3A_80 = arith.muli %add3A_78, %mul3A_79 : i32
      %get3A_81 = arith.index_cast %mul3A_80 : i32 to index
      %get3A_82 = tpu.vector_load %arg4[%get3A_81] {strides = array<i32>} : memref<10000xi32, #tpu.memory_space<vmem>>, vector<16xi32>,
      tpu.vector_store_idx %arg5[%get3A_82], %broadcast_in_dim3A_9 {add = true} : memref<10240xf32, #tpu.memory_space<vmem>>[vector<16xi32>], vector<16xf32>,
      %scan3A_83 = arith.constant 6 : i32
      %scan3A_84 = arith.addi %scan3A_24, %scan3A_83 : i32
      %mul3A_85 = arith.constant 1 : i32
      %mul3A_86 = arith.muli %scan3A_84, %mul3A_85 : i32
      %add3A_87 = arith.constant 0 : i32
      %add3A_88 = arith.addi %add3A_87, %mul3A_86 : i32
      %mul3A_89 = arith.constant 16 : i32
      %mul3A_90 = arith.muli %add3A_88, %mul3A_89 : i32
      %get3A_91 = arith.index_cast %mul3A_90 : i32 to index
      %get3A_92 = tpu.vector_load %arg4[%get3A_91] {strides = array<i32>} : memref<10000xi32, #tpu.memory_space<vmem>>, vector<16xi32>,
      tpu.vector_store_idx %arg5[%get3A_92], %broadcast_in_dim3A_9 {add = true} : memref<10240xf32, #tpu.memory_space<vmem>>[vector<16xi32>], vector<16xf32>,
      %scan3A_93 = arith.constant 7 : i32
      %scan3A_94 = arith.addi %scan3A_24, %scan3A_93 : i32
      %mul3A_95 = arith.constant 1 : i32
      %mul3A_96 = arith.muli %scan3A_94, %mul3A_95 : i32
      %add3A_97 = arith.constant 0 : i32
      %add3A_98 = arith.addi %add3A_97, %mul3A_96 : i32
      %mul3A_99 = arith.constant 16 : i32
      %mul3A_100 = arith.muli %add3A_98, %mul3A_99 : i32
      %get3A_101 = arith.index_cast %mul3A_100 : i32 to index
      %get3A_102 = tpu.vector_load %arg4[%get3A_101] {strides = array<i32>} : memref<10000xi32, #tpu.memory_space<vmem>>, vector<16xi32>,
      tpu.vector_store_idx %arg5[%get3A_102], %broadcast_in_dim3A_9 {add = true} : memref<10240xf32, #tpu.memory_space<vmem>>[vector<16xi32>], vector<16xf32>,
      %scan3A_103 = arith.constant 8 : i32
      %scan3A_104 = arith.addi %scan3A_24, %scan3A_103 : i32
      %mul3A_105 = arith.constant 1 : i32
      %mul3A_106 = arith.muli %scan3A_104, %mul3A_105 : i32
      %add3A_107 = arith.constant 0 : i32
      %add3A_108 = arith.addi %add3A_107, %mul3A_106 : i32
      %mul3A_109 = arith.constant 16 : i32
      %mul3A_110 = arith.muli %add3A_108, %mul3A_109 : i32
      %get3A_111 = arith.index_cast %mul3A_110 : i32 to index
      %get3A_112 = tpu.vector_load %arg4[%get3A_111] {strides = array<i32>} : memref<10000xi32, #tpu.memory_space<vmem>>, vector<16xi32>,
      tpu.vector_store_idx %arg5[%get3A_112], %broadcast_in_dim3A_9 {add = true} : memref<10240xf32, #tpu.memory_space<vmem>>[vector<16xi32>], vector<16xf32>,
      %scan3A_113 = arith.constant 9 : i32
      %scan3A_114 = arith.addi %scan3A_24, %scan3A_113 : i32
      %mul3A_115 = arith.constant 1 : i32
      %mul3A_116 = arith.muli %scan3A_114, %mul3A_115 : i32
      %add3A_117 = arith.constant 0 : i32
      %add3A_118 = arith.addi %add3A_117, %mul3A_116 : i32
      %mul3A_119 = arith.constant 16 : i32
      %mul3A_120 = arith.muli %add3A_118, %mul3A_119 : i32
      %get3A_121 = arith.index_cast %mul3A_120 : i32 to index
      %get3A_122 = tpu.vector_load %arg4[%get3A_121] {strides = array<i32>} : memref<10000xi32, #tpu.memory_space<vmem>>, vector<16xi32>,
      tpu.vector_store_idx %arg5[%get3A_122], %broadcast_in_dim3A_9 {add = true} : memref<10240xf32, #tpu.memory_space<vmem>>[vector<16xi32>], vector<16xf32>,
      %scan3A_123 = arith.constant 10 : i32
      %scan3A_124 = arith.addi %scan3A_24, %scan3A_123 : i32
      %mul3A_125 = arith.constant 1 : i32
      %mul3A_126 = arith.muli %scan3A_124, %mul3A_125 : i32
      %add3A_127 = arith.constant 0 : i32
      %add3A_128 = arith.addi %add3A_127, %mul3A_126 : i32
      %mul3A_129 = arith.constant 16 : i32
      %mul3A_130 = arith.muli %add3A_128, %mul3A_129 : i32
      %get3A_131 = arith.index_cast %mul3A_130 : i32 to index
      %get3A_132 = tpu.vector_load %arg4[%get3A_131] {strides = array<i32>} : memref<10000xi32, #tpu.memory_space<vmem>>, vector<16xi32>,
      tpu.vector_store_idx %arg5[%get3A_132], %broadcast_in_dim3A_9 {add = true} : memref<10240xf32, #tpu.memory_space<vmem>>[vector<16xi32>], vector<16xf32>,
      %scan3A_133 = arith.constant 11 : i32
      %scan3A_134 = arith.addi %scan3A_24, %scan3A_133 : i32
      %mul3A_135 = arith.constant 1 : i32
      %mul3A_136 = arith.muli %scan3A_134, %mul3A_135 : i32
      %add3A_137 = arith.constant 0 : i32
      %add3A_138 = arith.addi %add3A_137, %mul3A_136 : i32
      %mul3A_139 = arith.constant 16 : i32
      %mul3A_140 = arith.muli %add3A_138, %mul3A_139 : i32
      %get3A_141 = arith.index_cast %mul3A_140 : i32 to index
      %get3A_142 = tpu.vector_load %arg4[%get3A_141] {strides = array<i32>} : memref<10000xi32, #tpu.memory_space<vmem>>, vector<16xi32>,
      tpu.vector_store_idx %arg5[%get3A_142], %broadcast_in_dim3A_9 {add = true} : memref<10240xf32, #tpu.memory_space<vmem>>[vector<16xi32>], vector<16xf32>,
      %scan3A_143 = arith.constant 12 : i32
      %scan3A_144 = arith.addi %scan3A_24, %scan3A_143 : i32
      %mul3A_145 = arith.constant 1 : i32
      %mul3A_146 = arith.muli %scan3A_144, %mul3A_145 : i32
      %add3A_147 = arith.constant 0 : i32
      %add3A_148 = arith.addi %add3A_147, %mul3A_146 : i32
      %mul3A_149 = arith.constant 16 : i32
      %mul3A_150 = arith.muli %add3A_148, %mul3A_149 : i32
      %get3A_151 = arith.index_cast %mul3A_150 : i32 to index
      %get3A_152 = tpu.vector_load %arg4[%get3A_151] {strides = array<i32>} : memref<10000xi32, #tpu.memory_space<vmem>>, vector<16xi32>,
      tpu.vector_store_idx %arg5[%get3A_152], %broadcast_in_dim3A_9 {add = true} : memref<10240xf32, #tpu.memory_space<vmem>>[vector<16xi32>], vector<16xf32>,
      %scan3A_153 = arith.constant 13 : i32
      %scan3A_154 = arith.addi %scan3A_24, %scan3A_153 : i32
      %mul3A_155 = arith.constant 1 : i32
      %mul3A_156 = arith.muli %scan3A_154, %mul3A_155 : i32
      %add3A_157 = arith.constant 0 : i32
      %add3A_158 = arith.addi %add3A_157, %mul3A_156 : i32
      %mul3A_159 = arith.constant 16 : i32
      %mul3A_160 = arith.muli %add3A_158, %mul3A_159 : i32
      %get3A_161 = arith.index_cast %mul3A_160 : i32 to index
      %get3A_162 = tpu.vector_load %arg4[%get3A_161] {strides = array<i32>} : memref<10000xi32, #tpu.memory_space<vmem>>, vector<16xi32>,
      tpu.vector_store_idx %arg5[%get3A_162], %broadcast_in_dim3A_9 {add = true} : memref<10240xf32, #tpu.memory_space<vmem>>[vector<16xi32>], vector<16xf32>,
      %scan3A_163 = arith.constant 14 : i32
      %scan3A_164 = arith.addi %scan3A_24, %scan3A_163 : i32
      %mul3A_165 = arith.constant 1 : i32
      %mul3A_166 = arith.muli %scan3A_164, %mul3A_165 : i32
      %add3A_167 = arith.constant 0 : i32
      %add3A_168 = arith.addi %add3A_167, %mul3A_166 : i32
      %mul3A_169 = arith.constant 16 : i32
      %mul3A_170 = arith.muli %add3A_168, %mul3A_169 : i32
      %get3A_171 = arith.index_cast %mul3A_170 : i32 to index
      %get3A_172 = tpu.vector_load %arg4[%get3A_171] {strides = array<i32>} : memref<10000xi32, #tpu.memory_space<vmem>>, vector<16xi32>,
      tpu.vector_store_idx %arg5[%get3A_172], %broadcast_in_dim3A_9 {add = true} : memref<10240xf32, #tpu.memory_space<vmem>>[vector<16xi32>], vector<16xf32>,
      %scan3A_173 = arith.constant 15 : i32
      %scan3A_174 = arith.addi %scan3A_24, %scan3A_173 : i32
      %mul3A_175 = arith.constant 1 : i32
      %mul3A_176 = arith.muli %scan3A_174, %mul3A_175 : i32
      %add3A_177 = arith.constant 0 : i32
      %add3A_178 = arith.addi %add3A_177, %mul3A_176 : i32
      %mul3A_179 = arith.constant 16 : i32
      %mul3A_180 = arith.muli %add3A_178, %mul3A_179 : i32
      %get3A_181 = arith.index_cast %mul3A_180 : i32 to index
      %get3A_182 = tpu.vector_load %arg4[%get3A_181] {strides = array<i32>} : memref<10000xi32, #tpu.memory_space<vmem>>, vector<16xi32>,
      tpu.vector_store_idx %arg5[%get3A_182], %broadcast_in_dim3A_9 {add = true} : memref<10240xf32, #tpu.memory_space<vmem>>[vector<16xi32>], vector<16xf32>,
    }
    %scan3A_14 = arith.constant 624 : i32
    %scan3A_15 = arith.addi %scan3A_10, %scan3A_14 : i32
    %mul3A_16 = arith.constant 1 : i32
    %mul3A_17 = arith.muli %scan3A_15, %mul3A_16 : i32
    %add3A_18 = arith.constant 0 : i32
    %add3A_19 = arith.addi %add3A_18, %mul3A_17 : i32
    %mul3A_20 = arith.constant 16 : i32
    %mul3A_21 = arith.muli %add3A_19, %mul3A_20 : i32
    %get3A = arith.index_cast %mul3A_21 : i32 to index
    %get3A_22 = tpu.vector_load %arg4[%get3A] {strides = array<i32>} : memref<10000xi32, #tpu.memory_space<vmem>>, vector<16xi32>,
    tpu.vector_store_idx %arg5[%get3A_22], %broadcast_in_dim3A_9 {add = true} : memref<10240xf32, #tpu.memory_space<vmem>>[vector<16xi32>], vector<16xf32>,
    %scan3A_23 = arith.constant 625 : i32
    "tpu.region"() ({
      %run_scoped3A = tpu.sem_alloc : memref<!tpu.dma_semaphore, #tpu.memory_space<semaphore_mem>>
      %dma_start3A = arith.constant 0 : i32
      %dma_start3A_24 = tpu.memref_slice %arg3[%add3A, %dma_start3A] : memref<32x10240xf32, #tpu.memory_space<hbm>> -> memref<1x10240xf32, #tpu.memory_space<hbm>>
      %dma_start3A_25 = tpu.memref_squeeze %dma_start3A_24 : memref<1x10240xf32, #tpu.memory_space<hbm>> -> memref<10240xf32, #tpu.memory_space<hbm>>
      %dma_start3A_26 = arith.constant 0 : i32
      %dma_start3A_27 = tpu.memref_slice %arg3[%add3A, %dma_start3A_26] : memref<32x10240xf32, #tpu.memory_space<hbm>> -> memref<1x10240xf32, #tpu.memory_space<hbm>>
      %dma_start3A_28 = tpu.memref_squeeze %dma_start3A_27 : memref<1x10240xf32, #tpu.memory_space<hbm>> -> memref<10240xf32, #tpu.memory_space<hbm>>
      tpu.enqueue_dma source(%arg5 : memref<10240xf32, #tpu.memory_space<vmem>>) target(%dma_start3A_28 : memref<10240xf32, #tpu.memory_space<hbm>>) target_semaphore(%run_scoped3A : memref<!tpu.dma_semaphore, #tpu.memory_space<semaphore_mem>>)
      %dma_wait3A = arith.constant 0 : i32
      %dma_wait3A_29 = tpu.memref_slice %arg3[%add3A, %dma_wait3A] : memref<32x10240xf32, #tpu.memory_space<hbm>> -> memref<1x10240xf32, #tpu.memory_space<hbm>>
      %dma_wait3A_30 = tpu.memref_squeeze %dma_wait3A_29 : memref<1x10240xf32, #tpu.memory_space<hbm>> -> memref<10240xf32, #tpu.memory_space<hbm>>
      %dma_wait3A_31 = arith.constant 0 : i32
      %dma_wait3A_32 = tpu.memref_slice %arg3[%add3A, %dma_wait3A_31] : memref<32x10240xf32, #tpu.memory_space<hbm>> -> memref<1x10240xf32, #tpu.memory_space<hbm>>
      %dma_wait3A_33 = tpu.memref_squeeze %dma_wait3A_32 : memref<1x10240xf32, #tpu.memory_space<hbm>> -> memref<10240xf32, #tpu.memory_space<hbm>>
      tpu.wait_dma2 semaphore(%run_scoped3A : memref<!tpu.dma_semaphore, #tpu.memory_space<semaphore_mem>>) src(%arg5 : memref<10240xf32, #tpu.memory_space<vmem>>) dst(%dma_wait3A_33 : memref<10240xf32, #tpu.memory_space<hbm>>)
      tpu.yield
    }) : () -> ()
    return
  }
}

#map = affine_map<(d0, d1) -> (0, 0)>
#map1 = affine_map<(d0, d1) -> (0)>
#map2 = affine_map<(d0, d1) -> (0, 0, 0)>
module attributes {stable_mosaic.version = 14 : i64} {
  func.func @_agg_body(%arg0: i32, %arg1: i32, %arg2: memref<10000x128xf32, #tpu.memory_space<hbm>>, %arg3: memref<320000xi32, #tpu.memory_space<hbm>>, %arg4: memref<320000xi32, #tpu.memory_space<hbm>>, %arg5: memref<2x10240x128xf32, #tpu.memory_space<hbm>>, %arg6: memref<10000xi32, #tpu.memory_space<vmem>>, %arg7: memref<80xi32, #tpu.memory_space<vmem>>, %arg8: memref<80xi32, #tpu.memory_space<vmem>>, %arg9: memref<80xi32, #tpu.memory_space<vmem>>, %arg10: memref<80x128xf32, #tpu.memory_space<vmem>>, %arg11: memref<80x128xf32, #tpu.memory_space<vmem>>, %arg12: memref<80x128xf32, #tpu.memory_space<vmem>>, %arg13: memref<10240x128xf32, #tpu.memory_space<vmem_shared>>, %arg14: memref<!tpu.dma_semaphore, #tpu.memory_space<semaphore_mem>>, %arg15: memref<!tpu.dma_semaphore, #tpu.memory_space<semaphore_mem>>, %arg16: memref<!tpu.dma_semaphore, #tpu.memory_space<semaphore_mem>>) attributes {dimension_semantics = [#tpu.dimension_semantics<core_parallel>, #tpu.dimension_semantics<subcore_parallel>], iteration_bounds = array<i64: 2, 16>, scalar_prefetch = 0 : i64, scratch_operands = 11 : i64, tpu.core_type = #tpu.core_type<sc_vector_subcore>, window_params = [{transform_indices = #map}, {transform_indices = #map1}, {transform_indices = #map1}, {transform_indices = #map2}]} {
    %mul3A = arith.constant 16 : i32
    %mul3A_0 = arith.muli %arg0, %mul3A : i32
    %add3A = arith.addi %mul3A_0, %arg1 : i32
    %broadcast_in_dim3A = arith.constant 0.000000e+00 : f32
    %broadcast_in_dim3A_1 = vector.broadcast %broadcast_in_dim3A : f32 to vector<16xf32>
    %mul3A_2 = arith.constant 10000 : i32
    %mul3A_3 = arith.muli %add3A, %mul3A_2 : i32
    %dma_start3A = tpu.memref_slice %arg3[%mul3A_3] : memref<320000xi32, #tpu.memory_space<hbm>> -> memref<10000xi32, #tpu.memory_space<hbm>>
    %dma_start3A_4 = tpu.memref_slice %arg3[%mul3A_3] : memref<320000xi32, #tpu.memory_space<hbm>> -> memref<10000xi32, #tpu.memory_space<hbm>>
    tpu.enqueue_dma source(%dma_start3A_4 : memref<10000xi32, #tpu.memory_space<hbm>>) target(%arg6 : memref<10000xi32, #tpu.memory_space<vmem>>) target_semaphore(%arg14 : memref<!tpu.dma_semaphore, #tpu.memory_space<semaphore_mem>>)
    %scan3A = arith.constant 0 : i32
    %scan3A_5 = arith.constant 80 : i32
    %scan3A_6 = arith.addi %scan3A, %scan3A_5 : i32
    %scan3A_7 = arith.constant 4 : i32
    scf.for %scan3A_78 = %scan3A to %scan3A_6 step %scan3A_7  : i32 {
      %mul3A_79 = arith.constant 1 : i32
      %mul3A_80 = arith.muli %scan3A_78, %mul3A_79 : i32
      %add3A_81 = arith.constant 0 : i32
      %add3A_82 = arith.addi %add3A_81, %mul3A_80 : i32
      %scan3A_83 = arith.constant 0 : i32
      %scan3A_84 = arith.constant 8 : i32
      %scan3A_85 = arith.addi %scan3A_83, %scan3A_84 : i32
      %scan3A_86 = arith.constant 1 : i32
      scf.for %scan3A_121 = %scan3A_83 to %scan3A_85 step %scan3A_86  : i32 {
        %mul3A_122 = arith.constant 1 : i32
        %mul3A_123 = arith.muli %scan3A_121, %mul3A_122 : i32
        %add3A_124 = arith.constant 0 : i32
        %add3A_125 = arith.addi %add3A_124, %mul3A_123 : i32
        %mul3A_126 = arith.constant 16 : i32
        %mul3A_127 = arith.muli %add3A_125, %mul3A_126 : i32
        %swap3A = arith.index_cast %add3A_82 : i32 to index
        %swap3A_128 = arith.index_cast %mul3A_127 : i32 to index
        %swap3A_129 = tpu.vector_load %arg10[%swap3A, %swap3A_128] {strides = array<i32>} : memref<80x128xf32, #tpu.memory_space<vmem>>, vector<16xf32>,
        tpu.vector_store %arg10[%swap3A, %swap3A_128], %broadcast_in_dim3A_1 {strides = array<i32>} : memref<80x128xf32, #tpu.memory_space<vmem>>, vector<16xf32>,
      }
      %scan3A_87 = arith.constant 8 : i32
      %scan3A_88 = arith.constant 1 : i32
      %scan3A_89 = arith.addi %scan3A_78, %scan3A_88 : i32
      %mul3A_90 = arith.constant 1 : i32
      %mul3A_91 = arith.muli %scan3A_89, %mul3A_90 : i32
      %add3A_92 = arith.constant 0 : i32
      %add3A_93 = arith.addi %add3A_92, %mul3A_91 : i32
      %scan3A_94 = arith.constant 0 : i32
      %scan3A_95 = arith.constant 8 : i32
      %scan3A_96 = arith.addi %scan3A_94, %scan3A_95 : i32
      %scan3A_97 = arith.constant 1 : i32
      scf.for %scan3A_121 = %scan3A_94 to %scan3A_96 step %scan3A_97  : i32 {
        %mul3A_122 = arith.constant 1 : i32
        %mul3A_123 = arith.muli %scan3A_121, %mul3A_122 : i32
        %add3A_124 = arith.constant 0 : i32
        %add3A_125 = arith.addi %add3A_124, %mul3A_123 : i32
        %mul3A_126 = arith.constant 16 : i32
        %mul3A_127 = arith.muli %add3A_125, %mul3A_126 : i32
        %swap3A = arith.index_cast %add3A_93 : i32 to index
        %swap3A_128 = arith.index_cast %mul3A_127 : i32 to index
        %swap3A_129 = tpu.vector_load %arg10[%swap3A, %swap3A_128] {strides = array<i32>} : memref<80x128xf32, #tpu.memory_space<vmem>>, vector<16xf32>,
        tpu.vector_store %arg10[%swap3A, %swap3A_128], %broadcast_in_dim3A_1 {strides = array<i32>} : memref<80x128xf32, #tpu.memory_space<vmem>>, vector<16xf32>,
      }
      %scan3A_98 = arith.constant 8 : i32
      %scan3A_99 = arith.constant 2 : i32
      %scan3A_100 = arith.addi %scan3A_78, %scan3A_99 : i32
      %mul3A_101 = arith.constant 1 : i32
      %mul3A_102 = arith.muli %scan3A_100, %mul3A_101 : i32
      %add3A_103 = arith.constant 0 : i32
      %add3A_104 = arith.addi %add3A_103, %mul3A_102 : i32
      %scan3A_105 = arith.constant 0 : i32
      %scan3A_106 = arith.constant 8 : i32
      %scan3A_107 = arith.addi %scan3A_105, %scan3A_106 : i32
      %scan3A_108 = arith.constant 1 : i32
      scf.for %scan3A_121 = %scan3A_105 to %scan3A_107 step %scan3A_108  : i32 {
        %mul3A_122 = arith.constant 1 : i32
        %mul3A_123 = arith.muli %scan3A_121, %mul3A_122 : i32
        %add3A_124 = arith.constant 0 : i32
        %add3A_125 = arith.addi %add3A_124, %mul3A_123 : i32
        %mul3A_126 = arith.constant 16 : i32
        %mul3A_127 = arith.muli %add3A_125, %mul3A_126 : i32
        %swap3A = arith.index_cast %add3A_104 : i32 to index
        %swap3A_128 = arith.index_cast %mul3A_127 : i32 to index
        %swap3A_129 = tpu.vector_load %arg10[%swap3A, %swap3A_128] {strides = array<i32>} : memref<80x128xf32, #tpu.memory_space<vmem>>, vector<16xf32>,
        tpu.vector_store %arg10[%swap3A, %swap3A_128], %broadcast_in_dim3A_1 {strides = array<i32>} : memref<80x128xf32, #tpu.memory_space<vmem>>, vector<16xf32>,
      }
      %scan3A_109 = arith.constant 8 : i32
      %scan3A_110 = arith.constant 3 : i32
      %scan3A_111 = arith.addi %scan3A_78, %scan3A_110 : i32
      %mul3A_112 = arith.constant 1 : i32
      %mul3A_113 = arith.muli %scan3A_111, %mul3A_112 : i32
      %add3A_114 = arith.constant 0 : i32
      %add3A_115 = arith.addi %add3A_114, %mul3A_113 : i32
      %scan3A_116 = arith.constant 0 : i32
      %scan3A_117 = arith.constant 8 : i32
      %scan3A_118 = arith.addi %scan3A_116, %scan3A_117 : i32
      %scan3A_119 = arith.constant 1 : i32
      scf.for %scan3A_121 = %scan3A_116 to %scan3A_118 step %scan3A_119  : i32 {
        %mul3A_122 = arith.constant 1 : i32
        %mul3A_123 = arith.muli %scan3A_121, %mul3A_122 : i32
        %add3A_124 = arith.constant 0 : i32
        %add3A_125 = arith.addi %add3A_124, %mul3A_123 : i32
        %mul3A_126 = arith.constant 16 : i32
        %mul3A_127 = arith.muli %add3A_125, %mul3A_126 : i32
        %swap3A = arith.index_cast %add3A_115 : i32 to index
        %swap3A_128 = arith.index_cast %mul3A_127 : i32 to index
        %swap3A_129 = tpu.vector_load %arg10[%swap3A, %swap3A_128] {strides = array<i32>} : memref<80x128xf32, #tpu.memory_space<vmem>>, vector<16xf32>,
        tpu.vector_store %arg10[%swap3A, %swap3A_128], %broadcast_in_dim3A_1 {strides = array<i32>} : memref<80x128xf32, #tpu.memory_space<vmem>>, vector<16xf32>,
      }
      %scan3A_120 = arith.constant 8 : i32
    }
    %scan3A_8 = arith.constant 80 : i32
    %scan3A_9 = arith.constant 0 : i32
    %scan3A_10 = arith.constant 8 : i32
    %scan3A_11 = arith.addi %scan3A_9, %scan3A_10 : i32
    %scan3A_12 = arith.constant 1 : i32
    scf.for %scan3A_78 = %scan3A_9 to %scan3A_11 step %scan3A_12  : i32 {
      %mul3A_79 = arith.constant 1 : i32
      %mul3A_80 = arith.muli %scan3A_78, %mul3A_79 : i32
      %add3A_81 = arith.constant 0 : i32
      %add3A_82 = arith.addi %add3A_81, %mul3A_80 : i32
      %mul3A_83 = arith.constant 640 : i32
      %mul3A_84 = arith.muli %arg1, %mul3A_83 : i32
      %mul3A_85 = arith.constant 80 : i32
      %mul3A_86 = arith.muli %add3A_82, %mul3A_85 : i32
      %add3A_87 = arith.addi %mul3A_84, %mul3A_86 : i32
      "tpu.region"() ({
        %run_scoped3A = tpu.sem_alloc : memref<!tpu.dma_semaphore, #tpu.memory_space<semaphore_mem>>
        %dma_start3A_88 = arith.constant 0 : i32
        %dma_start3A_89 = tpu.memref_slice %arg13[%add3A_87, %dma_start3A_88] : memref<10240x128xf32, #tpu.memory_space<vmem_shared>> -> memref<80x128xf32, #tpu.memory_space<vmem_shared>>
        %dma_start3A_90 = arith.constant 0 : i32
        %dma_start3A_91 = tpu.memref_slice %arg13[%add3A_87, %dma_start3A_90] : memref<10240x128xf32, #tpu.memory_space<vmem_shared>> -> memref<80x128xf32, #tpu.memory_space<vmem_shared>>
        tpu.enqueue_dma source(%arg10 : memref<80x128xf32, #tpu.memory_space<vmem>>) target(%dma_start3A_91 : memref<80x128xf32, #tpu.memory_space<vmem_shared>>) target_semaphore(%run_scoped3A : memref<!tpu.dma_semaphore, #tpu.memory_space<semaphore_mem>>)
        %dma_wait3A_92 = arith.constant 0 : i32
        %dma_wait3A_93 = tpu.memref_slice %arg13[%add3A_87, %dma_wait3A_92] : memref<10240x128xf32, #tpu.memory_space<vmem_shared>> -> memref<80x128xf32, #tpu.memory_space<vmem_shared>>
        %dma_wait3A_94 = arith.constant 0 : i32
        %dma_wait3A_95 = tpu.memref_slice %arg13[%add3A_87, %dma_wait3A_94] : memref<10240x128xf32, #tpu.memory_space<vmem_shared>> -> memref<80x128xf32, #tpu.memory_space<vmem_shared>>
        tpu.wait_dma2 semaphore(%run_scoped3A : memref<!tpu.dma_semaphore, #tpu.memory_space<semaphore_mem>>) src(%arg10 : memref<80x128xf32, #tpu.memory_space<vmem>>) dst(%dma_wait3A_95 : memref<80x128xf32, #tpu.memory_space<vmem_shared>>)
        tpu.yield
      }) : () -> ()
    }
    %scan3A_13 = arith.constant 8 : i32
    %dma_wait3A = tpu.memref_slice %arg3[%mul3A_3] : memref<320000xi32, #tpu.memory_space<hbm>> -> memref<10000xi32, #tpu.memory_space<hbm>>
    %dma_wait3A_14 = tpu.memref_slice %arg3[%mul3A_3] : memref<320000xi32, #tpu.memory_space<hbm>> -> memref<10000xi32, #tpu.memory_space<hbm>>
    tpu.wait_dma2 semaphore(%arg14 : memref<!tpu.dma_semaphore, #tpu.memory_space<semaphore_mem>>) src(%dma_wait3A_14 : memref<10000xi32, #tpu.memory_space<hbm>>) dst(%arg6 : memref<10000xi32, #tpu.memory_space<vmem>>)
    %dma_start3A_15 = arith.constant 0 : i32
    %dma_start3A_16 = tpu.memref_slice %arg6[%dma_start3A_15] : memref<10000xi32, #tpu.memory_space<vmem>> -> memref<80xi32, #tpu.memory_space<vmem>>
    %dma_start3A_17 = arith.constant 0 : i32
    %dma_start3A_18 = arith.constant 0 : i32
    %dma_start3A_19 = tpu.memref_slice %arg2[%dma_start3A_17, %dma_start3A_18] : memref<10000x128xf32, #tpu.memory_space<hbm>> -> memref<10000x128xf32, #tpu.memory_space<hbm>>
    tpu.enqueue_indirect_dma source(%dma_start3A_19 : memref<10000x128xf32, #tpu.memory_space<hbm>>) target(%arg10 : memref<80x128xf32, #tpu.memory_space<vmem>>) offsets(%dma_start3A_16 : memref<80xi32, #tpu.memory_space<vmem>>) semaphore(%arg14 : memref<!tpu.dma_semaphore, #tpu.memory_space<semaphore_mem>>)
    %mul3A_20 = arith.constant 10000 : i32
    %mul3A_21 = arith.muli %add3A, %mul3A_20 : i32
    %add3A_22 = arith.constant 0 : i32
    %add3A_23 = arith.addi %mul3A_21, %add3A_22 : i32
    %dma_start3A_24 = tpu.memref_slice %arg4[%add3A_23] : memref<320000xi32, #tpu.memory_space<hbm>> -> memref<80xi32, #tpu.memory_space<hbm>>
    %dma_start3A_25 = tpu.memref_slice %arg4[%add3A_23] : memref<320000xi32, #tpu.memory_space<hbm>> -> memref<80xi32, #tpu.memory_space<hbm>>
    tpu.enqueue_dma source(%dma_start3A_25 : memref<80xi32, #tpu.memory_space<hbm>>) target(%arg7 : memref<80xi32, #tpu.memory_space<vmem>>) target_semaphore(%arg14 : memref<!tpu.dma_semaphore, #tpu.memory_space<semaphore_mem>>)
    %dma_start3A_26 = arith.constant 80 : i32
    %dma_start3A_27 = tpu.memref_slice %arg6[%dma_start3A_26] : memref<10000xi32, #tpu.memory_space<vmem>> -> memref<80xi32, #tpu.memory_space<vmem>>
    %dma_start3A_28 = arith.constant 0 : i32
    %dma_start3A_29 = arith.constant 0 : i32
    %dma_start3A_30 = tpu.memref_slice %arg2[%dma_start3A_28, %dma_start3A_29] : memref<10000x128xf32, #tpu.memory_space<hbm>> -> memref<10000x128xf32, #tpu.memory_space<hbm>>
    tpu.enqueue_indirect_dma source(%dma_start3A_30 : memref<10000x128xf32, #tpu.memory_space<hbm>>) target(%arg11 : memref<80x128xf32, #tpu.memory_space<vmem>>) offsets(%dma_start3A_27 : memref<80xi32, #tpu.memory_space<vmem>>) semaphore(%arg15 : memref<!tpu.dma_semaphore, #tpu.memory_space<semaphore_mem>>)
    %mul3A_31 = arith.constant 10000 : i32
    %mul3A_32 = arith.muli %add3A, %mul3A_31 : i32
    %add3A_33 = arith.constant 80 : i32
    %add3A_34 = arith.addi %mul3A_32, %add3A_33 : i32
    %dma_start3A_35 = tpu.memref_slice %arg4[%add3A_34] : memref<320000xi32, #tpu.memory_space<hbm>> -> memref<80xi32, #tpu.memory_space<hbm>>
    %dma_start3A_36 = tpu.memref_slice %arg4[%add3A_34] : memref<320000xi32, #tpu.memory_space<hbm>> -> memref<80xi32, #tpu.memory_space<hbm>>
    tpu.enqueue_dma source(%dma_start3A_36 : memref<80xi32, #tpu.memory_space<hbm>>) target(%arg8 : memref<80xi32, #tpu.memory_space<vmem>>) target_semaphore(%arg15 : memref<!tpu.dma_semaphore, #tpu.memory_space<semaphore_mem>>)
    %dma_start3A_37 = arith.constant 160 : i32
    %dma_start3A_38 = tpu.memref_slice %arg6[%dma_start3A_37] : memref<10000xi32, #tpu.memory_space<vmem>> -> memref<80xi32, #tpu.memory_space<vmem>>
    %dma_start3A_39 = arith.constant 0 : i32
    %dma_start3A_40 = arith.constant 0 : i32
    %dma_start3A_41 = tpu.memref_slice %arg2[%dma_start3A_39, %dma_start3A_40] : memref<10000x128xf32, #tpu.memory_space<hbm>> -> memref<10000x128xf32, #tpu.memory_space<hbm>>
    tpu.enqueue_indirect_dma source(%dma_start3A_41 : memref<10000x128xf32, #tpu.memory_space<hbm>>) target(%arg12 : memref<80x128xf32, #tpu.memory_space<vmem>>) offsets(%dma_start3A_38 : memref<80xi32, #tpu.memory_space<vmem>>) semaphore(%arg16 : memref<!tpu.dma_semaphore, #tpu.memory_space<semaphore_mem>>)
    %mul3A_42 = arith.constant 10000 : i32
    %mul3A_43 = arith.muli %add3A, %mul3A_42 : i32
    %add3A_44 = arith.constant 160 : i32
    %add3A_45 = arith.addi %mul3A_43, %add3A_44 : i32
    %dma_start3A_46 = tpu.memref_slice %arg4[%add3A_45] : memref<320000xi32, #tpu.memory_space<hbm>> -> memref<80xi32, #tpu.memory_space<hbm>>
    %dma_start3A_47 = tpu.memref_slice %arg4[%add3A_45] : memref<320000xi32, #tpu.memory_space<hbm>> -> memref<80xi32, #tpu.memory_space<hbm>>
    tpu.enqueue_dma source(%dma_start3A_47 : memref<80xi32, #tpu.memory_space<hbm>>) target(%arg9 : memref<80xi32, #tpu.memory_space<vmem>>) target_semaphore(%arg16 : memref<!tpu.dma_semaphore, #tpu.memory_space<semaphore_mem>>)
    %barrier3A = arith.constant 0 : index
    tpu.barrier barrier_id(%barrier3A)
    %scan3A_48 = arith.constant 0 : i32
    %scan3A_49 = arith.constant 41 : i32
    %scan3A_50 = arith.addi %scan3A_48, %scan3A_49 : i32
    %scan3A_51 = arith.constant 1 : i32
    scf.for %scan3A_78 = %scan3A_48 to %scan3A_50 step %scan3A_51  : i32 {
      %mul3A_79 = arith.constant 1 : i32
      %mul3A_80 = arith.muli %scan3A_78, %mul3A_79 : i32
      %add3A_81 = arith.constant 0 : i32
      %add3A_82 = arith.addi %add3A_81, %mul3A_80 : i32
      %mul3A_83 = arith.constant 3 : i32
      %mul3A_84 = arith.muli %add3A_82, %mul3A_83 : i32
      %add3A_85 = arith.constant 0 : i32
      %add3A_86 = arith.addi %mul3A_84, %add3A_85 : i32
      %dma_wait3A_87 = arith.constant 0 : i32
      %dma_wait3A_88 = arith.constant 0 : i32
      %dma_wait3A_89 = tpu.memref_slice %arg2[%dma_wait3A_87, %dma_wait3A_88] : memref<10000x128xf32, #tpu.memory_space<hbm>> -> memref<80x128xf32, #tpu.memory_space<hbm>>
      %dma_wait3A_90 = arith.constant 0 : i32
      %dma_wait3A_91 = arith.constant 0 : i32
      %dma_wait3A_92 = tpu.memref_slice %arg2[%dma_wait3A_90, %dma_wait3A_91] : memref<10000x128xf32, #tpu.memory_space<hbm>> -> memref<80x128xf32, #tpu.memory_space<hbm>>
      tpu.wait_dma2 semaphore(%arg14 : memref<!tpu.dma_semaphore, #tpu.memory_space<semaphore_mem>>) src(%dma_wait3A_92 : memref<80x128xf32, #tpu.memory_space<hbm>>) dst(%arg10 : memref<80x128xf32, #tpu.memory_space<vmem>>)
      %dma_wait3A_93 = arith.constant 0 : i32
      %dma_wait3A_94 = tpu.memref_slice %arg4[%dma_wait3A_93] : memref<320000xi32, #tpu.memory_space<hbm>> -> memref<80xi32, #tpu.memory_space<hbm>>
      %dma_wait3A_95 = arith.constant 0 : i32
      %dma_wait3A_96 = tpu.memref_slice %arg4[%dma_wait3A_95] : memref<320000xi32, #tpu.memory_space<hbm>> -> memref<80xi32, #tpu.memory_space<hbm>>
      tpu.wait_dma2 semaphore(%arg14 : memref<!tpu.dma_semaphore, #tpu.memory_space<semaphore_mem>>) src(%dma_wait3A_96 : memref<80xi32, #tpu.memory_space<hbm>>) dst(%arg7 : memref<80xi32, #tpu.memory_space<vmem>>)
      "tpu.region"() ({
        %run_scoped3A = tpu.sem_alloc : memref<!tpu.dma_semaphore, #tpu.memory_space<semaphore_mem>>
        %dma_start3A_139 = arith.constant 0 : i32
        %dma_start3A_140 = arith.constant 0 : i32
        %dma_start3A_141 = tpu.memref_slice %arg13[%dma_start3A_139, %dma_start3A_140] : memref<10240x128xf32, #tpu.memory_space<vmem_shared>> -> memref<10240x128xf32, #tpu.memory_space<vmem_shared>>
        tpu.enqueue_indirect_dma source(%arg10 : memref<80x128xf32, #tpu.memory_space<vmem>>) target(%dma_start3A_141 : memref<10240x128xf32, #tpu.memory_space<vmem_shared>>) offsets(%arg7 : memref<80xi32, #tpu.memory_space<vmem>>) semaphore(%run_scoped3A : memref<!tpu.dma_semaphore, #tpu.memory_space<semaphore_mem>>) {add = true}
        %dma_wait3A_142 = arith.constant 0 : i32
        %dma_wait3A_143 = arith.constant 0 : i32
        %dma_wait3A_144 = tpu.memref_slice %arg13[%dma_wait3A_142, %dma_wait3A_143] : memref<10240x128xf32, #tpu.memory_space<vmem_shared>> -> memref<10240x128xf32, #tpu.memory_space<vmem_shared>>
        tpu.wait_indirect_dma semaphore(%run_scoped3A : memref<!tpu.dma_semaphore, #tpu.memory_space<semaphore_mem>>) src(%arg10 : memref<80x128xf32, #tpu.memory_space<vmem>>) dst(%dma_wait3A_144 : memref<10240x128xf32, #tpu.memory_space<vmem_shared>>)
        tpu.yield
      }) : () -> ()
      %add3A_97 = arith.constant 3 : i32
      %add3A_98 = arith.addi %add3A_86, %add3A_97 : i32
      %lt3A = arith.constant 125 : i32
      %lt3A_99 = arith.cmpi slt, %add3A_98, %lt3A : i32
      %convert_element_type3A = arith.extui %lt3A_99 : i1 to i32
      %cond3A = arith.constant 0 : i32
      %cond3A_100 = arith.cmpi ne, %convert_element_type3A, %cond3A : i32
      scf.if %cond3A_100 {
        %add3A_139 = arith.constant 3 : i32
        %add3A_140 = arith.addi %add3A_86, %add3A_139 : i32
        %mul3A_141 = arith.constant 80 : i32
        %mul3A_142 = arith.muli %add3A_140, %mul3A_141 : i32
        %dma_start3A_143 = tpu.memref_slice %arg6[%mul3A_142] : memref<10000xi32, #tpu.memory_space<vmem>> -> memref<80xi32, #tpu.memory_space<vmem>>
        %dma_start3A_144 = arith.constant 0 : i32
        %dma_start3A_145 = arith.constant 0 : i32
        %dma_start3A_146 = tpu.memref_slice %arg2[%dma_start3A_144, %dma_start3A_145] : memref<10000x128xf32, #tpu.memory_space<hbm>> -> memref<10000x128xf32, #tpu.memory_space<hbm>>
        tpu.enqueue_indirect_dma source(%dma_start3A_146 : memref<10000x128xf32, #tpu.memory_space<hbm>>) target(%arg10 : memref<80x128xf32, #tpu.memory_space<vmem>>) offsets(%dma_start3A_143 : memref<80xi32, #tpu.memory_space<vmem>>) semaphore(%arg14 : memref<!tpu.dma_semaphore, #tpu.memory_space<semaphore_mem>>)
        %mul3A_147 = arith.constant 10000 : i32
        %mul3A_148 = arith.muli %add3A, %mul3A_147 : i32
        %mul3A_149 = arith.constant 80 : i32
        %mul3A_150 = arith.muli %add3A_140, %mul3A_149 : i32
        %add3A_151 = arith.addi %mul3A_148, %mul3A_150 : i32
        %dma_start3A_152 = tpu.memref_slice %arg4[%add3A_151] : memref<320000xi32, #tpu.memory_space<hbm>> -> memref<80xi32, #tpu.memory_space<hbm>>
        %dma_start3A_153 = tpu.memref_slice %arg4[%add3A_151] : memref<320000xi32, #tpu.memory_space<hbm>> -> memref<80xi32, #tpu.memory_space<hbm>>
        tpu.enqueue_dma source(%dma_start3A_153 : memref<80xi32, #tpu.memory_space<hbm>>) target(%arg7 : memref<80xi32, #tpu.memory_space<vmem>>) target_semaphore(%arg14 : memref<!tpu.dma_semaphore, #tpu.memory_space<semaphore_mem>>)
      } else {
      }
      %add3A_101 = arith.constant 1 : i32
      %add3A_102 = arith.addi %mul3A_84, %add3A_101 : i32
      %dma_wait3A_103 = arith.constant 0 : i32
      %dma_wait3A_104 = arith.constant 0 : i32
      %dma_wait3A_105 = tpu.memref_slice %arg2[%dma_wait3A_103, %dma_wait3A_104] : memref<10000x128xf32, #tpu.memory_space<hbm>> -> memref<80x128xf32, #tpu.memory_space<hbm>>
      %dma_wait3A_106 = arith.constant 0 : i32
      %dma_wait3A_107 = arith.constant 0 : i32
      %dma_wait3A_108 = tpu.memref_slice %arg2[%dma_wait3A_106, %dma_wait3A_107] : memref<10000x128xf32, #tpu.memory_space<hbm>> -> memref<80x128xf32, #tpu.memory_space<hbm>>
      tpu.wait_dma2 semaphore(%arg15 : memref<!tpu.dma_semaphore, #tpu.memory_space<semaphore_mem>>) src(%dma_wait3A_108 : memref<80x128xf32, #tpu.memory_space<hbm>>) dst(%arg11 : memref<80x128xf32, #tpu.memory_space<vmem>>)
      %dma_wait3A_109 = arith.constant 0 : i32
      %dma_wait3A_110 = tpu.memref_slice %arg4[%dma_wait3A_109] : memref<320000xi32, #tpu.memory_space<hbm>> -> memref<80xi32, #tpu.memory_space<hbm>>
      %dma_wait3A_111 = arith.constant 0 : i32
      %dma_wait3A_112 = tpu.memref_slice %arg4[%dma_wait3A_111] : memref<320000xi32, #tpu.memory_space<hbm>> -> memref<80xi32, #tpu.memory_space<hbm>>
      tpu.wait_dma2 semaphore(%arg15 : memref<!tpu.dma_semaphore, #tpu.memory_space<semaphore_mem>>) src(%dma_wait3A_112 : memref<80xi32, #tpu.memory_space<hbm>>) dst(%arg8 : memref<80xi32, #tpu.memory_space<vmem>>)
      "tpu.region"() ({
        %run_scoped3A = tpu.sem_alloc : memref<!tpu.dma_semaphore, #tpu.memory_space<semaphore_mem>>
        %dma_start3A_139 = arith.constant 0 : i32
        %dma_start3A_140 = arith.constant 0 : i32
        %dma_start3A_141 = tpu.memref_slice %arg13[%dma_start3A_139, %dma_start3A_140] : memref<10240x128xf32, #tpu.memory_space<vmem_shared>> -> memref<10240x128xf32, #tpu.memory_space<vmem_shared>>
        tpu.enqueue_indirect_dma source(%arg11 : memref<80x128xf32, #tpu.memory_space<vmem>>) target(%dma_start3A_141 : memref<10240x128xf32, #tpu.memory_space<vmem_shared>>) offsets(%arg8 : memref<80xi32, #tpu.memory_space<vmem>>) semaphore(%run_scoped3A : memref<!tpu.dma_semaphore, #tpu.memory_space<semaphore_mem>>) {add = true}
        %dma_wait3A_142 = arith.constant 0 : i32
        %dma_wait3A_143 = arith.constant 0 : i32
        %dma_wait3A_144 = tpu.memref_slice %arg13[%dma_wait3A_142, %dma_wait3A_143] : memref<10240x128xf32, #tpu.memory_space<vmem_shared>> -> memref<10240x128xf32, #tpu.memory_space<vmem_shared>>
        tpu.wait_indirect_dma semaphore(%run_scoped3A : memref<!tpu.dma_semaphore, #tpu.memory_space<semaphore_mem>>) src(%arg11 : memref<80x128xf32, #tpu.memory_space<vmem>>) dst(%dma_wait3A_144 : memref<10240x128xf32, #tpu.memory_space<vmem_shared>>)
        tpu.yield
      }) : () -> ()
      %add3A_113 = arith.constant 3 : i32
      %add3A_114 = arith.addi %add3A_102, %add3A_113 : i32
      %lt3A_115 = arith.constant 125 : i32
      %lt3A_116 = arith.cmpi slt, %add3A_114, %lt3A_115 : i32
      %convert_element_type3A_117 = arith.extui %lt3A_116 : i1 to i32
      %cond3A_118 = arith.constant 0 : i32
      %cond3A_119 = arith.cmpi ne, %convert_element_type3A_117, %cond3A_118 : i32
      scf.if %cond3A_119 {
        %add3A_139 = arith.constant 3 : i32
        %add3A_140 = arith.addi %add3A_102, %add3A_139 : i32
        %mul3A_141 = arith.constant 80 : i32
        %mul3A_142 = arith.muli %add3A_140, %mul3A_141 : i32
        %dma_start3A_143 = tpu.memref_slice %arg6[%mul3A_142] : memref<10000xi32, #tpu.memory_space<vmem>> -> memref<80xi32, #tpu.memory_space<vmem>>
        %dma_start3A_144 = arith.constant 0 : i32
        %dma_start3A_145 = arith.constant 0 : i32
        %dma_start3A_146 = tpu.memref_slice %arg2[%dma_start3A_144, %dma_start3A_145] : memref<10000x128xf32, #tpu.memory_space<hbm>> -> memref<10000x128xf32, #tpu.memory_space<hbm>>
        tpu.enqueue_indirect_dma source(%dma_start3A_146 : memref<10000x128xf32, #tpu.memory_space<hbm>>) target(%arg11 : memref<80x128xf32, #tpu.memory_space<vmem>>) offsets(%dma_start3A_143 : memref<80xi32, #tpu.memory_space<vmem>>) semaphore(%arg15 : memref<!tpu.dma_semaphore, #tpu.memory_space<semaphore_mem>>)
        %mul3A_147 = arith.constant 10000 : i32
        %mul3A_148 = arith.muli %add3A, %mul3A_147 : i32
        %mul3A_149 = arith.constant 80 : i32
        %mul3A_150 = arith.muli %add3A_140, %mul3A_149 : i32
        %add3A_151 = arith.addi %mul3A_148, %mul3A_150 : i32
        %dma_start3A_152 = tpu.memref_slice %arg4[%add3A_151] : memref<320000xi32, #tpu.memory_space<hbm>> -> memref<80xi32, #tpu.memory_space<hbm>>
        %dma_start3A_153 = tpu.memref_slice %arg4[%add3A_151] : memref<320000xi32, #tpu.memory_space<hbm>> -> memref<80xi32, #tpu.memory_space<hbm>>
        tpu.enqueue_dma source(%dma_start3A_153 : memref<80xi32, #tpu.memory_space<hbm>>) target(%arg8 : memref<80xi32, #tpu.memory_space<vmem>>) target_semaphore(%arg15 : memref<!tpu.dma_semaphore, #tpu.memory_space<semaphore_mem>>)
      } else {
      }
      %add3A_120 = arith.constant 2 : i32
      %add3A_121 = arith.addi %mul3A_84, %add3A_120 : i32
      %dma_wait3A_122 = arith.constant 0 : i32
      %dma_wait3A_123 = arith.constant 0 : i32
      %dma_wait3A_124 = tpu.memref_slice %arg2[%dma_wait3A_122, %dma_wait3A_123] : memref<10000x128xf32, #tpu.memory_space<hbm>> -> memref<80x128xf32, #tpu.memory_space<hbm>>
      %dma_wait3A_125 = arith.constant 0 : i32
      %dma_wait3A_126 = arith.constant 0 : i32
      %dma_wait3A_127 = tpu.memref_slice %arg2[%dma_wait3A_125, %dma_wait3A_126] : memref<10000x128xf32, #tpu.memory_space<hbm>> -> memref<80x128xf32, #tpu.memory_space<hbm>>
      tpu.wait_dma2 semaphore(%arg16 : memref<!tpu.dma_semaphore, #tpu.memory_space<semaphore_mem>>) src(%dma_wait3A_127 : memref<80x128xf32, #tpu.memory_space<hbm>>) dst(%arg12 : memref<80x128xf32, #tpu.memory_space<vmem>>)
      %dma_wait3A_128 = arith.constant 0 : i32
      %dma_wait3A_129 = tpu.memref_slice %arg4[%dma_wait3A_128] : memref<320000xi32, #tpu.memory_space<hbm>> -> memref<80xi32, #tpu.memory_space<hbm>>
      %dma_wait3A_130 = arith.constant 0 : i32
      %dma_wait3A_131 = tpu.memref_slice %arg4[%dma_wait3A_130] : memref<320000xi32, #tpu.memory_space<hbm>> -> memref<80xi32, #tpu.memory_space<hbm>>
      tpu.wait_dma2 semaphore(%arg16 : memref<!tpu.dma_semaphore, #tpu.memory_space<semaphore_mem>>) src(%dma_wait3A_131 : memref<80xi32, #tpu.memory_space<hbm>>) dst(%arg9 : memref<80xi32, #tpu.memory_space<vmem>>)
      "tpu.region"() ({
        %run_scoped3A = tpu.sem_alloc : memref<!tpu.dma_semaphore, #tpu.memory_space<semaphore_mem>>
        %dma_start3A_139 = arith.constant 0 : i32
        %dma_start3A_140 = arith.constant 0 : i32
        %dma_start3A_141 = tpu.memref_slice %arg13[%dma_start3A_139, %dma_start3A_140] : memref<10240x128xf32, #tpu.memory_space<vmem_shared>> -> memref<10240x128xf32, #tpu.memory_space<vmem_shared>>
        tpu.enqueue_indirect_dma source(%arg12 : memref<80x128xf32, #tpu.memory_space<vmem>>) target(%dma_start3A_141 : memref<10240x128xf32, #tpu.memory_space<vmem_shared>>) offsets(%arg9 : memref<80xi32, #tpu.memory_space<vmem>>) semaphore(%run_scoped3A : memref<!tpu.dma_semaphore, #tpu.memory_space<semaphore_mem>>) {add = true}
        %dma_wait3A_142 = arith.constant 0 : i32
        %dma_wait3A_143 = arith.constant 0 : i32
        %dma_wait3A_144 = tpu.memref_slice %arg13[%dma_wait3A_142, %dma_wait3A_143] : memref<10240x128xf32, #tpu.memory_space<vmem_shared>> -> memref<10240x128xf32, #tpu.memory_space<vmem_shared>>
        tpu.wait_indirect_dma semaphore(%run_scoped3A : memref<!tpu.dma_semaphore, #tpu.memory_space<semaphore_mem>>) src(%arg12 : memref<80x128xf32, #tpu.memory_space<vmem>>) dst(%dma_wait3A_144 : memref<10240x128xf32, #tpu.memory_space<vmem_shared>>)
        tpu.yield
      }) : () -> ()
      %add3A_132 = arith.constant 3 : i32
      %add3A_133 = arith.addi %add3A_121, %add3A_132 : i32
      %lt3A_134 = arith.constant 125 : i32
      %lt3A_135 = arith.cmpi slt, %add3A_133, %lt3A_134 : i32
      %convert_element_type3A_136 = arith.extui %lt3A_135 : i1 to i32
      %cond3A_137 = arith.constant 0 : i32
      %cond3A_138 = arith.cmpi ne, %convert_element_type3A_136, %cond3A_137 : i32
      scf.if %cond3A_138 {
        %add3A_139 = arith.constant 3 : i32
        %add3A_140 = arith.addi %add3A_121, %add3A_139 : i32
        %mul3A_141 = arith.constant 80 : i32
        %mul3A_142 = arith.muli %add3A_140, %mul3A_141 : i32
        %dma_start3A_143 = tpu.memref_slice %arg6[%mul3A_142] : memref<10000xi32, #tpu.memory_space<vmem>> -> memref<80xi32, #tpu.memory_space<vmem>>
        %dma_start3A_144 = arith.constant 0 : i32
        %dma_start3A_145 = arith.constant 0 : i32
        %dma_start3A_146 = tpu.memref_slice %arg2[%dma_start3A_144, %dma_start3A_145] : memref<10000x128xf32, #tpu.memory_space<hbm>> -> memref<10000x128xf32, #tpu.memory_space<hbm>>
        tpu.enqueue_indirect_dma source(%dma_start3A_146 : memref<10000x128xf32, #tpu.memory_space<hbm>>) target(%arg12 : memref<80x128xf32, #tpu.memory_space<vmem>>) offsets(%dma_start3A_143 : memref<80xi32, #tpu.memory_space<vmem>>) semaphore(%arg16 : memref<!tpu.dma_semaphore, #tpu.memory_space<semaphore_mem>>)
        %mul3A_147 = arith.constant 10000 : i32
        %mul3A_148 = arith.muli %add3A, %mul3A_147 : i32
        %mul3A_149 = arith.constant 80 : i32
        %mul3A_150 = arith.muli %add3A_140, %mul3A_149 : i32
        %add3A_151 = arith.addi %mul3A_148, %mul3A_150 : i32
        %dma_start3A_152 = tpu.memref_slice %arg4[%add3A_151] : memref<320000xi32, #tpu.memory_space<hbm>> -> memref<80xi32, #tpu.memory_space<hbm>>
        %dma_start3A_153 = tpu.memref_slice %arg4[%add3A_151] : memref<320000xi32, #tpu.memory_space<hbm>> -> memref<80xi32, #tpu.memory_space<hbm>>
        tpu.enqueue_dma source(%dma_start3A_153 : memref<80xi32, #tpu.memory_space<hbm>>) target(%arg9 : memref<80xi32, #tpu.memory_space<vmem>>) target_semaphore(%arg16 : memref<!tpu.dma_semaphore, #tpu.memory_space<semaphore_mem>>)
      } else {
      }
    }
    %scan3A_52 = arith.constant 41 : i32
    %dma_wait3A_53 = arith.constant 0 : i32
    %dma_wait3A_54 = arith.constant 0 : i32
    %dma_wait3A_55 = tpu.memref_slice %arg2[%dma_wait3A_53, %dma_wait3A_54] : memref<10000x128xf32, #tpu.memory_space<hbm>> -> memref<80x128xf32, #tpu.memory_space<hbm>>
    %dma_wait3A_56 = arith.constant 0 : i32
    %dma_wait3A_57 = arith.constant 0 : i32
    %dma_wait3A_58 = tpu.memref_slice %arg2[%dma_wait3A_56, %dma_wait3A_57] : memref<10000x128xf32, #tpu.memory_space<hbm>> -> memref<80x128xf32, #tpu.memory_space<hbm>>
    tpu.wait_dma2 semaphore(%arg14 : memref<!tpu.dma_semaphore, #tpu.memory_space<semaphore_mem>>) src(%dma_wait3A_58 : memref<80x128xf32, #tpu.memory_space<hbm>>) dst(%arg10 : memref<80x128xf32, #tpu.memory_space<vmem>>)
    %dma_wait3A_59 = arith.constant 0 : i32
    %dma_wait3A_60 = tpu.memref_slice %arg4[%dma_wait3A_59] : memref<320000xi32, #tpu.memory_space<hbm>> -> memref<80xi32, #tpu.memory_space<hbm>>
    %dma_wait3A_61 = arith.constant 0 : i32
    %dma_wait3A_62 = tpu.memref_slice %arg4[%dma_wait3A_61] : memref<320000xi32, #tpu.memory_space<hbm>> -> memref<80xi32, #tpu.memory_space<hbm>>
    tpu.wait_dma2 semaphore(%arg14 : memref<!tpu.dma_semaphore, #tpu.memory_space<semaphore_mem>>) src(%dma_wait3A_62 : memref<80xi32, #tpu.memory_space<hbm>>) dst(%arg7 : memref<80xi32, #tpu.memory_space<vmem>>)
    "tpu.region"() ({
      %run_scoped3A = tpu.sem_alloc : memref<!tpu.dma_semaphore, #tpu.memory_space<semaphore_mem>>
      %dma_start3A_78 = arith.constant 0 : i32
      %dma_start3A_79 = arith.constant 0 : i32
      %dma_start3A_80 = tpu.memref_slice %arg13[%dma_start3A_78, %dma_start3A_79] : memref<10240x128xf32, #tpu.memory_space<vmem_shared>> -> memref<10240x128xf32, #tpu.memory_space<vmem_shared>>
      tpu.enqueue_indirect_dma source(%arg10 : memref<80x128xf32, #tpu.memory_space<vmem>>) target(%dma_start3A_80 : memref<10240x128xf32, #tpu.memory_space<vmem_shared>>) offsets(%arg7 : memref<80xi32, #tpu.memory_space<vmem>>) semaphore(%run_scoped3A : memref<!tpu.dma_semaphore, #tpu.memory_space<semaphore_mem>>) {add = true}
      %dma_wait3A_81 = arith.constant 0 : i32
      %dma_wait3A_82 = arith.constant 0 : i32
      %dma_wait3A_83 = tpu.memref_slice %arg13[%dma_wait3A_81, %dma_wait3A_82] : memref<10240x128xf32, #tpu.memory_space<vmem_shared>> -> memref<10240x128xf32, #tpu.memory_space<vmem_shared>>
      tpu.wait_indirect_dma semaphore(%run_scoped3A : memref<!tpu.dma_semaphore, #tpu.memory_space<semaphore_mem>>) src(%arg10 : memref<80x128xf32, #tpu.memory_space<vmem>>) dst(%dma_wait3A_83 : memref<10240x128xf32, #tpu.memory_space<vmem_shared>>)
      tpu.yield
    }) : () -> ()
    %dma_wait3A_63 = arith.constant 0 : i32
    %dma_wait3A_64 = arith.constant 0 : i32
    %dma_wait3A_65 = tpu.memref_slice %arg2[%dma_wait3A_63, %dma_wait3A_64] : memref<10000x128xf32, #tpu.memory_space<hbm>> -> memref<80x128xf32, #tpu.memory_space<hbm>>
    %dma_wait3A_66 = arith.constant 0 : i32
    %dma_wait3A_67 = arith.constant 0 : i32
    %dma_wait3A_68 = tpu.memref_slice %arg2[%dma_wait3A_66, %dma_wait3A_67] : memref<10000x128xf32, #tpu.memory_space<hbm>> -> memref<80x128xf32, #tpu.memory_space<hbm>>
    tpu.wait_dma2 semaphore(%arg15 : memref<!tpu.dma_semaphore, #tpu.memory_space<semaphore_mem>>) src(%dma_wait3A_68 : memref<80x128xf32, #tpu.memory_space<hbm>>) dst(%arg11 : memref<80x128xf32, #tpu.memory_space<vmem>>)
    %dma_wait3A_69 = arith.constant 0 : i32
    %dma_wait3A_70 = tpu.memref_slice %arg4[%dma_wait3A_69] : memref<320000xi32, #tpu.memory_space<hbm>> -> memref<80xi32, #tpu.memory_space<hbm>>
    %dma_wait3A_71 = arith.constant 0 : i32
    %dma_wait3A_72 = tpu.memref_slice %arg4[%dma_wait3A_71] : memref<320000xi32, #tpu.memory_space<hbm>> -> memref<80xi32, #tpu.memory_space<hbm>>
    tpu.wait_dma2 semaphore(%arg15 : memref<!tpu.dma_semaphore, #tpu.memory_space<semaphore_mem>>) src(%dma_wait3A_72 : memref<80xi32, #tpu.memory_space<hbm>>) dst(%arg8 : memref<80xi32, #tpu.memory_space<vmem>>)
    "tpu.region"() ({
      %run_scoped3A = tpu.sem_alloc : memref<!tpu.dma_semaphore, #tpu.memory_space<semaphore_mem>>
      %dma_start3A_78 = arith.constant 0 : i32
      %dma_start3A_79 = arith.constant 0 : i32
      %dma_start3A_80 = tpu.memref_slice %arg13[%dma_start3A_78, %dma_start3A_79] : memref<10240x128xf32, #tpu.memory_space<vmem_shared>> -> memref<10240x128xf32, #tpu.memory_space<vmem_shared>>
      tpu.enqueue_indirect_dma source(%arg11 : memref<80x128xf32, #tpu.memory_space<vmem>>) target(%dma_start3A_80 : memref<10240x128xf32, #tpu.memory_space<vmem_shared>>) offsets(%arg8 : memref<80xi32, #tpu.memory_space<vmem>>) semaphore(%run_scoped3A : memref<!tpu.dma_semaphore, #tpu.memory_space<semaphore_mem>>) {add = true}
      %dma_wait3A_81 = arith.constant 0 : i32
      %dma_wait3A_82 = arith.constant 0 : i32
      %dma_wait3A_83 = tpu.memref_slice %arg13[%dma_wait3A_81, %dma_wait3A_82] : memref<10240x128xf32, #tpu.memory_space<vmem_shared>> -> memref<10240x128xf32, #tpu.memory_space<vmem_shared>>
      tpu.wait_indirect_dma semaphore(%run_scoped3A : memref<!tpu.dma_semaphore, #tpu.memory_space<semaphore_mem>>) src(%arg11 : memref<80x128xf32, #tpu.memory_space<vmem>>) dst(%dma_wait3A_83 : memref<10240x128xf32, #tpu.memory_space<vmem_shared>>)
      tpu.yield
    }) : () -> ()
    %barrier3A_73 = arith.constant 0 : index
    tpu.barrier barrier_id(%barrier3A_73)
    %mul3A_74 = arith.constant 640 : i32
    %mul3A_75 = arith.muli %arg1, %mul3A_74 : i32
    %mul3A_76 = arith.constant 640 : i32
    %mul3A_77 = arith.muli %arg1, %mul3A_76 : i32
    "tpu.region"() ({
      %run_scoped3A = tpu.sem_alloc : memref<!tpu.dma_semaphore, #tpu.memory_space<semaphore_mem>>
      %dma_start3A_78 = arith.constant 0 : i32
      %dma_start3A_79 = tpu.memref_slice %arg5[%arg0, %mul3A_77, %dma_start3A_78] : memref<2x10240x128xf32, #tpu.memory_space<hbm>> -> memref<1x640x128xf32, #tpu.memory_space<hbm>>
      %dma_start3A_80 = tpu.memref_squeeze %dma_start3A_79 : memref<1x640x128xf32, #tpu.memory_space<hbm>> -> memref<640x128xf32, #tpu.memory_space<hbm>>
      %dma_start3A_81 = arith.constant 0 : i32
      %dma_start3A_82 = tpu.memref_slice %arg13[%mul3A_75, %dma_start3A_81] : memref<10240x128xf32, #tpu.memory_space<vmem_shared>> -> memref<640x128xf32, #tpu.memory_space<vmem_shared>>
      tpu.enqueue_dma source(%dma_start3A_82 : memref<640x128xf32, #tpu.memory_space<vmem_shared>>) target(%dma_start3A_80 : memref<640x128xf32, #tpu.memory_space<hbm>>) target_semaphore(%run_scoped3A : memref<!tpu.dma_semaphore, #tpu.memory_space<semaphore_mem>>)
      %dma_wait3A_83 = arith.constant 0 : i32
      %dma_wait3A_84 = tpu.memref_slice %arg5[%arg0, %mul3A_77, %dma_wait3A_83] : memref<2x10240x128xf32, #tpu.memory_space<hbm>> -> memref<1x640x128xf32, #tpu.memory_space<hbm>>
      %dma_wait3A_85 = tpu.memref_squeeze %dma_wait3A_84 : memref<1x640x128xf32, #tpu.memory_space<hbm>> -> memref<640x128xf32, #tpu.memory_space<hbm>>
      %dma_wait3A_86 = arith.constant 0 : i32
      %dma_wait3A_87 = tpu.memref_slice %arg13[%mul3A_75, %dma_wait3A_86] : memref<10240x128xf32, #tpu.memory_space<vmem_shared>> -> memref<640x128xf32, #tpu.memory_space<vmem_shared>>
      tpu.wait_dma2 semaphore(%run_scoped3A : memref<!tpu.dma_semaphore, #tpu.memory_space<semaphore_mem>>) src(%dma_wait3A_87 : memref<640x128xf32, #tpu.memory_space<vmem_shared>>) dst(%dma_wait3A_85 : memref<640x128xf32, #tpu.memory_space<hbm>>)
      tpu.yield
    }) : () -> ()
    return
  }
}

#map = affine_map<(d0, d1) -> (0, 0)>
#map1 = affine_map<(d0, d1) -> (0)>
#map2 = affine_map<(d0, d1) -> (0, 0, 0)>
module attributes {stable_mosaic.version = 14 : i64} {
  func.func @_agg_body(%arg0: i32, %arg1: i32, %arg2: memref<10000x128xf32, #tpu.memory_space<hbm>>, %arg3: memref<320000xi32, #tpu.memory_space<hbm>>, %arg4: memref<320000xi32, #tpu.memory_space<hbm>>, %arg5: memref<2x10240x128xf32, #tpu.memory_space<hbm>>, %arg6: memref<10000xi32, #tpu.memory_space<vmem>>, %arg7: memref<80xi32, #tpu.memory_space<vmem>>, %arg8: memref<80xi32, #tpu.memory_space<vmem>>, %arg9: memref<80xi32, #tpu.memory_space<vmem>>, %arg10: memref<80x128xf32, #tpu.memory_space<vmem>>, %arg11: memref<80x128xf32, #tpu.memory_space<vmem>>, %arg12: memref<80x128xf32, #tpu.memory_space<vmem>>, %arg13: memref<10240x128xf32, #tpu.memory_space<vmem_shared>>, %arg14: memref<!tpu.dma_semaphore, #tpu.memory_space<semaphore_mem>>, %arg15: memref<!tpu.dma_semaphore, #tpu.memory_space<semaphore_mem>>, %arg16: memref<!tpu.dma_semaphore, #tpu.memory_space<semaphore_mem>>) attributes {dimension_semantics = [#tpu.dimension_semantics<core_parallel>, #tpu.dimension_semantics<subcore_parallel>], iteration_bounds = array<i64: 2, 16>, scalar_prefetch = 0 : i64, scratch_operands = 11 : i64, tpu.core_type = #tpu.core_type<sc_vector_subcore>, window_params = [{transform_indices = #map}, {transform_indices = #map1}, {transform_indices = #map1}, {transform_indices = #map2}]} {
    %mul3A = arith.constant 16 : i32
    %mul3A_0 = arith.muli %arg0, %mul3A : i32
    %add3A = arith.addi %mul3A_0, %arg1 : i32
    %broadcast_in_dim3A = arith.constant 0.000000e+00 : f32
    %broadcast_in_dim3A_1 = vector.broadcast %broadcast_in_dim3A : f32 to vector<16xf32>
    %mul3A_2 = arith.constant 10000 : i32
    %mul3A_3 = arith.muli %add3A, %mul3A_2 : i32
    %dma_start3A = tpu.memref_slice %arg3[%mul3A_3] : memref<320000xi32, #tpu.memory_space<hbm>> -> memref<10000xi32, #tpu.memory_space<hbm>>
    %dma_start3A_4 = tpu.memref_slice %arg3[%mul3A_3] : memref<320000xi32, #tpu.memory_space<hbm>> -> memref<10000xi32, #tpu.memory_space<hbm>>
    tpu.enqueue_dma source(%dma_start3A_4 : memref<10000xi32, #tpu.memory_space<hbm>>) target(%arg6 : memref<10000xi32, #tpu.memory_space<vmem>>) target_semaphore(%arg14 : memref<!tpu.dma_semaphore, #tpu.memory_space<semaphore_mem>>)
    %scan3A = arith.constant 0 : i32
    %scan3A_5 = arith.constant 80 : i32
    %scan3A_6 = arith.addi %scan3A, %scan3A_5 : i32
    %scan3A_7 = arith.constant 4 : i32
    scf.for %scan3A_78 = %scan3A to %scan3A_6 step %scan3A_7  : i32 {
      %mul3A_79 = arith.constant 1 : i32
      %mul3A_80 = arith.muli %scan3A_78, %mul3A_79 : i32
      %add3A_81 = arith.constant 0 : i32
      %add3A_82 = arith.addi %add3A_81, %mul3A_80 : i32
      %scan3A_83 = arith.constant 0 : i32
      %scan3A_84 = arith.constant 8 : i32
      %scan3A_85 = arith.addi %scan3A_83, %scan3A_84 : i32
      %scan3A_86 = arith.constant 1 : i32
      scf.for %scan3A_121 = %scan3A_83 to %scan3A_85 step %scan3A_86  : i32 {
        %mul3A_122 = arith.constant 1 : i32
        %mul3A_123 = arith.muli %scan3A_121, %mul3A_122 : i32
        %add3A_124 = arith.constant 0 : i32
        %add3A_125 = arith.addi %add3A_124, %mul3A_123 : i32
        %mul3A_126 = arith.constant 16 : i32
        %mul3A_127 = arith.muli %add3A_125, %mul3A_126 : i32
        %swap3A = arith.index_cast %add3A_82 : i32 to index
        %swap3A_128 = arith.index_cast %mul3A_127 : i32 to index
        %swap3A_129 = tpu.vector_load %arg10[%swap3A, %swap3A_128] {strides = array<i32>} : memref<80x128xf32, #tpu.memory_space<vmem>>, vector<16xf32>,
        tpu.vector_store %arg10[%swap3A, %swap3A_128], %broadcast_in_dim3A_1 {strides = array<i32>} : memref<80x128xf32, #tpu.memory_space<vmem>>, vector<16xf32>,
      }
      %scan3A_87 = arith.constant 8 : i32
      %scan3A_88 = arith.constant 1 : i32
      %scan3A_89 = arith.addi %scan3A_78, %scan3A_88 : i32
      %mul3A_90 = arith.constant 1 : i32
      %mul3A_91 = arith.muli %scan3A_89, %mul3A_90 : i32
      %add3A_92 = arith.constant 0 : i32
      %add3A_93 = arith.addi %add3A_92, %mul3A_91 : i32
      %scan3A_94 = arith.constant 0 : i32
      %scan3A_95 = arith.constant 8 : i32
      %scan3A_96 = arith.addi %scan3A_94, %scan3A_95 : i32
      %scan3A_97 = arith.constant 1 : i32
      scf.for %scan3A_121 = %scan3A_94 to %scan3A_96 step %scan3A_97  : i32 {
        %mul3A_122 = arith.constant 1 : i32
        %mul3A_123 = arith.muli %scan3A_121, %mul3A_122 : i32
        %add3A_124 = arith.constant 0 : i32
        %add3A_125 = arith.addi %add3A_124, %mul3A_123 : i32
        %mul3A_126 = arith.constant 16 : i32
        %mul3A_127 = arith.muli %add3A_125, %mul3A_126 : i32
        %swap3A = arith.index_cast %add3A_93 : i32 to index
        %swap3A_128 = arith.index_cast %mul3A_127 : i32 to index
        %swap3A_129 = tpu.vector_load %arg10[%swap3A, %swap3A_128] {strides = array<i32>} : memref<80x128xf32, #tpu.memory_space<vmem>>, vector<16xf32>,
        tpu.vector_store %arg10[%swap3A, %swap3A_128], %broadcast_in_dim3A_1 {strides = array<i32>} : memref<80x128xf32, #tpu.memory_space<vmem>>, vector<16xf32>,
      }
      %scan3A_98 = arith.constant 8 : i32
      %scan3A_99 = arith.constant 2 : i32
      %scan3A_100 = arith.addi %scan3A_78, %scan3A_99 : i32
      %mul3A_101 = arith.constant 1 : i32
      %mul3A_102 = arith.muli %scan3A_100, %mul3A_101 : i32
      %add3A_103 = arith.constant 0 : i32
      %add3A_104 = arith.addi %add3A_103, %mul3A_102 : i32
      %scan3A_105 = arith.constant 0 : i32
      %scan3A_106 = arith.constant 8 : i32
      %scan3A_107 = arith.addi %scan3A_105, %scan3A_106 : i32
      %scan3A_108 = arith.constant 1 : i32
      scf.for %scan3A_121 = %scan3A_105 to %scan3A_107 step %scan3A_108  : i32 {
        %mul3A_122 = arith.constant 1 : i32
        %mul3A_123 = arith.muli %scan3A_121, %mul3A_122 : i32
        %add3A_124 = arith.constant 0 : i32
        %add3A_125 = arith.addi %add3A_124, %mul3A_123 : i32
        %mul3A_126 = arith.constant 16 : i32
        %mul3A_127 = arith.muli %add3A_125, %mul3A_126 : i32
        %swap3A = arith.index_cast %add3A_104 : i32 to index
        %swap3A_128 = arith.index_cast %mul3A_127 : i32 to index
        %swap3A_129 = tpu.vector_load %arg10[%swap3A, %swap3A_128] {strides = array<i32>} : memref<80x128xf32, #tpu.memory_space<vmem>>, vector<16xf32>,
        tpu.vector_store %arg10[%swap3A, %swap3A_128], %broadcast_in_dim3A_1 {strides = array<i32>} : memref<80x128xf32, #tpu.memory_space<vmem>>, vector<16xf32>,
      }
      %scan3A_109 = arith.constant 8 : i32
      %scan3A_110 = arith.constant 3 : i32
      %scan3A_111 = arith.addi %scan3A_78, %scan3A_110 : i32
      %mul3A_112 = arith.constant 1 : i32
      %mul3A_113 = arith.muli %scan3A_111, %mul3A_112 : i32
      %add3A_114 = arith.constant 0 : i32
      %add3A_115 = arith.addi %add3A_114, %mul3A_113 : i32
      %scan3A_116 = arith.constant 0 : i32
      %scan3A_117 = arith.constant 8 : i32
      %scan3A_118 = arith.addi %scan3A_116, %scan3A_117 : i32
      %scan3A_119 = arith.constant 1 : i32
      scf.for %scan3A_121 = %scan3A_116 to %scan3A_118 step %scan3A_119  : i32 {
        %mul3A_122 = arith.constant 1 : i32
        %mul3A_123 = arith.muli %scan3A_121, %mul3A_122 : i32
        %add3A_124 = arith.constant 0 : i32
        %add3A_125 = arith.addi %add3A_124, %mul3A_123 : i32
        %mul3A_126 = arith.constant 16 : i32
        %mul3A_127 = arith.muli %add3A_125, %mul3A_126 : i32
        %swap3A = arith.index_cast %add3A_115 : i32 to index
        %swap3A_128 = arith.index_cast %mul3A_127 : i32 to index
        %swap3A_129 = tpu.vector_load %arg10[%swap3A, %swap3A_128] {strides = array<i32>} : memref<80x128xf32, #tpu.memory_space<vmem>>, vector<16xf32>,
        tpu.vector_store %arg10[%swap3A, %swap3A_128], %broadcast_in_dim3A_1 {strides = array<i32>} : memref<80x128xf32, #tpu.memory_space<vmem>>, vector<16xf32>,
      }
      %scan3A_120 = arith.constant 8 : i32
    }
    %scan3A_8 = arith.constant 80 : i32
    %scan3A_9 = arith.constant 0 : i32
    %scan3A_10 = arith.constant 8 : i32
    %scan3A_11 = arith.addi %scan3A_9, %scan3A_10 : i32
    %scan3A_12 = arith.constant 1 : i32
    scf.for %scan3A_78 = %scan3A_9 to %scan3A_11 step %scan3A_12  : i32 {
      %mul3A_79 = arith.constant 1 : i32
      %mul3A_80 = arith.muli %scan3A_78, %mul3A_79 : i32
      %add3A_81 = arith.constant 0 : i32
      %add3A_82 = arith.addi %add3A_81, %mul3A_80 : i32
      %mul3A_83 = arith.constant 640 : i32
      %mul3A_84 = arith.muli %arg1, %mul3A_83 : i32
      %mul3A_85 = arith.constant 80 : i32
      %mul3A_86 = arith.muli %add3A_82, %mul3A_85 : i32
      %add3A_87 = arith.addi %mul3A_84, %mul3A_86 : i32
      "tpu.region"() ({
        %run_scoped3A = tpu.sem_alloc : memref<!tpu.dma_semaphore, #tpu.memory_space<semaphore_mem>>
        %dma_start3A_88 = arith.constant 0 : i32
        %dma_start3A_89 = tpu.memref_slice %arg13[%add3A_87, %dma_start3A_88] : memref<10240x128xf32, #tpu.memory_space<vmem_shared>> -> memref<80x128xf32, #tpu.memory_space<vmem_shared>>
        %dma_start3A_90 = arith.constant 0 : i32
        %dma_start3A_91 = tpu.memref_slice %arg13[%add3A_87, %dma_start3A_90] : memref<10240x128xf32, #tpu.memory_space<vmem_shared>> -> memref<80x128xf32, #tpu.memory_space<vmem_shared>>
        tpu.enqueue_dma source(%arg10 : memref<80x128xf32, #tpu.memory_space<vmem>>) target(%dma_start3A_91 : memref<80x128xf32, #tpu.memory_space<vmem_shared>>) target_semaphore(%run_scoped3A : memref<!tpu.dma_semaphore, #tpu.memory_space<semaphore_mem>>)
        %dma_wait3A_92 = arith.constant 0 : i32
        %dma_wait3A_93 = tpu.memref_slice %arg13[%add3A_87, %dma_wait3A_92] : memref<10240x128xf32, #tpu.memory_space<vmem_shared>> -> memref<80x128xf32, #tpu.memory_space<vmem_shared>>
        %dma_wait3A_94 = arith.constant 0 : i32
        %dma_wait3A_95 = tpu.memref_slice %arg13[%add3A_87, %dma_wait3A_94] : memref<10240x128xf32, #tpu.memory_space<vmem_shared>> -> memref<80x128xf32, #tpu.memory_space<vmem_shared>>
        tpu.wait_dma2 semaphore(%run_scoped3A : memref<!tpu.dma_semaphore, #tpu.memory_space<semaphore_mem>>) src(%arg10 : memref<80x128xf32, #tpu.memory_space<vmem>>) dst(%dma_wait3A_95 : memref<80x128xf32, #tpu.memory_space<vmem_shared>>)
        tpu.yield
      }) : () -> ()
    }
    %scan3A_13 = arith.constant 8 : i32
    %dma_wait3A = tpu.memref_slice %arg3[%mul3A_3] : memref<320000xi32, #tpu.memory_space<hbm>> -> memref<10000xi32, #tpu.memory_space<hbm>>
    %dma_wait3A_14 = tpu.memref_slice %arg3[%mul3A_3] : memref<320000xi32, #tpu.memory_space<hbm>> -> memref<10000xi32, #tpu.memory_space<hbm>>
    tpu.wait_dma2 semaphore(%arg14 : memref<!tpu.dma_semaphore, #tpu.memory_space<semaphore_mem>>) src(%dma_wait3A_14 : memref<10000xi32, #tpu.memory_space<hbm>>) dst(%arg6 : memref<10000xi32, #tpu.memory_space<vmem>>)
    %dma_start3A_15 = arith.constant 0 : i32
    %dma_start3A_16 = tpu.memref_slice %arg6[%dma_start3A_15] : memref<10000xi32, #tpu.memory_space<vmem>> -> memref<80xi32, #tpu.memory_space<vmem>>
    %dma_start3A_17 = arith.constant 0 : i32
    %dma_start3A_18 = arith.constant 0 : i32
    %dma_start3A_19 = tpu.memref_slice %arg2[%dma_start3A_17, %dma_start3A_18] : memref<10000x128xf32, #tpu.memory_space<hbm>> -> memref<10000x128xf32, #tpu.memory_space<hbm>>
    tpu.enqueue_indirect_dma source(%dma_start3A_19 : memref<10000x128xf32, #tpu.memory_space<hbm>>) target(%arg10 : memref<80x128xf32, #tpu.memory_space<vmem>>) offsets(%dma_start3A_16 : memref<80xi32, #tpu.memory_space<vmem>>) semaphore(%arg14 : memref<!tpu.dma_semaphore, #tpu.memory_space<semaphore_mem>>)
    %mul3A_20 = arith.constant 10000 : i32
    %mul3A_21 = arith.muli %add3A, %mul3A_20 : i32
    %add3A_22 = arith.constant 0 : i32
    %add3A_23 = arith.addi %mul3A_21, %add3A_22 : i32
    %dma_start3A_24 = tpu.memref_slice %arg4[%add3A_23] : memref<320000xi32, #tpu.memory_space<hbm>> -> memref<80xi32, #tpu.memory_space<hbm>>
    %dma_start3A_25 = tpu.memref_slice %arg4[%add3A_23] : memref<320000xi32, #tpu.memory_space<hbm>> -> memref<80xi32, #tpu.memory_space<hbm>>
    tpu.enqueue_dma source(%dma_start3A_25 : memref<80xi32, #tpu.memory_space<hbm>>) target(%arg7 : memref<80xi32, #tpu.memory_space<vmem>>) target_semaphore(%arg14 : memref<!tpu.dma_semaphore, #tpu.memory_space<semaphore_mem>>)
    %dma_start3A_26 = arith.constant 80 : i32
    %dma_start3A_27 = tpu.memref_slice %arg6[%dma_start3A_26] : memref<10000xi32, #tpu.memory_space<vmem>> -> memref<80xi32, #tpu.memory_space<vmem>>
    %dma_start3A_28 = arith.constant 0 : i32
    %dma_start3A_29 = arith.constant 0 : i32
    %dma_start3A_30 = tpu.memref_slice %arg2[%dma_start3A_28, %dma_start3A_29] : memref<10000x128xf32, #tpu.memory_space<hbm>> -> memref<10000x128xf32, #tpu.memory_space<hbm>>
    tpu.enqueue_indirect_dma source(%dma_start3A_30 : memref<10000x128xf32, #tpu.memory_space<hbm>>) target(%arg11 : memref<80x128xf32, #tpu.memory_space<vmem>>) offsets(%dma_start3A_27 : memref<80xi32, #tpu.memory_space<vmem>>) semaphore(%arg15 : memref<!tpu.dma_semaphore, #tpu.memory_space<semaphore_mem>>)
    %mul3A_31 = arith.constant 10000 : i32
    %mul3A_32 = arith.muli %add3A, %mul3A_31 : i32
    %add3A_33 = arith.constant 80 : i32
    %add3A_34 = arith.addi %mul3A_32, %add3A_33 : i32
    %dma_start3A_35 = tpu.memref_slice %arg4[%add3A_34] : memref<320000xi32, #tpu.memory_space<hbm>> -> memref<80xi32, #tpu.memory_space<hbm>>
    %dma_start3A_36 = tpu.memref_slice %arg4[%add3A_34] : memref<320000xi32, #tpu.memory_space<hbm>> -> memref<80xi32, #tpu.memory_space<hbm>>
    tpu.enqueue_dma source(%dma_start3A_36 : memref<80xi32, #tpu.memory_space<hbm>>) target(%arg8 : memref<80xi32, #tpu.memory_space<vmem>>) target_semaphore(%arg15 : memref<!tpu.dma_semaphore, #tpu.memory_space<semaphore_mem>>)
    %dma_start3A_37 = arith.constant 160 : i32
    %dma_start3A_38 = tpu.memref_slice %arg6[%dma_start3A_37] : memref<10000xi32, #tpu.memory_space<vmem>> -> memref<80xi32, #tpu.memory_space<vmem>>
    %dma_start3A_39 = arith.constant 0 : i32
    %dma_start3A_40 = arith.constant 0 : i32
    %dma_start3A_41 = tpu.memref_slice %arg2[%dma_start3A_39, %dma_start3A_40] : memref<10000x128xf32, #tpu.memory_space<hbm>> -> memref<10000x128xf32, #tpu.memory_space<hbm>>
    tpu.enqueue_indirect_dma source(%dma_start3A_41 : memref<10000x128xf32, #tpu.memory_space<hbm>>) target(%arg12 : memref<80x128xf32, #tpu.memory_space<vmem>>) offsets(%dma_start3A_38 : memref<80xi32, #tpu.memory_space<vmem>>) semaphore(%arg16 : memref<!tpu.dma_semaphore, #tpu.memory_space<semaphore_mem>>)
    %mul3A_42 = arith.constant 10000 : i32
    %mul3A_43 = arith.muli %add3A, %mul3A_42 : i32
    %add3A_44 = arith.constant 160 : i32
    %add3A_45 = arith.addi %mul3A_43, %add3A_44 : i32
    %dma_start3A_46 = tpu.memref_slice %arg4[%add3A_45] : memref<320000xi32, #tpu.memory_space<hbm>> -> memref<80xi32, #tpu.memory_space<hbm>>
    %dma_start3A_47 = tpu.memref_slice %arg4[%add3A_45] : memref<320000xi32, #tpu.memory_space<hbm>> -> memref<80xi32, #tpu.memory_space<hbm>>
    tpu.enqueue_dma source(%dma_start3A_47 : memref<80xi32, #tpu.memory_space<hbm>>) target(%arg9 : memref<80xi32, #tpu.memory_space<vmem>>) target_semaphore(%arg16 : memref<!tpu.dma_semaphore, #tpu.memory_space<semaphore_mem>>)
    %barrier3A = arith.constant 0 : index
    tpu.barrier barrier_id(%barrier3A)
    %scan3A_48 = arith.constant 0 : i32
    %scan3A_49 = arith.constant 41 : i32
    %scan3A_50 = arith.addi %scan3A_48, %scan3A_49 : i32
    %scan3A_51 = arith.constant 1 : i32
    scf.for %scan3A_78 = %scan3A_48 to %scan3A_50 step %scan3A_51  : i32 {
      %mul3A_79 = arith.constant 1 : i32
      %mul3A_80 = arith.muli %scan3A_78, %mul3A_79 : i32
      %add3A_81 = arith.constant 0 : i32
      %add3A_82 = arith.addi %add3A_81, %mul3A_80 : i32
      %mul3A_83 = arith.constant 3 : i32
      %mul3A_84 = arith.muli %add3A_82, %mul3A_83 : i32
      %add3A_85 = arith.constant 0 : i32
      %add3A_86 = arith.addi %mul3A_84, %add3A_85 : i32
      %dma_wait3A_87 = arith.constant 0 : i32
      %dma_wait3A_88 = arith.constant 0 : i32
      %dma_wait3A_89 = tpu.memref_slice %arg2[%dma_wait3A_87, %dma_wait3A_88] : memref<10000x128xf32, #tpu.memory_space<hbm>> -> memref<80x128xf32, #tpu.memory_space<hbm>>
      %dma_wait3A_90 = arith.constant 0 : i32
      %dma_wait3A_91 = arith.constant 0 : i32
      %dma_wait3A_92 = tpu.memref_slice %arg2[%dma_wait3A_90, %dma_wait3A_91] : memref<10000x128xf32, #tpu.memory_space<hbm>> -> memref<80x128xf32, #tpu.memory_space<hbm>>
      tpu.wait_dma2 semaphore(%arg14 : memref<!tpu.dma_semaphore, #tpu.memory_space<semaphore_mem>>) src(%dma_wait3A_92 : memref<80x128xf32, #tpu.memory_space<hbm>>) dst(%arg10 : memref<80x128xf32, #tpu.memory_space<vmem>>)
      %dma_wait3A_93 = arith.constant 0 : i32
      %dma_wait3A_94 = tpu.memref_slice %arg4[%dma_wait3A_93] : memref<320000xi32, #tpu.memory_space<hbm>> -> memref<80xi32, #tpu.memory_space<hbm>>
      %dma_wait3A_95 = arith.constant 0 : i32
      %dma_wait3A_96 = tpu.memref_slice %arg4[%dma_wait3A_95] : memref<320000xi32, #tpu.memory_space<hbm>> -> memref<80xi32, #tpu.memory_space<hbm>>
      tpu.wait_dma2 semaphore(%arg14 : memref<!tpu.dma_semaphore, #tpu.memory_space<semaphore_mem>>) src(%dma_wait3A_96 : memref<80xi32, #tpu.memory_space<hbm>>) dst(%arg7 : memref<80xi32, #tpu.memory_space<vmem>>)
      "tpu.region"() ({
        %run_scoped3A = tpu.sem_alloc : memref<!tpu.dma_semaphore, #tpu.memory_space<semaphore_mem>>
        %dma_start3A_139 = arith.constant 0 : i32
        %dma_start3A_140 = arith.constant 0 : i32
        %dma_start3A_141 = tpu.memref_slice %arg13[%dma_start3A_139, %dma_start3A_140] : memref<10240x128xf32, #tpu.memory_space<vmem_shared>> -> memref<10240x128xf32, #tpu.memory_space<vmem_shared>>
        tpu.enqueue_indirect_dma source(%arg10 : memref<80x128xf32, #tpu.memory_space<vmem>>) target(%dma_start3A_141 : memref<10240x128xf32, #tpu.memory_space<vmem_shared>>) offsets(%arg7 : memref<80xi32, #tpu.memory_space<vmem>>) semaphore(%run_scoped3A : memref<!tpu.dma_semaphore, #tpu.memory_space<semaphore_mem>>) {add = true}
        %dma_wait3A_142 = arith.constant 0 : i32
        %dma_wait3A_143 = arith.constant 0 : i32
        %dma_wait3A_144 = tpu.memref_slice %arg13[%dma_wait3A_142, %dma_wait3A_143] : memref<10240x128xf32, #tpu.memory_space<vmem_shared>> -> memref<10240x128xf32, #tpu.memory_space<vmem_shared>>
        tpu.wait_indirect_dma semaphore(%run_scoped3A : memref<!tpu.dma_semaphore, #tpu.memory_space<semaphore_mem>>) src(%arg10 : memref<80x128xf32, #tpu.memory_space<vmem>>) dst(%dma_wait3A_144 : memref<10240x128xf32, #tpu.memory_space<vmem_shared>>)
        tpu.yield
      }) : () -> ()
      %add3A_97 = arith.constant 3 : i32
      %add3A_98 = arith.addi %add3A_86, %add3A_97 : i32
      %lt3A = arith.constant 125 : i32
      %lt3A_99 = arith.cmpi slt, %add3A_98, %lt3A : i32
      %convert_element_type3A = arith.extui %lt3A_99 : i1 to i32
      %cond3A = arith.constant 0 : i32
      %cond3A_100 = arith.cmpi ne, %convert_element_type3A, %cond3A : i32
      scf.if %cond3A_100 {
        %add3A_139 = arith.constant 3 : i32
        %add3A_140 = arith.addi %add3A_86, %add3A_139 : i32
        %mul3A_141 = arith.constant 80 : i32
        %mul3A_142 = arith.muli %add3A_140, %mul3A_141 : i32
        %dma_start3A_143 = tpu.memref_slice %arg6[%mul3A_142] : memref<10000xi32, #tpu.memory_space<vmem>> -> memref<80xi32, #tpu.memory_space<vmem>>
        %dma_start3A_144 = arith.constant 0 : i32
        %dma_start3A_145 = arith.constant 0 : i32
        %dma_start3A_146 = tpu.memref_slice %arg2[%dma_start3A_144, %dma_start3A_145] : memref<10000x128xf32, #tpu.memory_space<hbm>> -> memref<10000x128xf32, #tpu.memory_space<hbm>>
        tpu.enqueue_indirect_dma source(%dma_start3A_146 : memref<10000x128xf32, #tpu.memory_space<hbm>>) target(%arg10 : memref<80x128xf32, #tpu.memory_space<vmem>>) offsets(%dma_start3A_143 : memref<80xi32, #tpu.memory_space<vmem>>) semaphore(%arg14 : memref<!tpu.dma_semaphore, #tpu.memory_space<semaphore_mem>>)
        %mul3A_147 = arith.constant 10000 : i32
        %mul3A_148 = arith.muli %add3A, %mul3A_147 : i32
        %mul3A_149 = arith.constant 80 : i32
        %mul3A_150 = arith.muli %add3A_140, %mul3A_149 : i32
        %add3A_151 = arith.addi %mul3A_148, %mul3A_150 : i32
        %dma_start3A_152 = tpu.memref_slice %arg4[%add3A_151] : memref<320000xi32, #tpu.memory_space<hbm>> -> memref<80xi32, #tpu.memory_space<hbm>>
        %dma_start3A_153 = tpu.memref_slice %arg4[%add3A_151] : memref<320000xi32, #tpu.memory_space<hbm>> -> memref<80xi32, #tpu.memory_space<hbm>>
        tpu.enqueue_dma source(%dma_start3A_153 : memref<80xi32, #tpu.memory_space<hbm>>) target(%arg7 : memref<80xi32, #tpu.memory_space<vmem>>) target_semaphore(%arg14 : memref<!tpu.dma_semaphore, #tpu.memory_space<semaphore_mem>>)
      } else {
      }
      %add3A_101 = arith.constant 1 : i32
      %add3A_102 = arith.addi %mul3A_84, %add3A_101 : i32
      %dma_wait3A_103 = arith.constant 0 : i32
      %dma_wait3A_104 = arith.constant 0 : i32
      %dma_wait3A_105 = tpu.memref_slice %arg2[%dma_wait3A_103, %dma_wait3A_104] : memref<10000x128xf32, #tpu.memory_space<hbm>> -> memref<80x128xf32, #tpu.memory_space<hbm>>
      %dma_wait3A_106 = arith.constant 0 : i32
      %dma_wait3A_107 = arith.constant 0 : i32
      %dma_wait3A_108 = tpu.memref_slice %arg2[%dma_wait3A_106, %dma_wait3A_107] : memref<10000x128xf32, #tpu.memory_space<hbm>> -> memref<80x128xf32, #tpu.memory_space<hbm>>
      tpu.wait_dma2 semaphore(%arg15 : memref<!tpu.dma_semaphore, #tpu.memory_space<semaphore_mem>>) src(%dma_wait3A_108 : memref<80x128xf32, #tpu.memory_space<hbm>>) dst(%arg11 : memref<80x128xf32, #tpu.memory_space<vmem>>)
      %dma_wait3A_109 = arith.constant 0 : i32
      %dma_wait3A_110 = tpu.memref_slice %arg4[%dma_wait3A_109] : memref<320000xi32, #tpu.memory_space<hbm>> -> memref<80xi32, #tpu.memory_space<hbm>>
      %dma_wait3A_111 = arith.constant 0 : i32
      %dma_wait3A_112 = tpu.memref_slice %arg4[%dma_wait3A_111] : memref<320000xi32, #tpu.memory_space<hbm>> -> memref<80xi32, #tpu.memory_space<hbm>>
      tpu.wait_dma2 semaphore(%arg15 : memref<!tpu.dma_semaphore, #tpu.memory_space<semaphore_mem>>) src(%dma_wait3A_112 : memref<80xi32, #tpu.memory_space<hbm>>) dst(%arg8 : memref<80xi32, #tpu.memory_space<vmem>>)
      "tpu.region"() ({
        %run_scoped3A = tpu.sem_alloc : memref<!tpu.dma_semaphore, #tpu.memory_space<semaphore_mem>>
        %dma_start3A_139 = arith.constant 0 : i32
        %dma_start3A_140 = arith.constant 0 : i32
        %dma_start3A_141 = tpu.memref_slice %arg13[%dma_start3A_139, %dma_start3A_140] : memref<10240x128xf32, #tpu.memory_space<vmem_shared>> -> memref<10240x128xf32, #tpu.memory_space<vmem_shared>>
        tpu.enqueue_indirect_dma source(%arg11 : memref<80x128xf32, #tpu.memory_space<vmem>>) target(%dma_start3A_141 : memref<10240x128xf32, #tpu.memory_space<vmem_shared>>) offsets(%arg8 : memref<80xi32, #tpu.memory_space<vmem>>) semaphore(%run_scoped3A : memref<!tpu.dma_semaphore, #tpu.memory_space<semaphore_mem>>) {add = true}
        %dma_wait3A_142 = arith.constant 0 : i32
        %dma_wait3A_143 = arith.constant 0 : i32
        %dma_wait3A_144 = tpu.memref_slice %arg13[%dma_wait3A_142, %dma_wait3A_143] : memref<10240x128xf32, #tpu.memory_space<vmem_shared>> -> memref<10240x128xf32, #tpu.memory_space<vmem_shared>>
        tpu.wait_indirect_dma semaphore(%run_scoped3A : memref<!tpu.dma_semaphore, #tpu.memory_space<semaphore_mem>>) src(%arg11 : memref<80x128xf32, #tpu.memory_space<vmem>>) dst(%dma_wait3A_144 : memref<10240x128xf32, #tpu.memory_space<vmem_shared>>)
        tpu.yield
      }) : () -> ()
      %add3A_113 = arith.constant 3 : i32
      %add3A_114 = arith.addi %add3A_102, %add3A_113 : i32
      %lt3A_115 = arith.constant 125 : i32
      %lt3A_116 = arith.cmpi slt, %add3A_114, %lt3A_115 : i32
      %convert_element_type3A_117 = arith.extui %lt3A_116 : i1 to i32
      %cond3A_118 = arith.constant 0 : i32
      %cond3A_119 = arith.cmpi ne, %convert_element_type3A_117, %cond3A_118 : i32
      scf.if %cond3A_119 {
        %add3A_139 = arith.constant 3 : i32
        %add3A_140 = arith.addi %add3A_102, %add3A_139 : i32
        %mul3A_141 = arith.constant 80 : i32
        %mul3A_142 = arith.muli %add3A_140, %mul3A_141 : i32
        %dma_start3A_143 = tpu.memref_slice %arg6[%mul3A_142] : memref<10000xi32, #tpu.memory_space<vmem>> -> memref<80xi32, #tpu.memory_space<vmem>>
        %dma_start3A_144 = arith.constant 0 : i32
        %dma_start3A_145 = arith.constant 0 : i32
        %dma_start3A_146 = tpu.memref_slice %arg2[%dma_start3A_144, %dma_start3A_145] : memref<10000x128xf32, #tpu.memory_space<hbm>> -> memref<10000x128xf32, #tpu.memory_space<hbm>>
        tpu.enqueue_indirect_dma source(%dma_start3A_146 : memref<10000x128xf32, #tpu.memory_space<hbm>>) target(%arg11 : memref<80x128xf32, #tpu.memory_space<vmem>>) offsets(%dma_start3A_143 : memref<80xi32, #tpu.memory_space<vmem>>) semaphore(%arg15 : memref<!tpu.dma_semaphore, #tpu.memory_space<semaphore_mem>>)
        %mul3A_147 = arith.constant 10000 : i32
        %mul3A_148 = arith.muli %add3A, %mul3A_147 : i32
        %mul3A_149 = arith.constant 80 : i32
        %mul3A_150 = arith.muli %add3A_140, %mul3A_149 : i32
        %add3A_151 = arith.addi %mul3A_148, %mul3A_150 : i32
        %dma_start3A_152 = tpu.memref_slice %arg4[%add3A_151] : memref<320000xi32, #tpu.memory_space<hbm>> -> memref<80xi32, #tpu.memory_space<hbm>>
        %dma_start3A_153 = tpu.memref_slice %arg4[%add3A_151] : memref<320000xi32, #tpu.memory_space<hbm>> -> memref<80xi32, #tpu.memory_space<hbm>>
        tpu.enqueue_dma source(%dma_start3A_153 : memref<80xi32, #tpu.memory_space<hbm>>) target(%arg8 : memref<80xi32, #tpu.memory_space<vmem>>) target_semaphore(%arg15 : memref<!tpu.dma_semaphore, #tpu.memory_space<semaphore_mem>>)
      } else {
      }
      %add3A_120 = arith.constant 2 : i32
      %add3A_121 = arith.addi %mul3A_84, %add3A_120 : i32
      %dma_wait3A_122 = arith.constant 0 : i32
      %dma_wait3A_123 = arith.constant 0 : i32
      %dma_wait3A_124 = tpu.memref_slice %arg2[%dma_wait3A_122, %dma_wait3A_123] : memref<10000x128xf32, #tpu.memory_space<hbm>> -> memref<80x128xf32, #tpu.memory_space<hbm>>
      %dma_wait3A_125 = arith.constant 0 : i32
      %dma_wait3A_126 = arith.constant 0 : i32
      %dma_wait3A_127 = tpu.memref_slice %arg2[%dma_wait3A_125, %dma_wait3A_126] : memref<10000x128xf32, #tpu.memory_space<hbm>> -> memref<80x128xf32, #tpu.memory_space<hbm>>
      tpu.wait_dma2 semaphore(%arg16 : memref<!tpu.dma_semaphore, #tpu.memory_space<semaphore_mem>>) src(%dma_wait3A_127 : memref<80x128xf32, #tpu.memory_space<hbm>>) dst(%arg12 : memref<80x128xf32, #tpu.memory_space<vmem>>)
      %dma_wait3A_128 = arith.constant 0 : i32
      %dma_wait3A_129 = tpu.memref_slice %arg4[%dma_wait3A_128] : memref<320000xi32, #tpu.memory_space<hbm>> -> memref<80xi32, #tpu.memory_space<hbm>>
      %dma_wait3A_130 = arith.constant 0 : i32
      %dma_wait3A_131 = tpu.memref_slice %arg4[%dma_wait3A_130] : memref<320000xi32, #tpu.memory_space<hbm>> -> memref<80xi32, #tpu.memory_space<hbm>>
      tpu.wait_dma2 semaphore(%arg16 : memref<!tpu.dma_semaphore, #tpu.memory_space<semaphore_mem>>) src(%dma_wait3A_131 : memref<80xi32, #tpu.memory_space<hbm>>) dst(%arg9 : memref<80xi32, #tpu.memory_space<vmem>>)
      "tpu.region"() ({
        %run_scoped3A = tpu.sem_alloc : memref<!tpu.dma_semaphore, #tpu.memory_space<semaphore_mem>>
        %dma_start3A_139 = arith.constant 0 : i32
        %dma_start3A_140 = arith.constant 0 : i32
        %dma_start3A_141 = tpu.memref_slice %arg13[%dma_start3A_139, %dma_start3A_140] : memref<10240x128xf32, #tpu.memory_space<vmem_shared>> -> memref<10240x128xf32, #tpu.memory_space<vmem_shared>>
        tpu.enqueue_indirect_dma source(%arg12 : memref<80x128xf32, #tpu.memory_space<vmem>>) target(%dma_start3A_141 : memref<10240x128xf32, #tpu.memory_space<vmem_shared>>) offsets(%arg9 : memref<80xi32, #tpu.memory_space<vmem>>) semaphore(%run_scoped3A : memref<!tpu.dma_semaphore, #tpu.memory_space<semaphore_mem>>) {add = true}
        %dma_wait3A_142 = arith.constant 0 : i32
        %dma_wait3A_143 = arith.constant 0 : i32
        %dma_wait3A_144 = tpu.memref_slice %arg13[%dma_wait3A_142, %dma_wait3A_143] : memref<10240x128xf32, #tpu.memory_space<vmem_shared>> -> memref<10240x128xf32, #tpu.memory_space<vmem_shared>>
        tpu.wait_indirect_dma semaphore(%run_scoped3A : memref<!tpu.dma_semaphore, #tpu.memory_space<semaphore_mem>>) src(%arg12 : memref<80x128xf32, #tpu.memory_space<vmem>>) dst(%dma_wait3A_144 : memref<10240x128xf32, #tpu.memory_space<vmem_shared>>)
        tpu.yield
      }) : () -> ()
      %add3A_132 = arith.constant 3 : i32
      %add3A_133 = arith.addi %add3A_121, %add3A_132 : i32
      %lt3A_134 = arith.constant 125 : i32
      %lt3A_135 = arith.cmpi slt, %add3A_133, %lt3A_134 : i32
      %convert_element_type3A_136 = arith.extui %lt3A_135 : i1 to i32
      %cond3A_137 = arith.constant 0 : i32
      %cond3A_138 = arith.cmpi ne, %convert_element_type3A_136, %cond3A_137 : i32
      scf.if %cond3A_138 {
        %add3A_139 = arith.constant 3 : i32
        %add3A_140 = arith.addi %add3A_121, %add3A_139 : i32
        %mul3A_141 = arith.constant 80 : i32
        %mul3A_142 = arith.muli %add3A_140, %mul3A_141 : i32
        %dma_start3A_143 = tpu.memref_slice %arg6[%mul3A_142] : memref<10000xi32, #tpu.memory_space<vmem>> -> memref<80xi32, #tpu.memory_space<vmem>>
        %dma_start3A_144 = arith.constant 0 : i32
        %dma_start3A_145 = arith.constant 0 : i32
        %dma_start3A_146 = tpu.memref_slice %arg2[%dma_start3A_144, %dma_start3A_145] : memref<10000x128xf32, #tpu.memory_space<hbm>> -> memref<10000x128xf32, #tpu.memory_space<hbm>>
        tpu.enqueue_indirect_dma source(%dma_start3A_146 : memref<10000x128xf32, #tpu.memory_space<hbm>>) target(%arg12 : memref<80x128xf32, #tpu.memory_space<vmem>>) offsets(%dma_start3A_143 : memref<80xi32, #tpu.memory_space<vmem>>) semaphore(%arg16 : memref<!tpu.dma_semaphore, #tpu.memory_space<semaphore_mem>>)
        %mul3A_147 = arith.constant 10000 : i32
        %mul3A_148 = arith.muli %add3A, %mul3A_147 : i32
        %mul3A_149 = arith.constant 80 : i32
        %mul3A_150 = arith.muli %add3A_140, %mul3A_149 : i32
        %add3A_151 = arith.addi %mul3A_148, %mul3A_150 : i32
        %dma_start3A_152 = tpu.memref_slice %arg4[%add3A_151] : memref<320000xi32, #tpu.memory_space<hbm>> -> memref<80xi32, #tpu.memory_space<hbm>>
        %dma_start3A_153 = tpu.memref_slice %arg4[%add3A_151] : memref<320000xi32, #tpu.memory_space<hbm>> -> memref<80xi32, #tpu.memory_space<hbm>>
        tpu.enqueue_dma source(%dma_start3A_153 : memref<80xi32, #tpu.memory_space<hbm>>) target(%arg9 : memref<80xi32, #tpu.memory_space<vmem>>) target_semaphore(%arg16 : memref<!tpu.dma_semaphore, #tpu.memory_space<semaphore_mem>>)
      } else {
      }
    }
    %scan3A_52 = arith.constant 41 : i32
    %dma_wait3A_53 = arith.constant 0 : i32
    %dma_wait3A_54 = arith.constant 0 : i32
    %dma_wait3A_55 = tpu.memref_slice %arg2[%dma_wait3A_53, %dma_wait3A_54] : memref<10000x128xf32, #tpu.memory_space<hbm>> -> memref<80x128xf32, #tpu.memory_space<hbm>>
    %dma_wait3A_56 = arith.constant 0 : i32
    %dma_wait3A_57 = arith.constant 0 : i32
    %dma_wait3A_58 = tpu.memref_slice %arg2[%dma_wait3A_56, %dma_wait3A_57] : memref<10000x128xf32, #tpu.memory_space<hbm>> -> memref<80x128xf32, #tpu.memory_space<hbm>>
    tpu.wait_dma2 semaphore(%arg14 : memref<!tpu.dma_semaphore, #tpu.memory_space<semaphore_mem>>) src(%dma_wait3A_58 : memref<80x128xf32, #tpu.memory_space<hbm>>) dst(%arg10 : memref<80x128xf32, #tpu.memory_space<vmem>>)
    %dma_wait3A_59 = arith.constant 0 : i32
    %dma_wait3A_60 = tpu.memref_slice %arg4[%dma_wait3A_59] : memref<320000xi32, #tpu.memory_space<hbm>> -> memref<80xi32, #tpu.memory_space<hbm>>
    %dma_wait3A_61 = arith.constant 0 : i32
    %dma_wait3A_62 = tpu.memref_slice %arg4[%dma_wait3A_61] : memref<320000xi32, #tpu.memory_space<hbm>> -> memref<80xi32, #tpu.memory_space<hbm>>
    tpu.wait_dma2 semaphore(%arg14 : memref<!tpu.dma_semaphore, #tpu.memory_space<semaphore_mem>>) src(%dma_wait3A_62 : memref<80xi32, #tpu.memory_space<hbm>>) dst(%arg7 : memref<80xi32, #tpu.memory_space<vmem>>)
    "tpu.region"() ({
      %run_scoped3A = tpu.sem_alloc : memref<!tpu.dma_semaphore, #tpu.memory_space<semaphore_mem>>
      %dma_start3A_78 = arith.constant 0 : i32
      %dma_start3A_79 = arith.constant 0 : i32
      %dma_start3A_80 = tpu.memref_slice %arg13[%dma_start3A_78, %dma_start3A_79] : memref<10240x128xf32, #tpu.memory_space<vmem_shared>> -> memref<10240x128xf32, #tpu.memory_space<vmem_shared>>
      tpu.enqueue_indirect_dma source(%arg10 : memref<80x128xf32, #tpu.memory_space<vmem>>) target(%dma_start3A_80 : memref<10240x128xf32, #tpu.memory_space<vmem_shared>>) offsets(%arg7 : memref<80xi32, #tpu.memory_space<vmem>>) semaphore(%run_scoped3A : memref<!tpu.dma_semaphore, #tpu.memory_space<semaphore_mem>>) {add = true}
      %dma_wait3A_81 = arith.constant 0 : i32
      %dma_wait3A_82 = arith.constant 0 : i32
      %dma_wait3A_83 = tpu.memref_slice %arg13[%dma_wait3A_81, %dma_wait3A_82] : memref<10240x128xf32, #tpu.memory_space<vmem_shared>> -> memref<10240x128xf32, #tpu.memory_space<vmem_shared>>
      tpu.wait_indirect_dma semaphore(%run_scoped3A : memref<!tpu.dma_semaphore, #tpu.memory_space<semaphore_mem>>) src(%arg10 : memref<80x128xf32, #tpu.memory_space<vmem>>) dst(%dma_wait3A_83 : memref<10240x128xf32, #tpu.memory_space<vmem_shared>>)
      tpu.yield
    }) : () -> ()
    %dma_wait3A_63 = arith.constant 0 : i32
    %dma_wait3A_64 = arith.constant 0 : i32
    %dma_wait3A_65 = tpu.memref_slice %arg2[%dma_wait3A_63, %dma_wait3A_64] : memref<10000x128xf32, #tpu.memory_space<hbm>> -> memref<80x128xf32, #tpu.memory_space<hbm>>
    %dma_wait3A_66 = arith.constant 0 : i32
    %dma_wait3A_67 = arith.constant 0 : i32
    %dma_wait3A_68 = tpu.memref_slice %arg2[%dma_wait3A_66, %dma_wait3A_67] : memref<10000x128xf32, #tpu.memory_space<hbm>> -> memref<80x128xf32, #tpu.memory_space<hbm>>
    tpu.wait_dma2 semaphore(%arg15 : memref<!tpu.dma_semaphore, #tpu.memory_space<semaphore_mem>>) src(%dma_wait3A_68 : memref<80x128xf32, #tpu.memory_space<hbm>>) dst(%arg11 : memref<80x128xf32, #tpu.memory_space<vmem>>)
    %dma_wait3A_69 = arith.constant 0 : i32
    %dma_wait3A_70 = tpu.memref_slice %arg4[%dma_wait3A_69] : memref<320000xi32, #tpu.memory_space<hbm>> -> memref<80xi32, #tpu.memory_space<hbm>>
    %dma_wait3A_71 = arith.constant 0 : i32
    %dma_wait3A_72 = tpu.memref_slice %arg4[%dma_wait3A_71] : memref<320000xi32, #tpu.memory_space<hbm>> -> memref<80xi32, #tpu.memory_space<hbm>>
    tpu.wait_dma2 semaphore(%arg15 : memref<!tpu.dma_semaphore, #tpu.memory_space<semaphore_mem>>) src(%dma_wait3A_72 : memref<80xi32, #tpu.memory_space<hbm>>) dst(%arg8 : memref<80xi32, #tpu.memory_space<vmem>>)
    "tpu.region"() ({
      %run_scoped3A = tpu.sem_alloc : memref<!tpu.dma_semaphore, #tpu.memory_space<semaphore_mem>>
      %dma_start3A_78 = arith.constant 0 : i32
      %dma_start3A_79 = arith.constant 0 : i32
      %dma_start3A_80 = tpu.memref_slice %arg13[%dma_start3A_78, %dma_start3A_79] : memref<10240x128xf32, #tpu.memory_space<vmem_shared>> -> memref<10240x128xf32, #tpu.memory_space<vmem_shared>>
      tpu.enqueue_indirect_dma source(%arg11 : memref<80x128xf32, #tpu.memory_space<vmem>>) target(%dma_start3A_80 : memref<10240x128xf32, #tpu.memory_space<vmem_shared>>) offsets(%arg8 : memref<80xi32, #tpu.memory_space<vmem>>) semaphore(%run_scoped3A : memref<!tpu.dma_semaphore, #tpu.memory_space<semaphore_mem>>) {add = true}
      %dma_wait3A_81 = arith.constant 0 : i32
      %dma_wait3A_82 = arith.constant 0 : i32
      %dma_wait3A_83 = tpu.memref_slice %arg13[%dma_wait3A_81, %dma_wait3A_82] : memref<10240x128xf32, #tpu.memory_space<vmem_shared>> -> memref<10240x128xf32, #tpu.memory_space<vmem_shared>>
      tpu.wait_indirect_dma semaphore(%run_scoped3A : memref<!tpu.dma_semaphore, #tpu.memory_space<semaphore_mem>>) src(%arg11 : memref<80x128xf32, #tpu.memory_space<vmem>>) dst(%dma_wait3A_83 : memref<10240x128xf32, #tpu.memory_space<vmem_shared>>)
      tpu.yield
    }) : () -> ()
    %barrier3A_73 = arith.constant 0 : index
    tpu.barrier barrier_id(%barrier3A_73)
    %mul3A_74 = arith.constant 640 : i32
    %mul3A_75 = arith.muli %arg1, %mul3A_74 : i32
    %mul3A_76 = arith.constant 640 : i32
    %mul3A_77 = arith.muli %arg1, %mul3A_76 : i32
    "tpu.region"() ({
      %run_scoped3A = tpu.sem_alloc : memref<!tpu.dma_semaphore, #tpu.memory_space<semaphore_mem>>
      %dma_start3A_78 = arith.constant 0 : i32
      %dma_start3A_79 = tpu.memref_slice %arg5[%arg0, %mul3A_77, %dma_start3A_78] : memref<2x10240x128xf32, #tpu.memory_space<hbm>> -> memref<1x640x128xf32, #tpu.memory_space<hbm>>
      %dma_start3A_80 = tpu.memref_squeeze %dma_start3A_79 : memref<1x640x128xf32, #tpu.memory_space<hbm>> -> memref<640x128xf32, #tpu.memory_space<hbm>>
      %dma_start3A_81 = arith.constant 0 : i32
      %dma_start3A_82 = tpu.memref_slice %arg13[%mul3A_75, %dma_start3A_81] : memref<10240x128xf32, #tpu.memory_space<vmem_shared>> -> memref<640x128xf32, #tpu.memory_space<vmem_shared>>
      tpu.enqueue_dma source(%dma_start3A_82 : memref<640x128xf32, #tpu.memory_space<vmem_shared>>) target(%dma_start3A_80 : memref<640x128xf32, #tpu.memory_space<hbm>>) target_semaphore(%run_scoped3A : memref<!tpu.dma_semaphore, #tpu.memory_space<semaphore_mem>>)
      %dma_wait3A_83 = arith.constant 0 : i32
      %dma_wait3A_84 = tpu.memref_slice %arg5[%arg0, %mul3A_77, %dma_wait3A_83] : memref<2x10240x128xf32, #tpu.memory_space<hbm>> -> memref<1x640x128xf32, #tpu.memory_space<hbm>>
      %dma_wait3A_85 = tpu.memref_squeeze %dma_wait3A_84 : memref<1x640x128xf32, #tpu.memory_space<hbm>> -> memref<640x128xf32, #tpu.memory_space<hbm>>
      %dma_wait3A_86 = arith.constant 0 : i32
      %dma_wait3A_87 = tpu.memref_slice %arg13[%mul3A_75, %dma_wait3A_86] : memref<10240x128xf32, #tpu.memory_space<vmem_shared>> -> memref<640x128xf32, #tpu.memory_space<vmem_shared>>
      tpu.wait_dma2 semaphore(%run_scoped3A : memref<!tpu.dma_semaphore, #tpu.memory_space<semaphore_mem>>) src(%dma_wait3A_87 : memref<640x128xf32, #tpu.memory_space<vmem_shared>>) dst(%dma_wait3A_85 : memref<640x128xf32, #tpu.memory_space<hbm>>)
      tpu.yield
    }) : () -> ()
    return
  }
}

module attributes {stable_mosaic.version = 14 : i64} {
  func.func @_final_body(%arg0: i32, %arg1: memref<2x5120x128xf32, #tpu.memory_space<vmem>>, %arg2: memref<5120x128xf32, #tpu.memory_space<vmem>>, %arg3: memref<32x5120xf32, #tpu.memory_space<vmem>>, %arg4: memref<1x128xf32, #tpu.memory_space<vmem>>, %arg5: memref<5120x128xf32, #tpu.memory_space<vmem>>) attributes {dimension_semantics = [#tpu.dimension_semantics<arbitrary>], iteration_bounds = array<i64: 2>, scalar_prefetch = 0 : i64, scratch_operands = 0 : i64, tpu.core_type = #tpu.core_type<tc>, window_params = [{transform_indices = @transform_0, window_bounds = array<i64: 2, 5120, 128>}, {transform_indices = @transform_1, window_bounds = array<i64: 5120, 128>}, {transform_indices = @transform_2, window_bounds = array<i64: 32, 5120>}, {pipeline_mode = #tpu.pipeline_mode<synchronous>, transform_indices = @transform_3, window_bounds = array<i64: 1, 128>}, {transform_indices = @transform_4, window_bounds = array<i64: 5120, 128>}]} {
    %get3A = arith.constant 0 : index
    %get3A_0 = arith.constant 0 : index
    %get3A_1 = arith.constant 0 : index
    %get3A_2 = vector.load %arg1[%get3A, %get3A_0, %get3A_1] : memref<2x5120x128xf32, #tpu.memory_space<vmem>>, vector<1x5120x128xf32>
    %get3A_3 = vector.shape_cast %get3A_2 : vector<1x5120x128xf32> to vector<5120x128xf32>
    %get3A_4 = arith.constant 1 : index
    %get3A_5 = arith.constant 0 : index
    %get3A_6 = arith.constant 0 : index
    %get3A_7 = vector.load %arg1[%get3A_4, %get3A_5, %get3A_6] : memref<2x5120x128xf32, #tpu.memory_space<vmem>>, vector<1x5120x128xf32>
    %get3A_8 = vector.shape_cast %get3A_7 : vector<1x5120x128xf32> to vector<5120x128xf32>
    %add3A = arith.addf %get3A_3, %get3A_8 : vector<5120x128xf32>
    %get3A_9 = arith.constant 0 : index
    %get3A_10 = arith.constant 0 : index
    %get3A_11 = vector.load %arg2[%get3A_9, %get3A_10] : memref<5120x128xf32, #tpu.memory_space<vmem>>, vector<5120x128xf32>
    %add3A_12 = arith.addf %add3A, %get3A_11 : vector<5120x128xf32>
    %get3A_13 = arith.constant 0 : index
    %get3A_14 = arith.constant 0 : index
    %get3A_15 = vector.load %arg3[%get3A_13, %get3A_14] : memref<32x5120xf32, #tpu.memory_space<vmem>>, vector<32x5120xf32>
    %reduce_sum3A = arith.constant dense<0.000000e+00> : vector<5120xf32>
    %reduce_sum3A_16 = vector.multi_reduction <add>, %get3A_15, %reduce_sum3A [0] : vector<32x5120xf32> to vector<5120xf32>
    %add3A_17 = arith.constant 1.000000e+00 : f32
    %add3A_18 = vector.broadcast %add3A_17 : f32 to vector<5120xf32>
    %add3A_19 = arith.addf %reduce_sum3A_16, %add3A_18 : vector<5120xf32>
    %rsqrt3A = math.rsqrt %add3A_19 : vector<5120xf32>
    %broadcast_in_dim3A = vector.shape_cast %rsqrt3A : vector<5120xf32> to vector<5120x1xf32>
    %mul3A = vector.broadcast %broadcast_in_dim3A : vector<5120x1xf32> to vector<5120x128xf32>
    %mul3A_20 = arith.mulf %add3A_12, %mul3A : vector<5120x128xf32>
    %get3A_21 = arith.constant 0 : index
    %get3A_22 = arith.constant 0 : index
    %get3A_23 = vector.load %arg4[%get3A_21, %get3A_22] : memref<1x128xf32, #tpu.memory_space<vmem>>, vector<1x128xf32>
    %add3A_24 = vector.broadcast %get3A_23 : vector<1x128xf32> to vector<5120x128xf32>
    %add3A_25 = arith.addf %mul3A_20, %add3A_24 : vector<5120x128xf32>
    %swap3A = arith.constant 0 : index
    %swap3A_26 = arith.constant 0 : index
    %swap3A_27 = vector.load %arg5[%swap3A, %swap3A_26] : memref<5120x128xf32, #tpu.memory_space<vmem>>, vector<5120x128xf32>
    tpu.vector_store %arg5[%swap3A, %swap3A_26], %add3A_25 {strides = array<i32>} : memref<5120x128xf32, #tpu.memory_space<vmem>>, vector<5120x128xf32>,
    return
  }
  func.func @transform_0(%arg0: i32) -> (i32, i32, i32) {
    %c0_i32 = arith.constant 0 : i32
    %c0_i32_0 = arith.constant 0 : i32
    %c0_i32_1 = arith.constant 0 : i32
    return %c0_i32, %arg0, %c0_i32_0 : i32, i32, i32
  }
  func.func @transform_1(%arg0: i32) -> (i32, i32) {
    %c0_i32 = arith.constant 0 : i32
    %c0_i32_0 = arith.constant 0 : i32
    return %arg0, %c0_i32 : i32, i32
  }
  func.func @transform_2(%arg0: i32) -> (i32, i32) {
    %c0_i32 = arith.constant 0 : i32
    %c0_i32_0 = arith.constant 0 : i32
    return %c0_i32, %arg0 : i32, i32
  }
  func.func @transform_3(%arg0: i32) -> (i32, i32) {
    %c0_i32 = arith.constant 0 : i32
    %c0_i32_0 = arith.constant 0 : i32
    %c0_i32_1 = arith.constant 0 : i32
    return %c0_i32, %c0_i32_0 : i32, i32
  }
  func.func @transform_4(%arg0: i32) -> (i32, i32) {
    %c0_i32 = arith.constant 0 : i32
    %c0_i32_0 = arith.constant 0 : i32
    return %arg0, %c0_i32 : i32, i32
  }
}

module attributes {stable_mosaic.version = 14 : i64} {
  func.func @_mm_scale_body(%arg0: i32, %arg1: memref<5120x128xf32, #tpu.memory_space<vmem>>, %arg2: memref<128x128xf32, #tpu.memory_space<vmem>>, %arg3: memref<32x5120xf32, #tpu.memory_space<vmem>>, %arg4: memref<5120x128xf32, #tpu.memory_space<vmem>>) attributes {dimension_semantics = [#tpu.dimension_semantics<arbitrary>], iteration_bounds = array<i64: 2>, scalar_prefetch = 0 : i64, scratch_operands = 0 : i64, tpu.core_type = #tpu.core_type<tc>, window_params = [{transform_indices = @transform_0, window_bounds = array<i64: 5120, 128>}, {pipeline_mode = #tpu.pipeline_mode<synchronous>, transform_indices = @transform_1, window_bounds = array<i64: 128, 128>}, {transform_indices = @transform_2, window_bounds = array<i64: 32, 5120>}, {transform_indices = @transform_3, window_bounds = array<i64: 5120, 128>}]} {
    %get3A = arith.constant 0 : index
    %get3A_0 = arith.constant 0 : index
    %get3A_1 = vector.load %arg1[%get3A, %get3A_0] : memref<5120x128xf32, #tpu.memory_space<vmem>>, vector<5120x128xf32>
    %get3A_2 = arith.constant 0 : index
    %get3A_3 = arith.constant 0 : index
    %get3A_4 = vector.load %arg2[%get3A_2, %get3A_3] : memref<128x128xf32, #tpu.memory_space<vmem>>, vector<128x128xf32>
    %dot_general3A = arith.constant dense<0.000000e+00> : vector<5120x128xf32>
    %dot_general3A_5 = tpu.matmul %get3A_1, %get3A_4, %dot_general3A {dimension_numbers = #tpu.dot_dimension_numbers<[1], [0], [0], [1], [0, 0, 1, 1], [], []>, transpose_lhs_hint = false} : vector<5120x128xf32>, vector<128x128xf32>, vector<5120x128xf32> -> vector<5120x128xf32>
    %get3A_6 = arith.constant 0 : index
    %get3A_7 = arith.constant 0 : index
    %get3A_8 = vector.load %arg3[%get3A_6, %get3A_7] : memref<32x5120xf32, #tpu.memory_space<vmem>>, vector<32x5120xf32>
    %reduce_sum3A = arith.constant dense<0.000000e+00> : vector<5120xf32>
    %reduce_sum3A_9 = vector.multi_reduction <add>, %get3A_8, %reduce_sum3A [0] : vector<32x5120xf32> to vector<5120xf32>
    %add3A = arith.constant 1.000000e+00 : f32
    %add3A_10 = vector.broadcast %add3A : f32 to vector<5120xf32>
    %add3A_11 = arith.addf %reduce_sum3A_9, %add3A_10 : vector<5120xf32>
    %rsqrt3A = math.rsqrt %add3A_11 : vector<5120xf32>
    %broadcast_in_dim3A = vector.shape_cast %rsqrt3A : vector<5120xf32> to vector<5120x1xf32>
    %mul3A = vector.broadcast %broadcast_in_dim3A : vector<5120x1xf32> to vector<5120x128xf32>
    %mul3A_12 = arith.mulf %dot_general3A_5, %mul3A : vector<5120x128xf32>
    %swap3A = arith.constant 0 : index
    %swap3A_13 = arith.constant 0 : index
    %swap3A_14 = vector.load %arg4[%swap3A, %swap3A_13] : memref<5120x128xf32, #tpu.memory_space<vmem>>, vector<5120x128xf32>
    tpu.vector_store %arg4[%swap3A, %swap3A_13], %mul3A_12 {strides = array<i32>} : memref<5120x128xf32, #tpu.memory_space<vmem>>, vector<5120x128xf32>,
    return
  }
  func.func @transform_0(%arg0: i32) -> (i32, i32) {
    %c0_i32 = arith.constant 0 : i32
    %c0_i32_0 = arith.constant 0 : i32
    return %arg0, %c0_i32 : i32, i32
  }
  func.func @transform_1(%arg0: i32) -> (i32, i32) {
    %c0_i32 = arith.constant 0 : i32
    %c0_i32_0 = arith.constant 0 : i32
    %c0_i32_1 = arith.constant 0 : i32
    return %c0_i32, %c0_i32_0 : i32, i32
  }
  func.func @transform_2(%arg0: i32) -> (i32, i32) {
    %c0_i32 = arith.constant 0 : i32
    %c0_i32_0 = arith.constant 0 : i32
    return %c0_i32, %arg0 : i32, i32
  }
  func.func @transform_3(%arg0: i32) -> (i32, i32) {
    %c0_i32 = arith.constant 0 : i32
    %c0_i32_0 = arith.constant 0 : i32
    return %arg0, %c0_i32 : i32, i32
  }
}

module attributes {stable_mosaic.version = 14 : i64} {
  func.func @_bn_mm_body(%arg0: i32, %arg1: i32, %arg2: memref<2x5120x128xf32, #tpu.memory_space<vmem>>, %arg3: memref<5120x128xf32, #tpu.memory_space<vmem>>, %arg4: memref<32x5120xf32, #tpu.memory_space<vmem>>, %arg5: memref<1x128xf32, #tpu.memory_space<vmem>>, %arg6: memref<1x128xf32, #tpu.memory_space<vmem>>, %arg7: memref<1x128xf32, #tpu.memory_space<vmem>>, %arg8: memref<128x128xf32, #tpu.memory_space<vmem>>, %arg9: memref<5120x128xf32, #tpu.memory_space<vmem>>, %arg10: memref<10240x128xf32, #tpu.memory_space<vmem>>, %arg11: memref<2x128xf32, #tpu.memory_space<vmem>>) attributes {dimension_semantics = [#tpu.dimension_semantics<arbitrary>, #tpu.dimension_semantics<arbitrary>], iteration_bounds = array<i64: 2, 2>, scalar_prefetch = 0 : i64, scratch_operands = 2 : i64, tpu.core_type = #tpu.core_type<tc>, window_params = [{transform_indices = @transform_0, window_bounds = array<i64: 2, 5120, 128>}, {transform_indices = @transform_1, window_bounds = array<i64: 5120, 128>}, {transform_indices = @transform_2, window_bounds = array<i64: 32, 5120>}, {pipeline_mode = #tpu.pipeline_mode<synchronous>, transform_indices = @transform_3, window_bounds = array<i64: 1, 128>}, {pipeline_mode = #tpu.pipeline_mode<synchronous>, transform_indices = @transform_4, window_bounds = array<i64: 1, 128>}, {pipeline_mode = #tpu.pipeline_mode<synchronous>, transform_indices = @transform_5, window_bounds = array<i64: 1, 128>}, {pipeline_mode = #tpu.pipeline_mode<synchronous>, transform_indices = @transform_6, window_bounds = array<i64: 128, 128>}, {transform_indices = @transform_7, window_bounds = array<i64: 5120, 128>}]} {
    %get3A = arith.constant 0 : index
    %get3A_0 = arith.constant 0 : index
    %get3A_1 = vector.load %arg4[%get3A, %get3A_0] : memref<32x5120xf32, #tpu.memory_space<vmem>>, vector<32x5120xf32>
    %reduce_sum3A = arith.constant dense<0.000000e+00> : vector<5120xf32>
    %reduce_sum3A_2 = vector.multi_reduction <add>, %get3A_1, %reduce_sum3A [0] : vector<32x5120xf32> to vector<5120xf32>
    %add3A = arith.constant 1.000000e+00 : f32
    %add3A_3 = vector.broadcast %add3A : f32 to vector<5120xf32>
    %add3A_4 = arith.addf %reduce_sum3A_2, %add3A_3 : vector<5120xf32>
    %rsqrt3A = math.rsqrt %add3A_4 : vector<5120xf32>
    %broadcast_in_dim3A = vector.shape_cast %rsqrt3A : vector<5120xf32> to vector<5120x1xf32>
    %eq3A = arith.constant 0 : i32
    %eq3A_5 = arith.cmpi eq, %arg0, %eq3A : i32
    %convert_element_type3A = arith.extui %eq3A_5 : i1 to i32
    %cond3A = arith.constant 0 : i32
    %cond3A_6 = arith.cmpi ne, %convert_element_type3A, %cond3A : i32
    scf.if %cond3A_6 {
      %get3A_12 = arith.constant 0 : index
      %get3A_13 = arith.constant 0 : index
      %get3A_14 = arith.constant 0 : index
      %get3A_15 = vector.load %arg2[%get3A_12, %get3A_13, %get3A_14] : memref<2x5120x128xf32, #tpu.memory_space<vmem>>, vector<1x5120x128xf32>
      %get3A_16 = vector.shape_cast %get3A_15 : vector<1x5120x128xf32> to vector<5120x128xf32>
      %get3A_17 = arith.constant 1 : index
      %get3A_18 = arith.constant 0 : index
      %get3A_19 = arith.constant 0 : index
      %get3A_20 = vector.load %arg2[%get3A_17, %get3A_18, %get3A_19] : memref<2x5120x128xf32, #tpu.memory_space<vmem>>, vector<1x5120x128xf32>
      %get3A_21 = vector.shape_cast %get3A_20 : vector<1x5120x128xf32> to vector<5120x128xf32>
      %add3A_22 = arith.addf %get3A_16, %get3A_21 : vector<5120x128xf32>
      %get3A_23 = arith.constant 0 : index
      %get3A_24 = arith.constant 0 : index
      %get3A_25 = vector.load %arg3[%get3A_23, %get3A_24] : memref<5120x128xf32, #tpu.memory_space<vmem>>, vector<5120x128xf32>
      %add3A_26 = arith.addf %add3A_22, %get3A_25 : vector<5120x128xf32>
      %mul3A = vector.broadcast %broadcast_in_dim3A : vector<5120x1xf32> to vector<5120x128xf32>
      %mul3A_27 = arith.mulf %add3A_26, %mul3A : vector<5120x128xf32>
      %get3A_28 = arith.constant 0 : index
      %get3A_29 = arith.constant 0 : index
      %get3A_30 = vector.load %arg5[%get3A_28, %get3A_29] : memref<1x128xf32, #tpu.memory_space<vmem>>, vector<1x128xf32>
      %add3A_31 = vector.broadcast %get3A_30 : vector<1x128xf32> to vector<5120x128xf32>
      %add3A_32 = arith.addf %mul3A_27, %add3A_31 : vector<5120x128xf32>
      %mul3A_33 = arith.constant 5120 : i32
      %mul3A_34 = arith.muli %arg1, %mul3A_33 : i32
      %swap3A = arith.index_cast %mul3A_34 : i32 to index
      %swap3A_35 = arith.constant 0 : index
      %swap3A_36 = vector.load %arg10[%swap3A, %swap3A_35] : memref<10240x128xf32, #tpu.memory_space<vmem>>, vector<5120x128xf32>
      tpu.vector_store %arg10[%swap3A, %swap3A_35], %add3A_32 {strides = array<i32>} : memref<10240x128xf32, #tpu.memory_space<vmem>>, vector<5120x128xf32>,
      %mul3A_37 = arith.constant 5120 : i32
      %mul3A_38 = arith.muli %arg1, %mul3A_37 : i32
      %iota3A = tpu.iota {dimensions = array<i32: 0>} : vector<5120x1xi32>
      %add3A_39 = vector.broadcast %mul3A_38 : i32 to vector<5120x1xi32>
      %add3A_40 = arith.addi %add3A_39, %iota3A : vector<5120x1xi32>
      %lt3A = arith.constant 10000 : i32
      %lt3A_41 = vector.broadcast %lt3A : i32 to vector<5120x1xi32>
      %lt3A_42 = arith.cmpi slt, %add3A_40, %lt3A_41 : vector<5120x1xi32>
      %jit3A = arith.constant 0.000000e+00 : f32
      %broadcast_in_dim3A_43 = vector.shape_cast %lt3A_42 : vector<5120x1xi1> to vector<5120x1xi1>
      %broadcast_in_dim3A_44 = vector.broadcast %broadcast_in_dim3A_43 : vector<5120x1xi1> to vector<5120x128xi1>
      %broadcast_in_dim3A_45 = vector.broadcast %jit3A : f32 to vector<5120x128xf32>
      %select_n3A = arith.select %broadcast_in_dim3A_44, %add3A_32, %broadcast_in_dim3A_45 : vector<5120x128xi1>, vector<5120x128xf32>
      %reduce_sum3A_46 = arith.constant dense<0.000000e+00> : vector<128xf32>
      %reduce_sum3A_47 = vector.multi_reduction <add>, %select_n3A, %reduce_sum3A_46 [0] : vector<5120x128xf32> to vector<128xf32>
      %broadcast_in_dim3A_48 = vector.shape_cast %reduce_sum3A_47 : vector<128xf32> to vector<1x128xf32>
      %mul3A_49 = arith.mulf %select_n3A, %select_n3A : vector<5120x128xf32>
      %reduce_sum3A_50 = arith.constant dense<0.000000e+00> : vector<128xf32>
      %reduce_sum3A_51 = vector.multi_reduction <add>, %mul3A_49, %reduce_sum3A_50 [0] : vector<5120x128xf32> to vector<128xf32>
      %broadcast_in_dim3A_52 = vector.shape_cast %reduce_sum3A_51 : vector<128xf32> to vector<1x128xf32>
      %concatenate3A = tpu.concatenate %broadcast_in_dim3A_48, %broadcast_in_dim3A_52 in 0 : vector<1x128xf32>, vector<1x128xf32> -> vector<2x128xf32>
      %eq3A_53 = arith.constant 0 : i32
      %eq3A_54 = arith.cmpi eq, %arg1, %eq3A_53 : i32
      %convert_element_type3A_55 = arith.extui %eq3A_54 : i1 to i32
      %cond3A_56 = arith.constant 0 : i32
      %cond3A_57 = arith.cmpi ne, %convert_element_type3A_55, %cond3A_56 : i32
      scf.if %cond3A_57 {
        %swap3A_62 = arith.constant 0 : index
        %swap3A_63 = arith.constant 0 : index
        %swap3A_64 = vector.load %arg11[%swap3A_62, %swap3A_63] : memref<2x128xf32, #tpu.memory_space<vmem>>, vector<2x128xf32>
        tpu.vector_store %arg11[%swap3A_62, %swap3A_63], %concatenate3A {strides = array<i32>} : memref<2x128xf32, #tpu.memory_space<vmem>>, vector<2x128xf32>,
      } else {
      }
      %gt3A = arith.constant 0 : i32
      %gt3A_58 = arith.cmpi sgt, %arg1, %gt3A : i32
      %convert_element_type3A_59 = arith.extui %gt3A_58 : i1 to i32
      %cond3A_60 = arith.constant 0 : i32
      %cond3A_61 = arith.cmpi ne, %convert_element_type3A_59, %cond3A_60 : i32
      scf.if %cond3A_61 {
        %get3A_62 = arith.constant 0 : index
        %get3A_63 = arith.constant 0 : index
        %get3A_64 = vector.load %arg11[%get3A_62, %get3A_63] : memref<2x128xf32, #tpu.memory_space<vmem>>, vector<2x128xf32>
        %add3A_65 = arith.addf %get3A_64, %concatenate3A : vector<2x128xf32>
        %swap3A_66 = arith.constant 0 : index
        %swap3A_67 = arith.constant 0 : index
        %swap3A_68 = vector.load %arg11[%swap3A_66, %swap3A_67] : memref<2x128xf32, #tpu.memory_space<vmem>>, vector<2x128xf32>
        tpu.vector_store %arg11[%swap3A_66, %swap3A_67], %add3A_65 {strides = array<i32>} : memref<2x128xf32, #tpu.memory_space<vmem>>, vector<2x128xf32>,
      } else {
      }
    } else {
    }
    %eq3A_7 = arith.constant 1 : i32
    %eq3A_8 = arith.cmpi eq, %arg0, %eq3A_7 : i32
    %convert_element_type3A_9 = arith.extui %eq3A_8 : i1 to i32
    %cond3A_10 = arith.constant 0 : i32
    %cond3A_11 = arith.cmpi ne, %convert_element_type3A_9, %cond3A_10 : i32
    scf.if %cond3A_11 {
      %get3A_12 = arith.constant 0 : index
      %get3A_13 = arith.constant 0 : index
      %get3A_14 = vector.load %arg11[%get3A_12, %get3A_13] : memref<2x128xf32, #tpu.memory_space<vmem>>, vector<1x128xf32>
      %mul3A = arith.constant 9.99999974E-5 : f32
      %mul3A_15 = vector.broadcast %mul3A : f32 to vector<1x128xf32>
      %mul3A_16 = arith.mulf %get3A_14, %mul3A_15 : vector<1x128xf32>
      %get3A_17 = arith.constant 1 : index
      %get3A_18 = arith.constant 0 : index
      %get3A_19 = vector.load %arg11[%get3A_17, %get3A_18] : memref<2x128xf32, #tpu.memory_space<vmem>>, vector<1x128xf32>
      %mul3A_20 = arith.constant 9.99999974E-5 : f32
      %mul3A_21 = vector.broadcast %mul3A_20 : f32 to vector<1x128xf32>
      %mul3A_22 = arith.mulf %get3A_19, %mul3A_21 : vector<1x128xf32>
      %mul3A_23 = arith.mulf %mul3A_16, %mul3A_16 : vector<1x128xf32>
      %sub3A = arith.subf %mul3A_22, %mul3A_23 : vector<1x128xf32>
      %get3A_24 = arith.constant 0 : index
      %get3A_25 = arith.constant 0 : index
      %get3A_26 = vector.load %arg6[%get3A_24, %get3A_25] : memref<1x128xf32, #tpu.memory_space<vmem>>, vector<1x128xf32>
      %mul3A_27 = arith.constant 5120 : i32
      %mul3A_28 = arith.muli %arg1, %mul3A_27 : i32
      %get3A_29 = arith.index_cast %mul3A_28 : i32 to index
      %get3A_30 = arith.constant 0 : index
      %get3A_31 = vector.load %arg10[%get3A_29, %get3A_30] : memref<10240x128xf32, #tpu.memory_space<vmem>>, vector<5120x128xf32>
      %sub3A_32 = vector.broadcast %mul3A_16 : vector<1x128xf32> to vector<5120x128xf32>
      %sub3A_33 = arith.subf %get3A_31, %sub3A_32 : vector<5120x128xf32>
      %mul3A_34 = vector.broadcast %get3A_26 : vector<1x128xf32> to vector<5120x128xf32>
      %mul3A_35 = arith.mulf %mul3A_34, %sub3A_33 : vector<5120x128xf32>
      %add3A_36 = arith.constant 9.99999974E-6 : f32
      %add3A_37 = vector.broadcast %add3A_36 : f32 to vector<1x128xf32>
      %add3A_38 = arith.addf %sub3A, %add3A_37 : vector<1x128xf32>
      %rsqrt3A_39 = math.rsqrt %add3A_38 : vector<1x128xf32>
      %mul3A_40 = vector.broadcast %rsqrt3A_39 : vector<1x128xf32> to vector<5120x128xf32>
      %mul3A_41 = arith.mulf %mul3A_35, %mul3A_40 : vector<5120x128xf32>
      %get3A_42 = arith.constant 0 : index
      %get3A_43 = arith.constant 0 : index
      %get3A_44 = vector.load %arg7[%get3A_42, %get3A_43] : memref<1x128xf32, #tpu.memory_space<vmem>>, vector<1x128xf32>
      %add3A_45 = vector.broadcast %get3A_44 : vector<1x128xf32> to vector<5120x128xf32>
      %add3A_46 = arith.addf %mul3A_41, %add3A_45 : vector<5120x128xf32>
      %max3A = arith.constant 0.000000e+00 : f32
      %max3A_47 = vector.broadcast %max3A : f32 to vector<5120x128xf32>
      %max3A_48 = arith.maximumf %add3A_46, %max3A_47 : vector<5120x128xf32>
      %get3A_49 = arith.constant 0 : index
      %get3A_50 = arith.constant 0 : index
      %get3A_51 = vector.load %arg8[%get3A_49, %get3A_50] : memref<128x128xf32, #tpu.memory_space<vmem>>, vector<128x128xf32>
      %dot_general3A = arith.constant dense<0.000000e+00> : vector<5120x128xf32>
      %dot_general3A_52 = tpu.matmul %max3A_48, %get3A_51, %dot_general3A {dimension_numbers = #tpu.dot_dimension_numbers<[1], [0], [0], [1], [0, 0, 1, 1], [], []>, transpose_lhs_hint = false} : vector<5120x128xf32>, vector<128x128xf32>, vector<5120x128xf32> -> vector<5120x128xf32>
      %mul3A_53 = vector.broadcast %broadcast_in_dim3A : vector<5120x1xf32> to vector<5120x128xf32>
      %mul3A_54 = arith.mulf %dot_general3A_52, %mul3A_53 : vector<5120x128xf32>
      %swap3A = arith.constant 0 : index
      %swap3A_55 = arith.constant 0 : index
      %swap3A_56 = vector.load %arg9[%swap3A, %swap3A_55] : memref<5120x128xf32, #tpu.memory_space<vmem>>, vector<5120x128xf32>
      tpu.vector_store %arg9[%swap3A, %swap3A_55], %mul3A_54 {strides = array<i32>} : memref<5120x128xf32, #tpu.memory_space<vmem>>, vector<5120x128xf32>,
    } else {
    }
    return
  }
  func.func @transform_0(%arg0: i32, %arg1: i32) -> (i32, i32, i32) {
    %sub3A = arith.constant 1 : i32
    %sub3A_0 = arith.subi %sub3A, %arg0 : i32
    %mul3A = arith.muli %arg1, %sub3A_0 : i32
    %c0_i32 = arith.constant 0 : i32
    %c0_i32_1 = arith.constant 0 : i32
    %c0_i32_2 = arith.constant 0 : i32
    return %c0_i32, %mul3A, %c0_i32_1 : i32, i32, i32
  }
  func.func @transform_1(%arg0: i32, %arg1: i32) -> (i32, i32) {
    %sub3A = arith.constant 1 : i32
    %sub3A_0 = arith.subi %sub3A, %arg0 : i32
    %mul3A = arith.muli %arg1, %sub3A_0 : i32
    %c0_i32 = arith.constant 0 : i32
    %c0_i32_1 = arith.constant 0 : i32
    return %mul3A, %c0_i32 : i32, i32
  }
  func.func @transform_2(%arg0: i32, %arg1: i32) -> (i32, i32) {
    %c0_i32 = arith.constant 0 : i32
    %c0_i32_0 = arith.constant 0 : i32
    return %c0_i32, %arg1 : i32, i32
  }
  func.func @transform_3(%arg0: i32, %arg1: i32) -> (i32, i32) {
    %c0_i32 = arith.constant 0 : i32
    %c0_i32_0 = arith.constant 0 : i32
    %c0_i32_1 = arith.constant 0 : i32
    return %c0_i32, %c0_i32_0 : i32, i32
  }
  func.func @transform_4(%arg0: i32, %arg1: i32) -> (i32, i32) {
    %c0_i32 = arith.constant 0 : i32
    %c0_i32_0 = arith.constant 0 : i32
    %c0_i32_1 = arith.constant 0 : i32
    return %c0_i32, %c0_i32_0 : i32, i32
  }
  func.func @transform_5(%arg0: i32, %arg1: i32) -> (i32, i32) {
    %c0_i32 = arith.constant 0 : i32
    %c0_i32_0 = arith.constant 0 : i32
    %c0_i32_1 = arith.constant 0 : i32
    return %c0_i32, %c0_i32_0 : i32, i32
  }
  func.func @transform_6(%arg0: i32, %arg1: i32) -> (i32, i32) {
    %c0_i32 = arith.constant 0 : i32
    %c0_i32_0 = arith.constant 0 : i32
    %c0_i32_1 = arith.constant 0 : i32
    return %c0_i32, %c0_i32_0 : i32, i32
  }
  func.func @transform_7(%arg0: i32, %arg1: i32) -> (i32, i32) {
    %c0_i32 = arith.constant 0 : i32
    %c0_i32_0 = arith.constant 0 : i32
    return %arg1, %c0_i32 : i32, i32
  }
}

</mosaic_0001>

<sc_bundles>
// kernel: kernel.11.cloned.1.call-start
scs
__scs_entry_jumppad:
0x0: {  	(pc) =	sbr.rel $0x88, $3  }
0x1: {  	(tag) =	ssettag $0x0;
	lr =	simm.s32 $0x1  }
0x2: {  	[smem:$0x3F99] =	sst lr;
	_ =	strace $0xD0000000  }
0x3: {  	_ = 	snop  }
0x4: {  	_ = 	snop  }
0x5: {  	_ = 	snop  }
0x6: {  	_ = 	snop  }
0x7: {  	_ = 	snop  }
__scs_overlays_trampoline_lowered:
0x8: {  	[smem:$0x3FA8] =	sst s0  }
0x9: {  	[smem:$0x3FA9] =	sst s1  }
0xa: {  	[smem:$0x3FAA] =	sst s2  }
0xb: {  	[smem:$0x3FAB] =	sst s3  }
0xc: {  	[smem:$0x3FAC] =	sst s4  }
0xd: {  	[smem:$0x3FAD] =	sst s5  }
0xe: {  	[smem:$0x3FAE] =	sst s6  }
0xf: {  	[smem:$0x3FAF] =	sst s7  }
0x10: {  	[smem:$0x3FB0] =	sst s8  }
0x11: {  	[smem:$0x3FB1] =	sst s9;
	s0 =	simm.s32 @!p0 $0x0  }
0x12: {  	s1 =	sld [smem:$0x3F97];
	s0 =	simm.s32 @p0 $0x1  }
0x13: {  	[smem:$0x3FB2] =	sst s0;
	s0 =	simm.s32 @!p1 $0x0  }
0x14: {  	s2 =	sld [smem:$0x3F96];
	s0 =	simm.s32 @p1 $0x1  }
0x15: {  	[smem:$0x3FB3] =	sst s0;
	s0 =	simm.s32 @!p2 $0x0  }
0x16: {  	s3 =	sld [smem:$0x3FDB];
	s0 =	simm.s32 @p2 $0x1  }
0x17: {  	s4 =	simm.s32 $0x1BF5;
	[smem:$0x3FB5] =	sst s0  }
0x18: {  	s0 =	sld [smem:$0x3F98];
	_ =	swait.ge [sflag:s4], $0x0  }
0x19: {  	s7 =	sld [smem:$0x3F99]  }
0x1a: {  	s8 =	sadd.s32 $0xFFFFE003, lr  }
0x1b: {  	s9 =	sadd.s32 $0xFFFFFEF7, lr;
	s5 =	simm.s32 $0xFFFFFFFF;
	p2 =	slt.u32 s8, $0xFFFFF086  }
0x1c: {  	p1 =	slt.u32 s9, $0xF7A;
	s5 =	simm.s32 @!p2 $0x0  }
0x1d: {  	s5 =	simm.s32 @p1 $0x1;
	p0 =	seq.s32 s7, s2  }
0x1e: {  	s7 =	smul.u32 @!p0 $0xF7A, s2;
	p2 =	seq.s32 @!p0 s5, $0x0  }
0x1f: {  	s9 =	smul.u32 $0xF7A, s1;
	s8 =	simm.s32 @!p0 $0x1BF5;
	p2 =	por !p2, p0  }
0x20: {  	[sflag:s8] =	ssyncset.s32 @!p0 $0xFFFFF086;
	s6 =	sadd.s32 @!p0 s3, s7;
	s7 =	simm.s32 @!p0 $0x108  }
0x21: {  	s3 =	sadd.s32 s3, s9;
	s6 =	sadd.s32 @!p0 $0x88, s6;
	s7 =	simm.s32 @p2 $0x1082  }
0x22: {  	[simem:s7], [sflag:s8] =	dma.local @!p0 [hbm:s6], $0xF7A  }
0x23: {  	s9 =	sor.u32 $0xD0000000, s2;
	s6 =	simm.s32 $0x108;
	_ =	swait.ge @!p0 [sflag:s8], $0x0  }
0x24: {  	s3 =	sadd.s32 $0x88, s3;
	s6 =	simm.s32 @!p1 $0x1082;
	[sflag:s4] =	ssyncset.s32 $0xFFFFF086  }
0x25: {  	[simem:s6], [sflag:s4] =	dma.local [hbm:s3], $0xF7A  }
0x26: {  	[smem:$0x3F99] =	sst s1;
	(tag) =	ssettag s2;
	_ =	strace s9  }
0x27: {  	s1 =	sld [smem:$0x3FA9]  }
0x28: {  	s2 =	sld [smem:$0x3FAA]  }
0x29: {  	s4 =	sld [smem:$0x3FAC]  }
0x2a: {  	p0 =	seq.s32 s5, $0x0;
	s5 =	sld [smem:$0x3FAD]  }
0x2b: {  	s6 =	sld [smem:$0x3FAE]  }
0x2c: {  	s7 =	sld [smem:$0x3FAF]  }
0x2d: {  	s3 =	simm.s32 $0x108;
	s8 =	sld [smem:$0x3FB0]  }
0x2e: {  	s3 =	simm.s32 @!p0 $0x1082;
	s9 =	sld [smem:$0x3FB1]  }
0x2f: {  	lr =	sadd.s32 s0, s3;
	s0 =	sld [smem:$0x3FA8]  }
0x30: {  	s3 =	sld [smem:$0x3FAB]  }
0x31: {  	[smem:$0x3FB4] =	sst s10  }
0x32: {  	s10 =	sld [smem:$0x3FB2];
	_ =	sdelay $0x3  }
0x33: {  	p0 =	seq.s32 s10, $0x1;
	s10 =	sld [smem:$0x3FB4];
	_ =	sdelay $0x3  }
0x34: {  	[smem:$0x3FB4] =	sst s10  }
0x35: {  	s10 =	sld [smem:$0x3FB3];
	_ =	sdelay $0x3  }
0x36: {  	p1 =	seq.s32 s10, $0x1;
	s10 =	sld [smem:$0x3FB4];
	_ =	sdelay $0x3  }
0x37: {  	[smem:$0x3FB4] =	sst s10  }
0x38: {  	s10 =	sld [smem:$0x3FB5]  }
0x39: {  	_ = 	snop;
	(pc) =	sbr.ind lr, $3  }
0x3a: {  	_ = 	snop  }
0x3b: {  	_ = 	snop  }
0x3c: {  	p2 =	seq.s32 s10, $0x1;
	s10 =	sld [smem:$0x3FB4]  }
0x3d: {  	_ =	shalt  }
0x3e: {  	_ =	shalt  }
0x3f: {  	_ =	shalt  }
0x40: {  	_ =	shalt  }
0x41: {  	_ =	shalt  }
0x42: {  	_ =	shalt  }
0x43: {  	_ =	shalt  }
0x44: {  	_ =	shalt  }
0x45: {  	_ =	shalt  }
0x46: {  	_ =	shalt  }
0x47: {  	_ =	shalt  }
0x48: {  	_ =	shalt  }
0x49: {  	_ =	shalt  }
0x4a: {  	_ =	shalt  }
0x4b: {  	_ =	shalt  }
0x4c: {  	_ =	shalt  }
0x4d: {  	_ =	shalt  }
0x4e: {  	_ =	shalt  }
0x4f: {  	_ =	shalt  }
0x50: {  	_ =	shalt  }
0x51: {  	_ =	shalt  }
0x52: {  	_ =	shalt  }
0x53: {  	_ =	shalt  }
0x54: {  	_ =	shalt  }
0x55: {  	_ =	shalt  }
0x56: {  	_ =	shalt  }
0x57: {  	_ =	shalt  }
0x58: {  	_ =	shalt  }
0x59: {  	_ =	shalt  }
0x5a: {  	_ =	shalt  }
0x5b: {  	_ =	shalt  }
0x5c: {  	_ =	shalt  }
0x5d: {  	_ =	shalt  }
0x5e: {  	_ =	shalt  }
0x5f: {  	_ =	shalt  }
0x60: {  	_ =	shalt  }
0x61: {  	_ =	shalt  }
0x62: {  	_ =	shalt  }
0x63: {  	_ =	shalt  }
0x64: {  	_ =	shalt  }
0x65: {  	_ =	shalt  }
0x66: {  	_ =	shalt  }
0x67: {  	_ =	shalt  }
0x68: {  	_ =	shalt  }
0x69: {  	_ =	shalt  }
0x6a: {  	_ =	shalt  }
0x6b: {  	_ =	shalt  }
0x6c: {  	_ =	shalt  }
0x6d: {  	_ =	shalt  }
0x6e: {  	_ =	shalt  }
0x6f: {  	_ =	shalt  }
0x70: {  	_ =	shalt  }
0x71: {  	_ =	shalt  }
0x72: {  	_ =	shalt  }
0x73: {  	_ =	shalt  }
0x74: {  	_ =	shalt  }
0x75: {  	_ =	shalt  }
0x76: {  	_ =	shalt  }
0x77: {  	_ =	shalt  }
0x78: {  	_ =	shalt  }
0x79: {  	_ =	shalt  }
0x7a: {  	_ =	shalt  }
0x7b: {  	_ =	shalt  }
0x7c: {  	_ =	shalt  }
0x7d: {  	_ =	shalt  }
0x7e: {  	_ =	shalt  }
0x7f: {  	_ =	shalt  }
0x80: {  	_ =	shalt  }
0x81: {  	_ =	shalt  }
0x82: {  	_ =	shalt  }
0x83: {  	_ =	shalt  }
0x84: {  	_ =	shalt  }
0x85: {  	_ =	shalt  }
0x86: {  	_ =	shalt  }
0x87: {  	_ =	shalt  }
.Lfunc_end0:
.L_simem_size_0:
called_computation.1_lowered:
.L_overlay_start_0:
0x88: {  	s2 =	sld [smem:$0x3FD9]  }
0x89: {  	s3 =	sld [smem:$0x3FFE];
	_ =	sdelay $0x1  }
0x8a: {  	s1 =	srdreg.scid  }
0x8b: {  	s0 =	sand.u32 $0x1, s1  }
0x8c: {  	s17 =	sshll.u32 s0, $0xA;
	s2 =	sadd.s32 s3, s2  }
0x8d: {  	s2 =	sadd.s32 s2, s17  }
0x8e: {  	[smem:$0x3FC0] =	sst s2  }
0x8f: {  	_ = 	snop  }
0x90: {  	s2 =	sld [smem:$0x3FD0];
	(tm) =	ssettm $0x1  }
0x91: {  	s18 =	sld [smem:$0x3FFB];
	_ =	sdelay $0x3  }
0x92: {  	_ =	strace s18  }
0x93: {  	s3 =	sld [smem:$0x3FFC];
	_ =	sdelay $0x3  }
0x94: {  	_ =	strace s3  }
0x95: {  	s3 =	sld [smem:$0x3FFD];
	_ =	sdelay $0x3  }
0x96: {  	_ =	strace s3  }
0x97: {  	_ =	strace $0x8FFFFFFF  }
0x98: {  	s19 =	sld [smem:$0x3FDB];
	_ =	sdelay $0x1  }
0x99: {  	s4 =	simm.s32 $_scs_section_size  }
0x9a: {  	s5 =	simm.s32 $_size__tile_overlayer_lowered;
	s6 =	simm.s32 $_tile_overlayer_lowered  }
0x9b: {  	s22 =	simm.s32 $0x1BFF;
	s21 =	sshll.u32 s6, $0x1;
	s3 =	sadd.s32 s4, s19  }
0x9c: {  	s7 =	simm.s32 $0x0;
	s20 =	sshll.u32 s5, $0x1;
	s5 =	sadd.s32 s21, s3  }
0x9d: {  	[timem:s7], [sflag:s22] =	dma.local [hbm:s5], s20  }
0x9e: {  	_ =	swait.ge [sflag:s22], s20  }
0x9f: {  	s4 =	ssub.s32 $0x0, s20;
	[sflag:s22] =	ssyncset.done $0x0  }
0xa0: {  	[sflag:s22] =	ssyncadd.s32 s4;
	_ =	sdelay $0x1  }
0xa1: {  	s23 =	simm.s32 $0x1B8B  }
0xa2: {  	_ =	swait.ge [sflag:s23], $0x1  }
0xa3: {  	[sflag:s23] =	ssyncset.done $0x0  }
0xa4: {  	s25 =	simm.s32 $0x1B8E;
	s24 =	sld [smem:$0x3FFE];
	[sflag:s23] =	ssyncadd.s32 $0xFFFFFFFF  }
0xa5: {  	s26 =	simm.s32 $execute0_lowered;
	[smem:$0x3FD2] =	sst s25  }
0xa6: {  	s5 =	sshll.u32 s26, $0x1;
	_ =	strace $0x80000049;
	[dreg:$0x1] =	wrdreg $0xFFFFFFFF  }
0xa7: {  	s28 =	simm.s32 $_size_execute0_lowered;
	s3 =	sadd.s32 s3, s5;
	[dreg:$0x0] =	wrdreg $0x0  }
0xa8: {  	s5 =	sshll.u32 s28, $0x1;
	[dreg:$0x2] =	wrdreg s3  }
0xa9: {  	[dreg:$0x3] =	wrdreg s5  }
0xaa: {  	[dreg:$0x4] =	wrdreg $0xC0  }
0xab: {  	_ =	task [dreg:s7], $0x5FFFF  }
0xac: {  	[dreg:$0x1] =	wrdreg $0xFFFFFFFF  }
0xad: {  	[dreg:$0x0] =	wrdreg $0x60  }
0xae: {  	[dreg:$0x2] =	wrdreg s2  }
0xaf: {  	[dreg:$0x3] =	wrdreg s24  }
0xb0: {  	[dreg:$0x4] =	wrdreg $0xA1000  }
0xb1: {  	[dreg:$0x5] =	wrdreg $0x9  }
0xb2: {  	_ =	task.clear_ibuf [dreg:s7], $0x6FFFF;
	_ =	strace $0x90000049  }
0xb3: {  	s29 =	simm.s32 $0x9;
	_ =	strace $0x8000004B  }
0xb4: {  	_ =	swait.ge [sflag:s29], $0x1  }
0xb5: {  	[sflag:s29] =	ssyncadd.s32 $0xFFFFFFFF  }
0xb6: {  	_ =	strace $0x9000004B  }
0xb7: {  	_ =	sfence  }
0xb8: {  	s30 =	sld [smem:$0x0];
	_ =	sdelay $0x2  }
0xb9: {  	s31 =	sshll.u32 s1, $0xD;
	s1 =	sshrl.u32 s1, $0x2  }
0xba: {  	s3 =	sand.u32 $0x4000, s31;
	s1 =	sadd.s32 s1, s30  }
0xbb: {  	s0 =	sor.u32 s3, s0;
	s1 =	sshll.u32 s1, $0x11  }
0xbc: {  	s0 =	sor.u32 s1, s0  }
0xbd: {  	s0 =	sadd.s32 $0x8F2B, s0  }
0xbe: {  	[sflag:s0] =	ssyncadd.remote.s32 $0x1  }
0xbf: {  	_ =	sfence.sel $0xFFFF  }
0xc0: {  	[dreg:$0x0] =	wrdreg $0xFFFFFFFF;
	(pc) =	sbr.abs _section_cstart, $3  }
0xc1: {  	[dreg:$0x1] =	wrdreg $0xFFFFFFFF  }
0xc2: {  	_ =	task.clear_ibuf [dreg:s7], $0x2FFFF;
	_ =	strace $0x9FFFFFFF  }
0xc3: {  	(tm) =	ssettm $0x7FFFFFFF  }
tec
execute0_lowered:
.L_overlay_start_1:
0x0: {  	(tag) =	ssettag $0x1  }
0x1: {  	s2 =	rddreg [dreg:$0x0]  }
0x2: {  	s0 =	srdreg.scid;
	s6 =	rddreg [dreg:$0x1]  }
0x3: {  	s12 =	stileid.u32;
	s3 =	rddreg [dreg:$0x2];
	s4 =	simm.s32 $0x0  }
0x4: {  	s28 =	simm.s32 $0x1;
	s29 =	simm.s32 $0x50;
	s7 =	smul.u32 $0x14000, s12  }
0x5: {  	s30 =	simm.s32 $0x2780;
	s31 =	simm.s32 $0x5100;
	s13 =	smul.u32 $0x50000, s12  }
0x6: {  	s0 =	sand.u32 $0x1, s0;
	[smem:$0x7FF] =	sst s4;
	s20 =	smul.u32 $0x2710, s12  }
0x7: {  	s1 =	sshll.u32 s0, $0x4;
	s5 =	smul.u32 $0x140000, s0;
	_ =	strace $0x8000004A  }
0x8: {  	s9 =	ssub.s32 $0x2, s0;
	s0 =	smul.u32 $0x27100, s0;
	s1 =	sor.u32 s12, s1  }
0x9: {  	s10 =	sshrl.u32 s9, $0x1;
	s1 =	smul.u32 $0x2710, s1;
	s5 =	sadd.s32 s7, s5  }
0xa: {  	s9 =	ssub.s32 s9, s10;
	s0 =	sadd.s32 s20, s0;
	s10 =	simm.s32 $0x0  }
0xb: {  	s8 =	sshrl.u32 s5, $0x3;
	s5 =	sadd.s32 $0xCA00, s6;
	s17 =	smax.u32 s9, $0x1  }
0xc: {  	s26 =	sadd.s32 $0x140, s0;
	s1 =	sshrl.u32 s1, $0x3;
	s8 =	sadd.s32 s8, s6  }
0xd: {  	[dreg:$0x8] =	wrdreg s17;
	s11 =	sadd.s32 s1, s6;
	s16 =	sadd.s32 $0x16800, s8  }
0xe: {  	s6 =	sadd.s32 s5, s1;
	s7 =	sadd.s32 $0x2C00, s11;
	[dreg:$0x7] =	wrdreg s16  }
0xf: {  	s1 =	sshrl.u32 s13, $0x2;
	s14 =	sadd.s32 $0xA, s6;
	[dreg:$0x4] =	wrdreg s7  }
0x10: {  	s15 =	sadd.s32 $0x14, s6;
	s11 =	sadd.s32 s1, s3;
	[dreg:$0x5] =	wrdreg s14  }
0x11: {  	s9 =	simm.s32 $0x3;
	[dreg:$0x6] =	wrdreg s15;
	s18 =	sadd.s32 $0x2800, s11  }
0x12: {  	s8 =	simm.s32 $0x2;
	s19 =	sadd.s32 $0x5000, s11;
	[dreg:$0x9] =	wrdreg s18  }
0x13: {  	s20 =	sadd.s32 $0x4CE, s6;
	s21 =	sadd.s32 $0x7800, s11;
	[dreg:$0xa] =	wrdreg s19  }
0x14: {  	s1 =	sadd.s32 $0x190, s0;
	s22 =	sadd.s32 $0xA000, s11;
	[dreg:$0xb] =	wrdreg s21  }
0x15: {  	s23 =	sadd.s32 $0xC800, s11;
	s24 =	sadd.s32 $0xF000, s11;
	[dreg:$0xc] =	wrdreg s22  }
0x16: {  	s25 =	sadd.s32 $0x11800, s11;
	s1 =	sshrl.u32 s1, $0x3;
	[dreg:$0xd] =	wrdreg s23  }
0x17: {  	s7 =	sshrl.u32 s26, $0x3;
	s26 =	simm.s32 $0x4;
	[dreg:$0xe] =	wrdreg s24  }
0x18: {  	[dreg:$0xf] =	wrdreg s25;
	s21 =	sadd.s32 $0x4D8, s6;
	s16 =	sadd.s32 s1, s5  }
0x19: {  	s23 =	sadd.s32 s7, s5;
	s24 =	sadd.s32 $0xF0, s0;
	s25 =	simm.s32 $0x2900  }
0x1a: {  	v0 =	vimm.f32 $0.0e+00;
	s1 =	simm.s32 $0x2800;
	s0 =	simm.s32 $0x7900;
	s7 =	simm.s32 $0x2880  }
.LBB2_1:
0x1b: {  	s12 =	rddreg [dreg:$0x4]  }
0x1c: {  	[tilespmem:s4], [sflag:$0x1] =	stream.linear.gather [hbm4b:s12+s4], $0x2710, $0x38;
	[tilespmem:$0x1E100] =	vst v63  }
0x1d: {  	s12 =	simm.s32 $0x2A00  }
0x1e: {  	[tilespmem:s12+$0xFFFFFF00] =	vst v0  }
0x1f: {  	[tilespmem:s12+$0xF0] =	vst v0  }
0x20: {  	[tilespmem:s12+$0xE0] =	vst v0  }
0x21: {  	[tilespmem:s12+$0xD0] =	vst v0  }
0x22: {  	[tilespmem:s12+$0xC0] =	vst v0  }
0x23: {  	[tilespmem:s12+$0xB0] =	vst v0  }
0x24: {  	[tilespmem:s12+$0xA0] =	vst v0  }
0x25: {  	[tilespmem:s12+$0x90] =	vst v0  }
0x26: {  	[tilespmem:s12+$0x80] =	vst v0  }
0x27: {  	[tilespmem:s12+$0x70] =	vst v0  }
0x28: {  	[tilespmem:s12+$0x60] =	vst v0  }
0x29: {  	[tilespmem:s12+$0x50] =	vst v0  }
0x2a: {  	[tilespmem:s12+$0x40] =	vst v0  }
0x2b: {  	[tilespmem:s12+$0x30] =	vst v0  }
0x2c: {  	[tilespmem:s12+$0x20] =	vst v0  }
0x2d: {  	[tilespmem:s12+$0x10] =	vst v0  }
0x2e: {  	[tilespmem:s12+$0x0] =	vst v0  }
0x2f: {  	[tilespmem:s12+$0xFFFFFFF0] =	vst v0  }
0x30: {  	[tilespmem:s12+$0xFFFFFFE0] =	vst v0  }
0x31: {  	[tilespmem:s12+$0xFFFFFFD0] =	vst v0  }
0x32: {  	[tilespmem:s12+$0xFFFFFFC0] =	vst v0  }
0x33: {  	[tilespmem:s12+$0xFFFFFFB0] =	vst v0  }
0x34: {  	[tilespmem:s12+$0xFFFFFFA0] =	vst v0  }
0x35: {  	[tilespmem:s12+$0xFFFFFF90] =	vst v0  }
0x36: {  	[tilespmem:s12+$0xFFFFFF80] =	vst v0  }
0x37: {  	[tilespmem:s12+$0xFFFFFF70] =	vst v0  }
0x38: {  	[tilespmem:s12+$0xFFFFFF60] =	vst v0  }
0x39: {  	[tilespmem:s12+$0xFFFFFF50] =	vst v0  }
0x3a: {  	[tilespmem:s12+$0xFFFFFF40] =	vst v0  }
0x3b: {  	[tilespmem:s12+$0xFFFFFF30] =	vst v0  }
0x3c: {  	s13 =	simm.s32 $0x0;
	[tilespmem:s12+$0xFFFFFF20] =	vst v0  }
.LBB2_2:
0x3d: {  	s13 =	sadd.s32 $0x4, s13;
	[tilespmem:s12+$0xFFFFFF10] =	vst v0;
	s12 =	sadd.s32 $0x200, s12  }
0x3e: {  	[tilespmem:s12+$0xFFFFFF00] =	vst v0;
	p0 =	slt.u32 s13, $0x4C  }
0x3f: {  	[tilespmem:s12+$0xF0] =	vst v0  }
0x40: {  	[tilespmem:s12+$0xE0] =	vst v0  }
0x41: {  	[tilespmem:s12+$0xD0] =	vst v0  }
0x42: {  	[tilespmem:s12+$0xC0] =	vst v0  }
0x43: {  	[tilespmem:s12+$0xB0] =	vst v0  }
0x44: {  	[tilespmem:s12+$0xA0] =	vst v0  }
0x45: {  	[tilespmem:s12+$0x90] =	vst v0  }
0x46: {  	[tilespmem:s12+$0x80] =	vst v0  }
0x47: {  	[tilespmem:s12+$0x70] =	vst v0  }
0x48: {  	[tilespmem:s12+$0x60] =	vst v0  }
0x49: {  	[tilespmem:s12+$0x50] =	vst v0  }
0x4a: {  	[tilespmem:s12+$0x40] =	vst v0  }
0x4b: {  	[tilespmem:s12+$0x30] =	vst v0  }
0x4c: {  	[tilespmem:s12+$0x20] =	vst v0  }
0x4d: {  	[tilespmem:s12+$0x10] =	vst v0  }
0x4e: {  	[tilespmem:s12+$0x0] =	vst v0  }
0x4f: {  	[tilespmem:s12+$0xFFFFFFF0] =	vst v0  }
0x50: {  	[tilespmem:s12+$0xFFFFFFE0] =	vst v0  }
0x51: {  	[tilespmem:s12+$0xFFFFFFD0] =	vst v0  }
0x52: {  	[tilespmem:s12+$0xFFFFFFC0] =	vst v0  }
0x53: {  	[tilespmem:s12+$0xFFFFFFB0] =	vst v0  }
0x54: {  	[tilespmem:s12+$0xFFFFFFA0] =	vst v0  }
0x55: {  	[tilespmem:s12+$0xFFFFFF90] =	vst v0  }
0x56: {  	[tilespmem:s12+$0xFFFFFF80] =	vst v0  }
0x57: {  	[tilespmem:s12+$0xFFFFFF70] =	vst v0  }
.Ltmp0:
0x58: {  	[tilespmem:s12+$0xFFFFFF60] =	vst v0;
	(pc) =	sbr.rel @p0 .LBB2_2-.Ltmp0, $4  }
0x59: {  	[tilespmem:s12+$0xFFFFFF50] =	vst v0  }
0x5a: {  	[tilespmem:s12+$0xFFFFFF40] =	vst v0  }
0x5b: {  	[tilespmem:s12+$0xFFFFFF30] =	vst v0  }
0x5c: {  	[tilespmem:s12+$0xFFFFFF20] =	vst v0  }
0x5d: {  	[tilespmem:s12+$0xFFFFFF10] =	vst v0  }
0x5e: {  	[spmem:s11] =	stream.linear.scatter [tilespmem:s25], [sflag:$0x4], $0x2800, $0x38;
	[tilespmem:$0x1E100] =	vst v63  }
0x5f: {  	_ =	swait.ge [sflag:s26], $0x2800  }
0x60: {  	[sflag:s26] =	ssyncset.done $0x0  }
0x61: {  	s19 =	rddreg [dreg:$0x9];
	[sflag:s26] =	ssyncadd.s32 $0xFFFFD800  }
0x62: {  	[spmem:s19] =	stream.linear.scatter [tilespmem:s25], [sflag:$0x4], $0x2800, $0x38;
	[tilespmem:$0x1E100] =	vst v63  }
0x63: {  	_ =	swait.ge [sflag:s26], $0x2800  }
0x64: {  	[sflag:s26] =	ssyncset.done $0x0  }
0x65: {  	s22 =	rddreg [dreg:$0xa];
	[sflag:s26] =	ssyncadd.s32 $0xFFFFD800  }
0x66: {  	[spmem:s22] =	stream.linear.scatter [tilespmem:s25], [sflag:$0x4], $0x2800, $0x38;
	[tilespmem:$0x1E100] =	vst v63  }
0x67: {  	_ =	swait.ge [sflag:s26], $0x2800  }
0x68: {  	[sflag:s26] =	ssyncset.done $0x0  }
0x69: {  	s13 =	rddreg [dreg:$0xb];
	[sflag:s26] =	ssyncadd.s32 $0xFFFFD800  }
0x6a: {  	[spmem:s13] =	stream.linear.scatter [tilespmem:s25], [sflag:$0x4], $0x2800, $0x38;
	[tilespmem:$0x1E100] =	vst v63  }
0x6b: {  	_ =	swait.ge [sflag:s26], $0x2800  }
0x6c: {  	[sflag:s26] =	ssyncset.done $0x0  }
0x6d: {  	s14 =	rddreg [dreg:$0xc];
	[sflag:s26] =	ssyncadd.s32 $0xFFFFD800  }
0x6e: {  	[spmem:s14] =	stream.linear.scatter [tilespmem:s25], [sflag:$0x4], $0x2800, $0x38;
	[tilespmem:$0x1E100] =	vst v63  }
0x6f: {  	_ =	swait.ge [sflag:s26], $0x2800  }
0x70: {  	[sflag:s26] =	ssyncset.done $0x0  }
0x71: {  	s15 =	rddreg [dreg:$0xd];
	[sflag:s26] =	ssyncadd.s32 $0xFFFFD800  }
0x72: {  	[spmem:s15] =	stream.linear.scatter [tilespmem:s25], [sflag:$0x4], $0x2800, $0x38;
	[tilespmem:$0x1E100] =	vst v63  }
0x73: {  	_ =	swait.ge [sflag:s26], $0x2800  }
0x74: {  	[sflag:s26] =	ssyncset.done $0x0  }
0x75: {  	s17 =	rddreg [dreg:$0xe];
	[sflag:s26] =	ssyncadd.s32 $0xFFFFD800  }
0x76: {  	[spmem:s17] =	stream.linear.scatter [tilespmem:s25], [sflag:$0x4], $0x2800, $0x38;
	[tilespmem:$0x1E100] =	vst v63  }
0x77: {  	_ =	swait.ge [sflag:s26], $0x2800  }
0x78: {  	[sflag:s26] =	ssyncset.done $0x0  }
0x79: {  	s18 =	rddreg [dreg:$0xf];
	[sflag:s26] =	ssyncadd.s32 $0xFFFFD800  }
0x7a: {  	[spmem:s18] =	stream.linear.scatter [tilespmem:s25], [sflag:$0x4], $0x2800, $0x38;
	[tilespmem:$0x1E100] =	vst v63  }
0x7b: {  	_ =	swait.ge [sflag:s26], $0x2800  }
0x7c: {  	[sflag:s26] =	ssyncset.done $0x0  }
0x7d: {  	[sflag:s26] =	ssyncadd.s32 $0xFFFFD800  }
0x7e: {  	_ =	swait.ge [sflag:s28], $0x2710  }
0x7f: {  	[sflag:s28] =	ssyncset.done $0x0  }
0x80: {  	s19 =	simm.s32 $0x0;
	[sflag:s28] =	ssyncadd.s32 $0xFFFFD8F0  }
0x81: {  	[tilespmem:s25], [sflag:$0x1] =	stream.indirect.gather [hbm4b:s2+s29], $0x80, s19, s29, $0xb8;
	[tilespmem:$0x1E100] =	vst v63  }
0x82: {  	_ = 	snop  }
0x83: {  	[tilespmem:s30], [sflag:$0x1] =	stream.linear.gather [hbm4b:s6+s19], $0x50, $0x38;
	[tilespmem:$0x1E100] =	vst v63  }
0x84: {  	_ = 	snop  }
0x85: {  	[tilespmem:s31], [sflag:$0x2] =	stream.indirect.gather [hbm4b:s2+s29], $0x80, s29, s29, $0xb8;
	[tilespmem:$0x1E100] =	vst v63  }
0x86: {  	s13 =	rddreg [dreg:$0x5]  }
0x87: {  	[tilespmem:s1], [sflag:$0x2] =	stream.linear.gather [hbm4b:s13+s19], $0x50, $0x38;
	[tilespmem:$0x1E100] =	vst v63  }
0x88: {  	s22 =	simm.s32 $0xA0  }
0x89: {  	[tilespmem:s0], [sflag:$0x3] =	stream.indirect.gather [hbm4b:s2+s29], $0x80, s22, s29, $0xb8;
	[tilespmem:$0x1E100] =	vst v63  }
0x8a: {  	s14 =	rddreg [dreg:$0x6]  }
0x8b: {  	[tilespmem:s7], [sflag:$0x3] =	stream.linear.gather [hbm4b:s14+s19], $0x50, $0x38;
	[tilespmem:$0x1E100] =	vst v63  }
0x8c: {  	[bflag:$0x0] =	sbarrier.arrive $0xFFFF  }
0x8d: {  	_ =	swait.ge [sflag:s28], $0x2800  }
0x8e: {  	[sflag:s28] =	ssyncset.done $0x0  }
0x8f: {  	[sflag:s28] =	ssyncadd.s32 $0xFFFFD800  }
0x90: {  	_ =	swait.ge [sflag:s28], $0x50  }
0x91: {  	[sflag:s28] =	ssyncset.done $0x0  }
0x92: {  	[sflag:s28] =	ssyncadd.s32 $0xFFFFFFB0  }
0x93: {  	[spmem:s3] =	stream.indirect.scatter.add.f32 [tilespmem:s25], [sflag:$0x4], $0x80, s30, s29, $0xb8;
	[tilespmem:$0x1E100] =	vst v63  }
0x94: {  	_ =	swait.ge [sflag:s26], $0x2800  }
0x95: {  	[sflag:s26] =	ssyncset.done $0x0  }
0x96: {  	s15 =	simm.s32 $0xF0;
	s17 =	sshrl.u32 s24, $0x3;
	[sflag:s26] =	ssyncadd.s32 $0xFFFFD800  }
0x97: {  	[tilespmem:s25], [sflag:$0x1] =	stream.indirect.gather [hbm4b:s2+s29], $0x80, s15, s29, $0xb8;
	[tilespmem:$0x1E100] =	vst v63  }
0x98: {  	s18 =	sadd.s32 s5, s17  }
0x99: {  	[tilespmem:s30], [sflag:$0x1] =	stream.linear.gather [hbm4b:s18+s4], $0x50, $0x38;
	[tilespmem:$0x1E100] =	vst v63  }
0x9a: {  	_ =	swait.ge [sflag:s8], $0x2800  }
0x9b: {  	[sflag:s8] =	ssyncset.done $0x0  }
0x9c: {  	[sflag:s8] =	ssyncadd.s32 $0xFFFFD800  }
0x9d: {  	_ =	swait.ge [sflag:s8], $0x50  }
0x9e: {  	[sflag:s8] =	ssyncset.done $0x0  }
0x9f: {  	[sflag:s8] =	ssyncadd.s32 $0xFFFFFFB0  }
0xa0: {  	[spmem:s3] =	stream.indirect.scatter.add.f32 [tilespmem:s31], [sflag:$0x4], $0x80, s1, s29, $0xb8;
	[tilespmem:$0x1E100] =	vst v63  }
0xa1: {  	_ =	swait.ge [sflag:s26], $0x2800  }
0xa2: {  	[sflag:s26] =	ssyncset.done $0x0  }
0xa3: {  	s19 =	simm.s32 $0x140;
	[sflag:s26] =	ssyncadd.s32 $0xFFFFD800  }
0xa4: {  	[tilespmem:s31], [sflag:$0x2] =	stream.indirect.gather [hbm4b:s2+s29], $0x80, s19, s29, $0xb8;
	[tilespmem:$0x1E100] =	vst v63  }
0xa5: {  	_ = 	snop  }
0xa6: {  	[tilespmem:s1], [sflag:$0x2] =	stream.linear.gather [hbm4b:s23+s4], $0x50, $0x38;
	[tilespmem:$0x1E100] =	vst v63  }
0xa7: {  	_ =	swait.ge [sflag:s9], $0x2800  }
0xa8: {  	[sflag:s9] =	ssyncset.done $0x0  }
0xa9: {  	[sflag:s9] =	ssyncadd.s32 $0xFFFFD800  }
0xaa: {  	_ =	swait.ge [sflag:s9], $0x50  }
0xab: {  	[sflag:s9] =	ssyncset.done $0x0  }
0xac: {  	[sflag:s9] =	ssyncadd.s32 $0xFFFFFFB0  }
0xad: {  	[spmem:s3] =	stream.indirect.scatter.add.f32 [tilespmem:s0], [sflag:$0x4], $0x80, s7, s29, $0xb8;
	[tilespmem:$0x1E100] =	vst v63  }
0xae: {  	_ =	swait.ge [sflag:s26], $0x2800  }
0xaf: {  	s12 =	simm.s32 $0x3C0;
	[sflag:s26] =	ssyncset.done $0x0  }
0xb0: {  	s13 =	sadd.s32 $0x1E, s16;
	s22 =	simm.s32 $0x190;
	[sflag:s26] =	ssyncadd.s32 $0xFFFFD800  }
0xb1: {  	[tilespmem:s0], [sflag:$0x3] =	stream.indirect.gather [hbm4b:s2+s29], $0x80, s22, s29, $0xb8;
	[tilespmem:$0x1E100] =	vst v63  }
0xb2: {  	s14 =	sadd.s32 $0x1E, s23;
	s15 =	sadd.s32 $0xF0, s24;
	s22 =	smov.u32 s16  }
.LBB2_4:
0xb3: {  	[tilespmem:s7], [sflag:$0x3] =	stream.linear.gather [hbm4b:s22+s4], $0x50, $0x38;
	[tilespmem:$0x1E100] =	vst v63  }
0xb4: {  	s17 =	smov.u32 s12;
	s22 =	smov.u32 s13  }
0xb5: {  	p0 =	sne.s32 s12, $0x9240;
	s12 =	sadd.s32 $0x3C0, s12;
	_ =	swait.ge [sflag:s28], $0x2800  }
0xb6: {  	[sflag:s28] =	ssyncset.done $0x0  }
0xb7: {  	[sflag:s28] =	ssyncadd.s32 $0xFFFFD800  }
0xb8: {  	_ =	swait.ge [sflag:s28], $0x50  }
0xb9: {  	[sflag:s28] =	ssyncset.done $0x0  }
0xba: {  	[sflag:s28] =	ssyncadd.s32 $0xFFFFFFB0  }
0xbb: {  	[spmem:s3] =	stream.indirect.scatter.add.f32 [tilespmem:s25], [sflag:$0x4], $0x80, s30, s29, $0xb8;
	[tilespmem:$0x1E100] =	vst v63  }
0xbc: {  	_ =	swait.ge [sflag:s26], $0x2800  }
0xbd: {  	s17 =	sshra.s32 s17, $0x2;
	[sflag:s26] =	ssyncset.done $0x0  }
0xbe: {  	s19 =	sshrl.u32 s15, $0x3;
	s18 =	sadd.s32 $0xF0, s17;
	[sflag:s26] =	ssyncadd.s32 $0xFFFFD800  }
0xbf: {  	[tilespmem:s25], [sflag:$0x1] =	stream.indirect.gather [hbm4b:s2+s29], $0x80, s18, s29, $0xb8;
	[tilespmem:$0x1E100] =	vst v63  }
0xc0: {  	s18 =	sadd.s32 s5, s19  }
0xc1: {  	[tilespmem:s30], [sflag:$0x1] =	stream.linear.gather [hbm4b:s18+s4], $0x50, $0x38;
	[tilespmem:$0x1E100] =	vst v63  }
0xc2: {  	_ =	swait.ge [sflag:s8], $0x2800  }
0xc3: {  	[sflag:s8] =	ssyncset.done $0x0  }
0xc4: {  	[sflag:s8] =	ssyncadd.s32 $0xFFFFD800  }
0xc5: {  	_ =	swait.ge [sflag:s8], $0x50  }
0xc6: {  	[sflag:s8] =	ssyncset.done $0x0  }
0xc7: {  	[sflag:s8] =	ssyncadd.s32 $0xFFFFFFB0  }
0xc8: {  	[spmem:s3] =	stream.indirect.scatter.add.f32 [tilespmem:s31], [sflag:$0x4], $0x80, s1, s29, $0xb8;
	[tilespmem:$0x1E100] =	vst v63  }
0xc9: {  	_ =	swait.ge [sflag:s26], $0x2800  }
0xca: {  	[sflag:s26] =	ssyncset.done $0x0  }
0xcb: {  	s18 =	sadd.s32 $0x140, s17;
	[sflag:s26] =	ssyncadd.s32 $0xFFFFD800  }
0xcc: {  	[tilespmem:s31], [sflag:$0x2] =	stream.indirect.gather [hbm4b:s2+s29], $0x80, s18, s29, $0xb8;
	[tilespmem:$0x1E100] =	vst v63  }
0xcd: {  	_ = 	snop  }
0xce: {  	[tilespmem:s1], [sflag:$0x2] =	stream.linear.gather [hbm4b:s14+s4], $0x50, $0x38;
	[tilespmem:$0x1E100] =	vst v63  }
0xcf: {  	_ =	swait.ge [sflag:s9], $0x2800  }
0xd0: {  	[sflag:s9] =	ssyncset.done $0x0  }
0xd1: {  	[sflag:s9] =	ssyncadd.s32 $0xFFFFD800  }
0xd2: {  	_ =	swait.ge [sflag:s9], $0x50  }
0xd3: {  	[sflag:s9] =	ssyncset.done $0x0  }
0xd4: {  	[sflag:s9] =	ssyncadd.s32 $0xFFFFFFB0  }
0xd5: {  	[spmem:s3] =	stream.indirect.scatter.add.f32 [tilespmem:s0], [sflag:$0x4], $0x80, s7, s29, $0xb8;
	[tilespmem:$0x1E100] =	vst v63  }
.Ltmp1:
0xd6: {  	_ =	swait.ge [sflag:s26], $0x2800;
	(pc) =	sbr.rel @p0 .LBB2_4-.Ltmp1, $4  }
0xd7: {  	[sflag:s26] =	ssyncset.done $0x0  }
0xd8: {  	s17 =	sadd.s32 $0x190, s17;
	[sflag:s26] =	ssyncadd.s32 $0xFFFFD800  }
0xd9: {  	[tilespmem:s0], [sflag:$0x3] =	stream.indirect.gather [hbm4b:s2+s29], $0x80, s17, s29, $0xb8;
	[tilespmem:$0x1E100] =	vst v63  }
0xda: {  	s13 =	sadd.s32 $0x1E, s13;
	s15 =	sadd.s32 $0xF0, s15;
	s14 =	sadd.s32 $0x1E, s14  }
0xdb: {  	[tilespmem:s7], [sflag:$0x3] =	stream.linear.gather [hbm4b:s22+s4], $0x50, $0x38;
	[tilespmem:$0x1E100] =	vst v63  }
0xdc: {  	_ =	swait.ge [sflag:s28], $0x2800  }
0xdd: {  	[sflag:s28] =	ssyncset.done $0x0  }
0xde: {  	[sflag:s28] =	ssyncadd.s32 $0xFFFFD800  }
0xdf: {  	_ =	swait.ge [sflag:s28], $0x50  }
0xe0: {  	[sflag:s28] =	ssyncset.done $0x0  }
0xe1: {  	[sflag:s28] =	ssyncadd.s32 $0xFFFFFFB0  }
0xe2: {  	[spmem:s3] =	stream.indirect.scatter.add.f32 [tilespmem:s25], [sflag:$0x4], $0x80, s30, s29, $0xb8;
	[tilespmem:$0x1E100] =	vst v63  }
0xe3: {  	_ =	swait.ge [sflag:s26], $0x2800  }
0xe4: {  	[sflag:s26] =	ssyncset.done $0x0  }
0xe5: {  	s12 =	simm.s32 $0x2670;
	[sflag:s26] =	ssyncadd.s32 $0xFFFFD800  }
0xe6: {  	[tilespmem:s25], [sflag:$0x1] =	stream.indirect.gather [hbm4b:s2+s29], $0x80, s12, s29, $0xb8;
	[tilespmem:$0x1E100] =	vst v63  }
0xe7: {  	_ = 	snop  }
0xe8: {  	[tilespmem:s30], [sflag:$0x1] =	stream.linear.gather [hbm4b:s20+s4], $0x50, $0x38;
	[tilespmem:$0x1E100] =	vst v63  }
0xe9: {  	_ =	swait.ge [sflag:s8], $0x2800  }
0xea: {  	[sflag:s8] =	ssyncset.done $0x0  }
0xeb: {  	[sflag:s8] =	ssyncadd.s32 $0xFFFFD800  }
0xec: {  	_ =	swait.ge [sflag:s8], $0x50  }
0xed: {  	[sflag:s8] =	ssyncset.done $0x0  }
0xee: {  	[sflag:s8] =	ssyncadd.s32 $0xFFFFFFB0  }
0xef: {  	[spmem:s3] =	stream.indirect.scatter.add.f32 [tilespmem:s31], [sflag:$0x4], $0x80, s1, s29, $0xb8;
	[tilespmem:$0x1E100] =	vst v63  }
0xf0: {  	_ =	swait.ge [sflag:s26], $0x2800  }
0xf1: {  	[sflag:s26] =	ssyncset.done $0x0  }
0xf2: {  	s18 =	simm.s32 $0x26C0;
	[sflag:s26] =	ssyncadd.s32 $0xFFFFD800  }
0xf3: {  	[tilespmem:s31], [sflag:$0x2] =	stream.indirect.gather [hbm4b:s2+s29], $0x80, s18, s29, $0xb8;
	[tilespmem:$0x1E100] =	vst v63  }
0xf4: {  	_ = 	snop  }
0xf5: {  	[tilespmem:s1], [sflag:$0x2] =	stream.linear.gather [hbm4b:s21+s4], $0x50, $0x38;
	[tilespmem:$0x1E100] =	vst v63  }
0xf6: {  	_ =	swait.ge [sflag:s9], $0x2800  }
0xf7: {  	[sflag:s9] =	ssyncset.done $0x0  }
0xf8: {  	[sflag:s9] =	ssyncadd.s32 $0xFFFFD800  }
0xf9: {  	_ =	swait.ge [sflag:s9], $0x50  }
0xfa: {  	[sflag:s9] =	ssyncset.done $0x0  }
0xfb: {  	[sflag:s9] =	ssyncadd.s32 $0xFFFFFFB0  }
0xfc: {  	[spmem:s3] =	stream.indirect.scatter.add.f32 [tilespmem:s0], [sflag:$0x4], $0x80, s7, s29, $0xb8;
	[tilespmem:$0x1E100] =	vst v63  }
0xfd: {  	_ =	swait.ge [sflag:s26], $0x2800  }
0xfe: {  	[sflag:s26] =	ssyncset.done $0x0  }
0xff: {  	[sflag:s26] =	ssyncadd.s32 $0xFFFFD800  }
0x100: {  	_ =	swait.ge [sflag:s28], $0x2800  }
0x101: {  	[sflag:s28] =	ssyncset.done $0x0  }
0x102: {  	[sflag:s28] =	ssyncadd.s32 $0xFFFFD800  }
0x103: {  	_ =	swait.ge [sflag:s28], $0x50  }
0x104: {  	[sflag:s28] =	ssyncset.done $0x0  }
0x105: {  	[sflag:s28] =	ssyncadd.s32 $0xFFFFFFB0  }
0x106: {  	[spmem:s3] =	stream.indirect.scatter.add.f32 [tilespmem:s25], [sflag:$0x4], $0x80, s30, s29, $0xb8;
	[tilespmem:$0x1E100] =	vst v63  }
0x107: {  	_ =	swait.ge [sflag:s26], $0x2800  }
0x108: {  	[sflag:s26] =	ssyncset.done $0x0  }
0x109: {  	[sflag:s26] =	ssyncadd.s32 $0xFFFFD800  }
0x10a: {  	_ =	swait.ge [sflag:s8], $0x2800  }
0x10b: {  	[sflag:s8] =	ssyncset.done $0x0  }
0x10c: {  	[sflag:s8] =	ssyncadd.s32 $0xFFFFD800  }
0x10d: {  	_ =	swait.ge [sflag:s8], $0x50  }
0x10e: {  	[sflag:s8] =	ssyncset.done $0x0  }
0x10f: {  	[sflag:s8] =	ssyncadd.s32 $0xFFFFFFB0  }
0x110: {  	[spmem:s3] =	stream.indirect.scatter.add.f32 [tilespmem:s31], [sflag:$0x4], $0x80, s1, s29, $0xb8;
	[tilespmem:$0x1E100] =	vst v63  }
0x111: {  	_ =	swait.ge [sflag:s26], $0x2800  }
0x112: {  	[sflag:s26] =	ssyncset.done $0x0  }
0x113: {  	s19 =	stileid.u32;
	[sflag:s26] =	ssyncadd.s32 $0xFFFFD800  }
0x114: {  	s12 =	sshll.u32 s19, $0x6;
	[bflag:$0x0] =	sbarrier.arrive $0xFFFF  }
0x115: {  	s13 =	sshrl.u32 s11, $0x3;
	s12 =	sor.u32 $0x1C04, s12;
	s14 =	rddreg [dreg:$0x7]  }
0x116: {  	[hbm:s14], [sflag:s12] =	dma.local [spmem:s13], $0x2800  }
0x117: {  	_ =	swait.ge [sflag:s26], $0x2800  }
0x118: {  	s10 =	sadd.s32 $0x1, s10;
	s22 =	rddreg [dreg:$0x8]  }
0x119: {  	p0 =	sne.s32 s10, s22  }
.Ltmp2:
0x11a: {  	_ = 	snop;
	(pc) =	sbr.rel @p0 .LBB2_1-.Ltmp2, $3  }
0x11b: {  	_ =	sdelay $0x1  }
0x11c: {  	[sflag:s26] =	ssyncset.done $0x0  }
0x11d: {  	[sflag:s26] =	ssyncadd.s32 $0xFFFFD800  }
0x11e: {  	_ =	sfence.sel $0x180000  }
0x11f: {  	[bflag:$0x0] =	sbarrier.arrive $0xFFFF  }
0x120: {  	_ =	strace $0x9000004A  }
0x121: {  	s0 =	stileid.u32;
	[bflag:$0x2] =	sbarrier.arrive $0xFFFF  }
0x122: {  	p0 =	sne.s32 s0, $0x0;
	s0 =	rddreg [dreg:$0x3]  }
0x123: {  	s0 =	sadd.s32 @!p0 $0x100000, s0  }
0x124: {  	[sflag:s0] =	ssyncadd.tile.s32 @!p0 $0x1;
	_ =	shalt  }
.Lfunc_end2:
_tile_overlayer_lowered:
.L_overlay_start_2:
0x125: {  	(tag) =	ssettag $0x2  }
0x126: {  	s0 =	rddreg [dreg:$0x0];
	s2 =	stileid.u32  }
0x127: {  	s1 =	rddreg [dreg:$0x1];
	p0 =	sne.s32 s2, $0x0  }
0x128: {  	s3 =	rddreg [dreg:$0x2];
	[bflag:$0x3] =	sbarrier.arrive $0xFFFF;
	s2 =	simm.s32 @!p0 $0x1C04  }
0x129: {  	[timem:s3], [sflag:s2] =	dma.local @!p0 [hbm:s0], s1  }
0x12a: {  	s0 =	simm.s32 @!p0 $0x4  }
0x12b: {  	_ =	swait.ge @!p0 [sflag:s0], s1  }
0x12c: {  	s1 =	ssub.s32 @!p0 $0x0, s1;
	[sflag:s0] =	ssyncset.done @!p0 $0x0  }
0x12d: {  	[sflag:s0] =	ssyncadd.s32 @!p0 s1  }
0x12e: {  	[bflag:$0x3] =	sbarrier.arrive $0xFFFF  }
0x12f: {  	_ =	shalt  }

// kernel: kernel.14.cloned.1.call-start
scs
__scs_entry_jumppad:
0x0: {  	(pc) =	sbr.rel $0x88, $3  }
0x1: {  	(tag) =	ssettag $0x0;
	lr =	simm.s32 $0x1  }
0x2: {  	[smem:$0x3F99] =	sst lr;
	_ =	strace $0xD0000000  }
0x3: {  	_ = 	snop  }
0x4: {  	_ = 	snop  }
0x5: {  	_ = 	snop  }
0x6: {  	_ = 	snop  }
0x7: {  	_ = 	snop  }
__scs_overlays_trampoline_lowered:
0x8: {  	[smem:$0x3FA8] =	sst s0  }
0x9: {  	[smem:$0x3FA9] =	sst s1  }
0xa: {  	[smem:$0x3FAA] =	sst s2  }
0xb: {  	[smem:$0x3FAB] =	sst s3  }
0xc: {  	[smem:$0x3FAC] =	sst s4  }
0xd: {  	[smem:$0x3FAD] =	sst s5  }
0xe: {  	[smem:$0x3FAE] =	sst s6  }
0xf: {  	[smem:$0x3FAF] =	sst s7  }
0x10: {  	[smem:$0x3FB0] =	sst s8  }
0x11: {  	[smem:$0x3FB1] =	sst s9;
	s0 =	simm.s32 @!p0 $0x0  }
0x12: {  	s1 =	sld [smem:$0x3F97];
	s0 =	simm.s32 @p0 $0x1  }
0x13: {  	[smem:$0x3FB2] =	sst s0;
	s0 =	simm.s32 @!p1 $0x0  }
0x14: {  	s2 =	sld [smem:$0x3F96];
	s0 =	simm.s32 @p1 $0x1  }
0x15: {  	[smem:$0x3FB3] =	sst s0;
	s0 =	simm.s32 @!p2 $0x0  }
0x16: {  	s3 =	sld [smem:$0x3FDB];
	s0 =	simm.s32 @p2 $0x1  }
0x17: {  	s4 =	simm.s32 $0x1BF5;
	[smem:$0x3FB5] =	sst s0  }
0x18: {  	s0 =	sld [smem:$0x3F98];
	_ =	swait.ge [sflag:s4], $0x0  }
0x19: {  	s7 =	sld [smem:$0x3F99]  }
0x1a: {  	s8 =	sadd.s32 $0xFFFFE003, lr  }
0x1b: {  	s9 =	sadd.s32 $0xFFFFFEF7, lr;
	s5 =	simm.s32 $0xFFFFFFFF;
	p2 =	slt.u32 s8, $0xFFFFF086  }
0x1c: {  	p1 =	slt.u32 s9, $0xF7A;
	s5 =	simm.s32 @!p2 $0x0  }
0x1d: {  	s5 =	simm.s32 @p1 $0x1;
	p0 =	seq.s32 s7, s2  }
0x1e: {  	s7 =	smul.u32 @!p0 $0xF7A, s2;
	p2 =	seq.s32 @!p0 s5, $0x0  }
0x1f: {  	s9 =	smul.u32 $0xF7A, s1;
	s8 =	simm.s32 @!p0 $0x1BF5;
	p2 =	por !p2, p0  }
0x20: {  	[sflag:s8] =	ssyncset.s32 @!p0 $0xFFFFF086;
	s6 =	sadd.s32 @!p0 s3, s7;
	s7 =	simm.s32 @!p0 $0x108  }
0x21: {  	s3 =	sadd.s32 s3, s9;
	s6 =	sadd.s32 @!p0 $0x88, s6;
	s7 =	simm.s32 @p2 $0x1082  }
0x22: {  	[simem:s7], [sflag:s8] =	dma.local @!p0 [hbm:s6], $0xF7A  }
0x23: {  	s9 =	sor.u32 $0xD0000000, s2;
	s6 =	simm.s32 $0x108;
	_ =	swait.ge @!p0 [sflag:s8], $0x0  }
0x24: {  	s3 =	sadd.s32 $0x88, s3;
	s6 =	simm.s32 @!p1 $0x1082;
	[sflag:s4] =	ssyncset.s32 $0xFFFFF086  }
0x25: {  	[simem:s6], [sflag:s4] =	dma.local [hbm:s3], $0xF7A  }
0x26: {  	[smem:$0x3F99] =	sst s1;
	(tag) =	ssettag s2;
	_ =	strace s9  }
0x27: {  	s1 =	sld [smem:$0x3FA9]  }
0x28: {  	s2 =	sld [smem:$0x3FAA]  }
0x29: {  	s4 =	sld [smem:$0x3FAC]  }
0x2a: {  	p0 =	seq.s32 s5, $0x0;
	s5 =	sld [smem:$0x3FAD]  }
0x2b: {  	s6 =	sld [smem:$0x3FAE]  }
0x2c: {  	s7 =	sld [smem:$0x3FAF]  }
0x2d: {  	s3 =	simm.s32 $0x108;
	s8 =	sld [smem:$0x3FB0]  }
0x2e: {  	s3 =	simm.s32 @!p0 $0x1082;
	s9 =	sld [smem:$0x3FB1]  }
0x2f: {  	lr =	sadd.s32 s0, s3;
	s0 =	sld [smem:$0x3FA8]  }
0x30: {  	s3 =	sld [smem:$0x3FAB]  }
0x31: {  	[smem:$0x3FB4] =	sst s10  }
0x32: {  	s10 =	sld [smem:$0x3FB2];
	_ =	sdelay $0x3  }
0x33: {  	p0 =	seq.s32 s10, $0x1;
	s10 =	sld [smem:$0x3FB4];
	_ =	sdelay $0x3  }
0x34: {  	[smem:$0x3FB4] =	sst s10  }
0x35: {  	s10 =	sld [smem:$0x3FB3];
	_ =	sdelay $0x3  }
0x36: {  	p1 =	seq.s32 s10, $0x1;
	s10 =	sld [smem:$0x3FB4];
	_ =	sdelay $0x3  }
0x37: {  	[smem:$0x3FB4] =	sst s10  }
0x38: {  	s10 =	sld [smem:$0x3FB5]  }
0x39: {  	_ = 	snop;
	(pc) =	sbr.ind lr, $3  }
0x3a: {  	_ = 	snop  }
0x3b: {  	_ = 	snop  }
0x3c: {  	p2 =	seq.s32 s10, $0x1;
	s10 =	sld [smem:$0x3FB4]  }
0x3d: {  	_ =	shalt  }
0x3e: {  	_ =	shalt  }
0x3f: {  	_ =	shalt  }
0x40: {  	_ =	shalt  }
0x41: {  	_ =	shalt  }
0x42: {  	_ =	shalt  }
0x43: {  	_ =	shalt  }
0x44: {  	_ =	shalt  }
0x45: {  	_ =	shalt  }
0x46: {  	_ =	shalt  }
0x47: {  	_ =	shalt  }
0x48: {  	_ =	shalt  }
0x49: {  	_ =	shalt  }
0x4a: {  	_ =	shalt  }
0x4b: {  	_ =	shalt  }
0x4c: {  	_ =	shalt  }
0x4d: {  	_ =	shalt  }
0x4e: {  	_ =	shalt  }
0x4f: {  	_ =	shalt  }
0x50: {  	_ =	shalt  }
0x51: {  	_ =	shalt  }
0x52: {  	_ =	shalt  }
0x53: {  	_ =	shalt  }
0x54: {  	_ =	shalt  }
0x55: {  	_ =	shalt  }
0x56: {  	_ =	shalt  }
0x57: {  	_ =	shalt  }
0x58: {  	_ =	shalt  }
0x59: {  	_ =	shalt  }
0x5a: {  	_ =	shalt  }
0x5b: {  	_ =	shalt  }
0x5c: {  	_ =	shalt  }
0x5d: {  	_ =	shalt  }
0x5e: {  	_ =	shalt  }
0x5f: {  	_ =	shalt  }
0x60: {  	_ =	shalt  }
0x61: {  	_ =	shalt  }
0x62: {  	_ =	shalt  }
0x63: {  	_ =	shalt  }
0x64: {  	_ =	shalt  }
0x65: {  	_ =	shalt  }
0x66: {  	_ =	shalt  }
0x67: {  	_ =	shalt  }
0x68: {  	_ =	shalt  }
0x69: {  	_ =	shalt  }
0x6a: {  	_ =	shalt  }
0x6b: {  	_ =	shalt  }
0x6c: {  	_ =	shalt  }
0x6d: {  	_ =	shalt  }
0x6e: {  	_ =	shalt  }
0x6f: {  	_ =	shalt  }
0x70: {  	_ =	shalt  }
0x71: {  	_ =	shalt  }
0x72: {  	_ =	shalt  }
0x73: {  	_ =	shalt  }
0x74: {  	_ =	shalt  }
0x75: {  	_ =	shalt  }
0x76: {  	_ =	shalt  }
0x77: {  	_ =	shalt  }
0x78: {  	_ =	shalt  }
0x79: {  	_ =	shalt  }
0x7a: {  	_ =	shalt  }
0x7b: {  	_ =	shalt  }
0x7c: {  	_ =	shalt  }
0x7d: {  	_ =	shalt  }
0x7e: {  	_ =	shalt  }
0x7f: {  	_ =	shalt  }
0x80: {  	_ =	shalt  }
0x81: {  	_ =	shalt  }
0x82: {  	_ =	shalt  }
0x83: {  	_ =	shalt  }
0x84: {  	_ =	shalt  }
0x85: {  	_ =	shalt  }
0x86: {  	_ =	shalt  }
0x87: {  	_ =	shalt  }
.Lfunc_end0:
.L_simem_size_0:
called_computation.2_lowered:
.L_overlay_start_0:
0x88: {  	s2 =	sld [smem:$0x3FD9]  }
0x89: {  	s3 =	sld [smem:$0x3FFE];
	_ =	sdelay $0x1  }
0x8a: {  	s1 =	srdreg.scid  }
0x8b: {  	s0 =	sand.u32 $0x1, s1  }
0x8c: {  	s17 =	sshll.u32 s0, $0xA;
	s2 =	sadd.s32 s3, s2  }
0x8d: {  	s2 =	sadd.s32 s2, s17  }
0x8e: {  	[smem:$0x3FC0] =	sst s2  }
0x8f: {  	_ = 	snop  }
0x90: {  	s2 =	sld [smem:$0x3FD0];
	(tm) =	ssettm $0x1  }
0x91: {  	s18 =	sld [smem:$0x3FFB];
	_ =	sdelay $0x3  }
0x92: {  	_ =	strace s18  }
0x93: {  	s3 =	sld [smem:$0x3FFC];
	_ =	sdelay $0x3  }
0x94: {  	_ =	strace s3  }
0x95: {  	s3 =	sld [smem:$0x3FFD];
	_ =	sdelay $0x3  }
0x96: {  	_ =	strace s3  }
0x97: {  	_ =	strace $0x8FFFFFFF  }
0x98: {  	s19 =	sld [smem:$0x3FDB];
	_ =	sdelay $0x1  }
0x99: {  	s4 =	simm.s32 $_scs_section_size  }
0x9a: {  	s5 =	simm.s32 $_size__tile_overlayer_lowered;
	s6 =	simm.s32 $_tile_overlayer_lowered  }
0x9b: {  	s22 =	simm.s32 $0x1BFF;
	s21 =	sshll.u32 s6, $0x1;
	s3 =	sadd.s32 s4, s19  }
0x9c: {  	s7 =	simm.s32 $0x0;
	s20 =	sshll.u32 s5, $0x1;
	s5 =	sadd.s32 s21, s3  }
0x9d: {  	[timem:s7], [sflag:s22] =	dma.local [hbm:s5], s20  }
0x9e: {  	_ =	swait.ge [sflag:s22], s20  }
0x9f: {  	s4 =	ssub.s32 $0x0, s20;
	[sflag:s22] =	ssyncset.done $0x0  }
0xa0: {  	[sflag:s22] =	ssyncadd.s32 s4;
	_ =	sdelay $0x1  }
0xa1: {  	s23 =	simm.s32 $0x1B8B  }
0xa2: {  	_ =	swait.ge [sflag:s23], $0x1  }
0xa3: {  	[sflag:s23] =	ssyncset.done $0x0  }
0xa4: {  	s25 =	simm.s32 $0x1B8E;
	s24 =	sld [smem:$0x3FFE];
	[sflag:s23] =	ssyncadd.s32 $0xFFFFFFFF  }
0xa5: {  	s26 =	simm.s32 $execute0_lowered;
	[smem:$0x3FD2] =	sst s25  }
0xa6: {  	s5 =	sshll.u32 s26, $0x1;
	_ =	strace $0x8000004C;
	[dreg:$0x1] =	wrdreg $0xFFFFFFFF  }
0xa7: {  	s28 =	simm.s32 $_size_execute0_lowered;
	s3 =	sadd.s32 s3, s5;
	[dreg:$0x0] =	wrdreg $0x0  }
0xa8: {  	s5 =	sshll.u32 s28, $0x1;
	[dreg:$0x2] =	wrdreg s3  }
0xa9: {  	[dreg:$0x3] =	wrdreg s5  }
0xaa: {  	[dreg:$0x4] =	wrdreg $0xC0  }
0xab: {  	_ =	task [dreg:s7], $0x5FFFF  }
0xac: {  	[dreg:$0x1] =	wrdreg $0xFFFFFFFF  }
0xad: {  	[dreg:$0x0] =	wrdreg $0x60  }
0xae: {  	[dreg:$0x2] =	wrdreg s2  }
0xaf: {  	[dreg:$0x3] =	wrdreg s24  }
0xb0: {  	[dreg:$0x4] =	wrdreg $0xA1000  }
0xb1: {  	[dreg:$0x5] =	wrdreg $0x9  }
0xb2: {  	_ =	task.clear_ibuf [dreg:s7], $0x6FFFF;
	_ =	strace $0x9000004C  }
0xb3: {  	s29 =	simm.s32 $0x9;
	_ =	strace $0x8000004E  }
0xb4: {  	_ =	swait.ge [sflag:s29], $0x1  }
0xb5: {  	[sflag:s29] =	ssyncadd.s32 $0xFFFFFFFF  }
0xb6: {  	_ =	strace $0x9000004E  }
0xb7: {  	_ =	sfence  }
0xb8: {  	s30 =	sld [smem:$0x0];
	_ =	sdelay $0x2  }
0xb9: {  	s31 =	sshll.u32 s1, $0xD;
	s1 =	sshrl.u32 s1, $0x2  }
0xba: {  	s3 =	sand.u32 $0x4000, s31;
	s1 =	sadd.s32 s1, s30  }
0xbb: {  	s0 =	sor.u32 s3, s0;
	s1 =	sshll.u32 s1, $0x11  }
0xbc: {  	s0 =	sor.u32 s1, s0  }
0xbd: {  	s0 =	sadd.s32 $0x8F2B, s0  }
0xbe: {  	[sflag:s0] =	ssyncadd.remote.s32 $0x1  }
0xbf: {  	_ =	sfence.sel $0xFFFF  }
0xc0: {  	[dreg:$0x0] =	wrdreg $0xFFFFFFFF;
	(pc) =	sbr.abs _section_cstart, $3  }
0xc1: {  	[dreg:$0x1] =	wrdreg $0xFFFFFFFF  }
0xc2: {  	_ =	task.clear_ibuf [dreg:s7], $0x2FFFF;
	_ =	strace $0x9FFFFFFF  }
0xc3: {  	(tm) =	ssettm $0x7FFFFFFF  }
tec
execute0_lowered:
.L_overlay_start_1:
0x0: {  	(tag) =	ssettag $0x1  }
0x1: {  	s2 =	rddreg [dreg:$0x0]  }
0x2: {  	s0 =	srdreg.scid;
	s6 =	rddreg [dreg:$0x1]  }
0x3: {  	s12 =	stileid.u32;
	s3 =	rddreg [dreg:$0x2];
	s4 =	simm.s32 $0x0  }
0x4: {  	s28 =	simm.s32 $0x1;
	s29 =	simm.s32 $0x50;
	s7 =	smul.u32 $0x14000, s12  }
0x5: {  	s30 =	simm.s32 $0x2780;
	s31 =	simm.s32 $0x5100;
	s13 =	smul.u32 $0x50000, s12  }
0x6: {  	s0 =	sand.u32 $0x1, s0;
	[smem:$0x7FF] =	sst s4;
	s20 =	smul.u32 $0x2710, s12  }
0x7: {  	s1 =	sshll.u32 s0, $0x4;
	s5 =	smul.u32 $0x140000, s0;
	_ =	strace $0x8000004D  }
0x8: {  	s9 =	ssub.s32 $0x2, s0;
	s0 =	smul.u32 $0x27100, s0;
	s1 =	sor.u32 s12, s1  }
0x9: {  	s10 =	sshrl.u32 s9, $0x1;
	s1 =	smul.u32 $0x2710, s1;
	s5 =	sadd.s32 s7, s5  }
0xa: {  	s9 =	ssub.s32 s9, s10;
	s0 =	sadd.s32 s20, s0;
	s10 =	simm.s32 $0x0  }
0xb: {  	s8 =	sshrl.u32 s5, $0x3;
	s5 =	sadd.s32 $0xCA00, s6;
	s17 =	smax.u32 s9, $0x1  }
0xc: {  	s26 =	sadd.s32 $0x140, s0;
	s1 =	sshrl.u32 s1, $0x3;
	s8 =	sadd.s32 s8, s6  }
0xd: {  	[dreg:$0x8] =	wrdreg s17;
	s11 =	sadd.s32 s1, s6;
	s16 =	sadd.s32 $0x16800, s8  }
0xe: {  	s6 =	sadd.s32 s5, s1;
	s7 =	sadd.s32 $0x2C00, s11;
	[dreg:$0x7] =	wrdreg s16  }
0xf: {  	s1 =	sshrl.u32 s13, $0x2;
	s14 =	sadd.s32 $0xA, s6;
	[dreg:$0x4] =	wrdreg s7  }
0x10: {  	s15 =	sadd.s32 $0x14, s6;
	s11 =	sadd.s32 s1, s3;
	[dreg:$0x5] =	wrdreg s14  }
0x11: {  	s9 =	simm.s32 $0x3;
	[dreg:$0x6] =	wrdreg s15;
	s18 =	sadd.s32 $0x2800, s11  }
0x12: {  	s8 =	simm.s32 $0x2;
	s19 =	sadd.s32 $0x5000, s11;
	[dreg:$0x9] =	wrdreg s18  }
0x13: {  	s20 =	sadd.s32 $0x4CE, s6;
	s21 =	sadd.s32 $0x7800, s11;
	[dreg:$0xa] =	wrdreg s19  }
0x14: {  	s1 =	sadd.s32 $0x190, s0;
	s22 =	sadd.s32 $0xA000, s11;
	[dreg:$0xb] =	wrdreg s21  }
0x15: {  	s23 =	sadd.s32 $0xC800, s11;
	s24 =	sadd.s32 $0xF000, s11;
	[dreg:$0xc] =	wrdreg s22  }
0x16: {  	s25 =	sadd.s32 $0x11800, s11;
	s1 =	sshrl.u32 s1, $0x3;
	[dreg:$0xd] =	wrdreg s23  }
0x17: {  	s7 =	sshrl.u32 s26, $0x3;
	s26 =	simm.s32 $0x4;
	[dreg:$0xe] =	wrdreg s24  }
0x18: {  	[dreg:$0xf] =	wrdreg s25;
	s21 =	sadd.s32 $0x4D8, s6;
	s16 =	sadd.s32 s1, s5  }
0x19: {  	s23 =	sadd.s32 s7, s5;
	s24 =	sadd.s32 $0xF0, s0;
	s25 =	simm.s32 $0x2900  }
0x1a: {  	v0 =	vimm.f32 $0.0e+00;
	s1 =	simm.s32 $0x2800;
	s0 =	simm.s32 $0x7900;
	s7 =	simm.s32 $0x2880  }
.LBB2_1:
0x1b: {  	s12 =	rddreg [dreg:$0x4]  }
0x1c: {  	[tilespmem:s4], [sflag:$0x1] =	stream.linear.gather [hbm4b:s12+s4], $0x2710, $0x38;
	[tilespmem:$0x1E100] =	vst v63  }
0x1d: {  	s12 =	simm.s32 $0x2A00  }
0x1e: {  	[tilespmem:s12+$0xFFFFFF00] =	vst v0  }
0x1f: {  	[tilespmem:s12+$0xF0] =	vst v0  }
0x20: {  	[tilespmem:s12+$0xE0] =	vst v0  }
0x21: {  	[tilespmem:s12+$0xD0] =	vst v0  }
0x22: {  	[tilespmem:s12+$0xC0] =	vst v0  }
0x23: {  	[tilespmem:s12+$0xB0] =	vst v0  }
0x24: {  	[tilespmem:s12+$0xA0] =	vst v0  }
0x25: {  	[tilespmem:s12+$0x90] =	vst v0  }
0x26: {  	[tilespmem:s12+$0x80] =	vst v0  }
0x27: {  	[tilespmem:s12+$0x70] =	vst v0  }
0x28: {  	[tilespmem:s12+$0x60] =	vst v0  }
0x29: {  	[tilespmem:s12+$0x50] =	vst v0  }
0x2a: {  	[tilespmem:s12+$0x40] =	vst v0  }
0x2b: {  	[tilespmem:s12+$0x30] =	vst v0  }
0x2c: {  	[tilespmem:s12+$0x20] =	vst v0  }
0x2d: {  	[tilespmem:s12+$0x10] =	vst v0  }
0x2e: {  	[tilespmem:s12+$0x0] =	vst v0  }
0x2f: {  	[tilespmem:s12+$0xFFFFFFF0] =	vst v0  }
0x30: {  	[tilespmem:s12+$0xFFFFFFE0] =	vst v0  }
0x31: {  	[tilespmem:s12+$0xFFFFFFD0] =	vst v0  }
0x32: {  	[tilespmem:s12+$0xFFFFFFC0] =	vst v0  }
0x33: {  	[tilespmem:s12+$0xFFFFFFB0] =	vst v0  }
0x34: {  	[tilespmem:s12+$0xFFFFFFA0] =	vst v0  }
0x35: {  	[tilespmem:s12+$0xFFFFFF90] =	vst v0  }
0x36: {  	[tilespmem:s12+$0xFFFFFF80] =	vst v0  }
0x37: {  	[tilespmem:s12+$0xFFFFFF70] =	vst v0  }
0x38: {  	[tilespmem:s12+$0xFFFFFF60] =	vst v0  }
0x39: {  	[tilespmem:s12+$0xFFFFFF50] =	vst v0  }
0x3a: {  	[tilespmem:s12+$0xFFFFFF40] =	vst v0  }
0x3b: {  	[tilespmem:s12+$0xFFFFFF30] =	vst v0  }
0x3c: {  	s13 =	simm.s32 $0x0;
	[tilespmem:s12+$0xFFFFFF20] =	vst v0  }
.LBB2_2:
0x3d: {  	s13 =	sadd.s32 $0x4, s13;
	[tilespmem:s12+$0xFFFFFF10] =	vst v0;
	s12 =	sadd.s32 $0x200, s12  }
0x3e: {  	[tilespmem:s12+$0xFFFFFF00] =	vst v0;
	p0 =	slt.u32 s13, $0x4C  }
0x3f: {  	[tilespmem:s12+$0xF0] =	vst v0  }
0x40: {  	[tilespmem:s12+$0xE0] =	vst v0  }
0x41: {  	[tilespmem:s12+$0xD0] =	vst v0  }
0x42: {  	[tilespmem:s12+$0xC0] =	vst v0  }
0x43: {  	[tilespmem:s12+$0xB0] =	vst v0  }
0x44: {  	[tilespmem:s12+$0xA0] =	vst v0  }
0x45: {  	[tilespmem:s12+$0x90] =	vst v0  }
0x46: {  	[tilespmem:s12+$0x80] =	vst v0  }
0x47: {  	[tilespmem:s12+$0x70] =	vst v0  }
0x48: {  	[tilespmem:s12+$0x60] =	vst v0  }
0x49: {  	[tilespmem:s12+$0x50] =	vst v0  }
0x4a: {  	[tilespmem:s12+$0x40] =	vst v0  }
0x4b: {  	[tilespmem:s12+$0x30] =	vst v0  }
0x4c: {  	[tilespmem:s12+$0x20] =	vst v0  }
0x4d: {  	[tilespmem:s12+$0x10] =	vst v0  }
0x4e: {  	[tilespmem:s12+$0x0] =	vst v0  }
0x4f: {  	[tilespmem:s12+$0xFFFFFFF0] =	vst v0  }
0x50: {  	[tilespmem:s12+$0xFFFFFFE0] =	vst v0  }
0x51: {  	[tilespmem:s12+$0xFFFFFFD0] =	vst v0  }
0x52: {  	[tilespmem:s12+$0xFFFFFFC0] =	vst v0  }
0x53: {  	[tilespmem:s12+$0xFFFFFFB0] =	vst v0  }
0x54: {  	[tilespmem:s12+$0xFFFFFFA0] =	vst v0  }
0x55: {  	[tilespmem:s12+$0xFFFFFF90] =	vst v0  }
0x56: {  	[tilespmem:s12+$0xFFFFFF80] =	vst v0  }
0x57: {  	[tilespmem:s12+$0xFFFFFF70] =	vst v0  }
.Ltmp0:
0x58: {  	[tilespmem:s12+$0xFFFFFF60] =	vst v0;
	(pc) =	sbr.rel @p0 .LBB2_2-.Ltmp0, $4  }
0x59: {  	[tilespmem:s12+$0xFFFFFF50] =	vst v0  }
0x5a: {  	[tilespmem:s12+$0xFFFFFF40] =	vst v0  }
0x5b: {  	[tilespmem:s12+$0xFFFFFF30] =	vst v0  }
0x5c: {  	[tilespmem:s12+$0xFFFFFF20] =	vst v0  }
0x5d: {  	[tilespmem:s12+$0xFFFFFF10] =	vst v0  }
0x5e: {  	[spmem:s11] =	stream.linear.scatter [tilespmem:s25], [sflag:$0x4], $0x2800, $0x38;
	[tilespmem:$0x1E100] =	vst v63  }
0x5f: {  	_ =	swait.ge [sflag:s26], $0x2800  }
0x60: {  	[sflag:s26] =	ssyncset.done $0x0  }
0x61: {  	s19 =	rddreg [dreg:$0x9];
	[sflag:s26] =	ssyncadd.s32 $0xFFFFD800  }
0x62: {  	[spmem:s19] =	stream.linear.scatter [tilespmem:s25], [sflag:$0x4], $0x2800, $0x38;
	[tilespmem:$0x1E100] =	vst v63  }
0x63: {  	_ =	swait.ge [sflag:s26], $0x2800  }
0x64: {  	[sflag:s26] =	ssyncset.done $0x0  }
0x65: {  	s22 =	rddreg [dreg:$0xa];
	[sflag:s26] =	ssyncadd.s32 $0xFFFFD800  }
0x66: {  	[spmem:s22] =	stream.linear.scatter [tilespmem:s25], [sflag:$0x4], $0x2800, $0x38;
	[tilespmem:$0x1E100] =	vst v63  }
0x67: {  	_ =	swait.ge [sflag:s26], $0x2800  }
0x68: {  	[sflag:s26] =	ssyncset.done $0x0  }
0x69: {  	s13 =	rddreg [dreg:$0xb];
	[sflag:s26] =	ssyncadd.s32 $0xFFFFD800  }
0x6a: {  	[spmem:s13] =	stream.linear.scatter [tilespmem:s25], [sflag:$0x4], $0x2800, $0x38;
	[tilespmem:$0x1E100] =	vst v63  }
0x6b: {  	_ =	swait.ge [sflag:s26], $0x2800  }
0x6c: {  	[sflag:s26] =	ssyncset.done $0x0  }
0x6d: {  	s14 =	rddreg [dreg:$0xc];
	[sflag:s26] =	ssyncadd.s32 $0xFFFFD800  }
0x6e: {  	[spmem:s14] =	stream.linear.scatter [tilespmem:s25], [sflag:$0x4], $0x2800, $0x38;
	[tilespmem:$0x1E100] =	vst v63  }
0x6f: {  	_ =	swait.ge [sflag:s26], $0x2800  }
0x70: {  	[sflag:s26] =	ssyncset.done $0x0  }
0x71: {  	s15 =	rddreg [dreg:$0xd];
	[sflag:s26] =	ssyncadd.s32 $0xFFFFD800  }
0x72: {  	[spmem:s15] =	stream.linear.scatter [tilespmem:s25], [sflag:$0x4], $0x2800, $0x38;
	[tilespmem:$0x1E100] =	vst v63  }
0x73: {  	_ =	swait.ge [sflag:s26], $0x2800  }
0x74: {  	[sflag:s26] =	ssyncset.done $0x0  }
0x75: {  	s17 =	rddreg [dreg:$0xe];
	[sflag:s26] =	ssyncadd.s32 $0xFFFFD800  }
0x76: {  	[spmem:s17] =	stream.linear.scatter [tilespmem:s25], [sflag:$0x4], $0x2800, $0x38;
	[tilespmem:$0x1E100] =	vst v63  }
0x77: {  	_ =	swait.ge [sflag:s26], $0x2800  }
0x78: {  	[sflag:s26] =	ssyncset.done $0x0  }
0x79: {  	s18 =	rddreg [dreg:$0xf];
	[sflag:s26] =	ssyncadd.s32 $0xFFFFD800  }
0x7a: {  	[spmem:s18] =	stream.linear.scatter [tilespmem:s25], [sflag:$0x4], $0x2800, $0x38;
	[tilespmem:$0x1E100] =	vst v63  }
0x7b: {  	_ =	swait.ge [sflag:s26], $0x2800  }
0x7c: {  	[sflag:s26] =	ssyncset.done $0x0  }
0x7d: {  	[sflag:s26] =	ssyncadd.s32 $0xFFFFD800  }
0x7e: {  	_ =	swait.ge [sflag:s28], $0x2710  }
0x7f: {  	[sflag:s28] =	ssyncset.done $0x0  }
0x80: {  	s19 =	simm.s32 $0x0;
	[sflag:s28] =	ssyncadd.s32 $0xFFFFD8F0  }
0x81: {  	[tilespmem:s25], [sflag:$0x1] =	stream.indirect.gather [hbm4b:s2+s29], $0x80, s19, s29, $0xb8;
	[tilespmem:$0x1E100] =	vst v63  }
0x82: {  	_ = 	snop  }
0x83: {  	[tilespmem:s30], [sflag:$0x1] =	stream.linear.gather [hbm4b:s6+s19], $0x50, $0x38;
	[tilespmem:$0x1E100] =	vst v63  }
0x84: {  	_ = 	snop  }
0x85: {  	[tilespmem:s31], [sflag:$0x2] =	stream.indirect.gather [hbm4b:s2+s29], $0x80, s29, s29, $0xb8;
	[tilespmem:$0x1E100] =	vst v63  }
0x86: {  	s13 =	rddreg [dreg:$0x5]  }
0x87: {  	[tilespmem:s1], [sflag:$0x2] =	stream.linear.gather [hbm4b:s13+s19], $0x50, $0x38;
	[tilespmem:$0x1E100] =	vst v63  }
0x88: {  	s22 =	simm.s32 $0xA0  }
0x89: {  	[tilespmem:s0], [sflag:$0x3] =	stream.indirect.gather [hbm4b:s2+s29], $0x80, s22, s29, $0xb8;
	[tilespmem:$0x1E100] =	vst v63  }
0x8a: {  	s14 =	rddreg [dreg:$0x6]  }
0x8b: {  	[tilespmem:s7], [sflag:$0x3] =	stream.linear.gather [hbm4b:s14+s19], $0x50, $0x38;
	[tilespmem:$0x1E100] =	vst v63  }
0x8c: {  	[bflag:$0x0] =	sbarrier.arrive $0xFFFF  }
0x8d: {  	_ =	swait.ge [sflag:s28], $0x2800  }
0x8e: {  	[sflag:s28] =	ssyncset.done $0x0  }
0x8f: {  	[sflag:s28] =	ssyncadd.s32 $0xFFFFD800  }
0x90: {  	_ =	swait.ge [sflag:s28], $0x50  }
0x91: {  	[sflag:s28] =	ssyncset.done $0x0  }
0x92: {  	[sflag:s28] =	ssyncadd.s32 $0xFFFFFFB0  }
0x93: {  	[spmem:s3] =	stream.indirect.scatter.add.f32 [tilespmem:s25], [sflag:$0x4], $0x80, s30, s29, $0xb8;
	[tilespmem:$0x1E100] =	vst v63  }
0x94: {  	_ =	swait.ge [sflag:s26], $0x2800  }
0x95: {  	[sflag:s26] =	ssyncset.done $0x0  }
0x96: {  	s15 =	simm.s32 $0xF0;
	s17 =	sshrl.u32 s24, $0x3;
	[sflag:s26] =	ssyncadd.s32 $0xFFFFD800  }
0x97: {  	[tilespmem:s25], [sflag:$0x1] =	stream.indirect.gather [hbm4b:s2+s29], $0x80, s15, s29, $0xb8;
	[tilespmem:$0x1E100] =	vst v63  }
0x98: {  	s18 =	sadd.s32 s5, s17  }
0x99: {  	[tilespmem:s30], [sflag:$0x1] =	stream.linear.gather [hbm4b:s18+s4], $0x50, $0x38;
	[tilespmem:$0x1E100] =	vst v63  }
0x9a: {  	_ =	swait.ge [sflag:s8], $0x2800  }
0x9b: {  	[sflag:s8] =	ssyncset.done $0x0  }
0x9c: {  	[sflag:s8] =	ssyncadd.s32 $0xFFFFD800  }
0x9d: {  	_ =	swait.ge [sflag:s8], $0x50  }
0x9e: {  	[sflag:s8] =	ssyncset.done $0x0  }
0x9f: {  	[sflag:s8] =	ssyncadd.s32 $0xFFFFFFB0  }
0xa0: {  	[spmem:s3] =	stream.indirect.scatter.add.f32 [tilespmem:s31], [sflag:$0x4], $0x80, s1, s29, $0xb8;
	[tilespmem:$0x1E100] =	vst v63  }
0xa1: {  	_ =	swait.ge [sflag:s26], $0x2800  }
0xa2: {  	[sflag:s26] =	ssyncset.done $0x0  }
0xa3: {  	s19 =	simm.s32 $0x140;
	[sflag:s26] =	ssyncadd.s32 $0xFFFFD800  }
0xa4: {  	[tilespmem:s31], [sflag:$0x2] =	stream.indirect.gather [hbm4b:s2+s29], $0x80, s19, s29, $0xb8;
	[tilespmem:$0x1E100] =	vst v63  }
0xa5: {  	_ = 	snop  }
0xa6: {  	[tilespmem:s1], [sflag:$0x2] =	stream.linear.gather [hbm4b:s23+s4], $0x50, $0x38;
	[tilespmem:$0x1E100] =	vst v63  }
0xa7: {  	_ =	swait.ge [sflag:s9], $0x2800  }
0xa8: {  	[sflag:s9] =	ssyncset.done $0x0  }
0xa9: {  	[sflag:s9] =	ssyncadd.s32 $0xFFFFD800  }
0xaa: {  	_ =	swait.ge [sflag:s9], $0x50  }
0xab: {  	[sflag:s9] =	ssyncset.done $0x0  }
0xac: {  	[sflag:s9] =	ssyncadd.s32 $0xFFFFFFB0  }
0xad: {  	[spmem:s3] =	stream.indirect.scatter.add.f32 [tilespmem:s0], [sflag:$0x4], $0x80, s7, s29, $0xb8;
	[tilespmem:$0x1E100] =	vst v63  }
0xae: {  	_ =	swait.ge [sflag:s26], $0x2800  }
0xaf: {  	s12 =	simm.s32 $0x3C0;
	[sflag:s26] =	ssyncset.done $0x0  }
0xb0: {  	s13 =	sadd.s32 $0x1E, s16;
	s22 =	simm.s32 $0x190;
	[sflag:s26] =	ssyncadd.s32 $0xFFFFD800  }
0xb1: {  	[tilespmem:s0], [sflag:$0x3] =	stream.indirect.gather [hbm4b:s2+s29], $0x80, s22, s29, $0xb8;
	[tilespmem:$0x1E100] =	vst v63  }
0xb2: {  	s14 =	sadd.s32 $0x1E, s23;
	s15 =	sadd.s32 $0xF0, s24;
	s22 =	smov.u32 s16  }
.LBB2_4:
0xb3: {  	[tilespmem:s7], [sflag:$0x3] =	stream.linear.gather [hbm4b:s22+s4], $0x50, $0x38;
	[tilespmem:$0x1E100] =	vst v63  }
0xb4: {  	s17 =	smov.u32 s12;
	s22 =	smov.u32 s13  }
0xb5: {  	p0 =	sne.s32 s12, $0x9240;
	s12 =	sadd.s32 $0x3C0, s12;
	_ =	swait.ge [sflag:s28], $0x2800  }
0xb6: {  	[sflag:s28] =	ssyncset.done $0x0  }
0xb7: {  	[sflag:s28] =	ssyncadd.s32 $0xFFFFD800  }
0xb8: {  	_ =	swait.ge [sflag:s28], $0x50  }
0xb9: {  	[sflag:s28] =	ssyncset.done $0x0  }
0xba: {  	[sflag:s28] =	ssyncadd.s32 $0xFFFFFFB0  }
0xbb: {  	[spmem:s3] =	stream.indirect.scatter.add.f32 [tilespmem:s25], [sflag:$0x4], $0x80, s30, s29, $0xb8;
	[tilespmem:$0x1E100] =	vst v63  }
0xbc: {  	_ =	swait.ge [sflag:s26], $0x2800  }
0xbd: {  	s17 =	sshra.s32 s17, $0x2;
	[sflag:s26] =	ssyncset.done $0x0  }
0xbe: {  	s19 =	sshrl.u32 s15, $0x3;
	s18 =	sadd.s32 $0xF0, s17;
	[sflag:s26] =	ssyncadd.s32 $0xFFFFD800  }
0xbf: {  	[tilespmem:s25], [sflag:$0x1] =	stream.indirect.gather [hbm4b:s2+s29], $0x80, s18, s29, $0xb8;
	[tilespmem:$0x1E100] =	vst v63  }
0xc0: {  	s18 =	sadd.s32 s5, s19  }
0xc1: {  	[tilespmem:s30], [sflag:$0x1] =	stream.linear.gather [hbm4b:s18+s4], $0x50, $0x38;
	[tilespmem:$0x1E100] =	vst v63  }
0xc2: {  	_ =	swait.ge [sflag:s8], $0x2800  }
0xc3: {  	[sflag:s8] =	ssyncset.done $0x0  }
0xc4: {  	[sflag:s8] =	ssyncadd.s32 $0xFFFFD800  }
0xc5: {  	_ =	swait.ge [sflag:s8], $0x50  }
0xc6: {  	[sflag:s8] =	ssyncset.done $0x0  }
0xc7: {  	[sflag:s8] =	ssyncadd.s32 $0xFFFFFFB0  }
0xc8: {  	[spmem:s3] =	stream.indirect.scatter.add.f32 [tilespmem:s31], [sflag:$0x4], $0x80, s1, s29, $0xb8;
	[tilespmem:$0x1E100] =	vst v63  }
0xc9: {  	_ =	swait.ge [sflag:s26], $0x2800  }
0xca: {  	[sflag:s26] =	ssyncset.done $0x0  }
0xcb: {  	s18 =	sadd.s32 $0x140, s17;
	[sflag:s26] =	ssyncadd.s32 $0xFFFFD800  }
0xcc: {  	[tilespmem:s31], [sflag:$0x2] =	stream.indirect.gather [hbm4b:s2+s29], $0x80, s18, s29, $0xb8;
	[tilespmem:$0x1E100] =	vst v63  }
0xcd: {  	_ = 	snop  }
0xce: {  	[tilespmem:s1], [sflag:$0x2] =	stream.linear.gather [hbm4b:s14+s4], $0x50, $0x38;
	[tilespmem:$0x1E100] =	vst v63  }
0xcf: {  	_ =	swait.ge [sflag:s9], $0x2800  }
0xd0: {  	[sflag:s9] =	ssyncset.done $0x0  }
0xd1: {  	[sflag:s9] =	ssyncadd.s32 $0xFFFFD800  }
0xd2: {  	_ =	swait.ge [sflag:s9], $0x50  }
0xd3: {  	[sflag:s9] =	ssyncset.done $0x0  }
0xd4: {  	[sflag:s9] =	ssyncadd.s32 $0xFFFFFFB0  }
0xd5: {  	[spmem:s3] =	stream.indirect.scatter.add.f32 [tilespmem:s0], [sflag:$0x4], $0x80, s7, s29, $0xb8;
	[tilespmem:$0x1E100] =	vst v63  }
.Ltmp1:
0xd6: {  	_ =	swait.ge [sflag:s26], $0x2800;
	(pc) =	sbr.rel @p0 .LBB2_4-.Ltmp1, $4  }
0xd7: {  	[sflag:s26] =	ssyncset.done $0x0  }
0xd8: {  	s17 =	sadd.s32 $0x190, s17;
	[sflag:s26] =	ssyncadd.s32 $0xFFFFD800  }
0xd9: {  	[tilespmem:s0], [sflag:$0x3] =	stream.indirect.gather [hbm4b:s2+s29], $0x80, s17, s29, $0xb8;
	[tilespmem:$0x1E100] =	vst v63  }
0xda: {  	s13 =	sadd.s32 $0x1E, s13;
	s15 =	sadd.s32 $0xF0, s15;
	s14 =	sadd.s32 $0x1E, s14  }
0xdb: {  	[tilespmem:s7], [sflag:$0x3] =	stream.linear.gather [hbm4b:s22+s4], $0x50, $0x38;
	[tilespmem:$0x1E100] =	vst v63  }
0xdc: {  	_ =	swait.ge [sflag:s28], $0x2800  }
0xdd: {  	[sflag:s28] =	ssyncset.done $0x0  }
0xde: {  	[sflag:s28] =	ssyncadd.s32 $0xFFFFD800  }
0xdf: {  	_ =	swait.ge [sflag:s28], $0x50  }
0xe0: {  	[sflag:s28] =	ssyncset.done $0x0  }
0xe1: {  	[sflag:s28] =	ssyncadd.s32 $0xFFFFFFB0  }
0xe2: {  	[spmem:s3] =	stream.indirect.scatter.add.f32 [tilespmem:s25], [sflag:$0x4], $0x80, s30, s29, $0xb8;
	[tilespmem:$0x1E100] =	vst v63  }
0xe3: {  	_ =	swait.ge [sflag:s26], $0x2800  }
0xe4: {  	[sflag:s26] =	ssyncset.done $0x0  }
0xe5: {  	s12 =	simm.s32 $0x2670;
	[sflag:s26] =	ssyncadd.s32 $0xFFFFD800  }
0xe6: {  	[tilespmem:s25], [sflag:$0x1] =	stream.indirect.gather [hbm4b:s2+s29], $0x80, s12, s29, $0xb8;
	[tilespmem:$0x1E100] =	vst v63  }
0xe7: {  	_ = 	snop  }
0xe8: {  	[tilespmem:s30], [sflag:$0x1] =	stream.linear.gather [hbm4b:s20+s4], $0x50, $0x38;
	[tilespmem:$0x1E100] =	vst v63  }
0xe9: {  	_ =	swait.ge [sflag:s8], $0x2800  }
0xea: {  	[sflag:s8] =	ssyncset.done $0x0  }
0xeb: {  	[sflag:s8] =	ssyncadd.s32 $0xFFFFD800  }
0xec: {  	_ =	swait.ge [sflag:s8], $0x50  }
0xed: {  	[sflag:s8] =	ssyncset.done $0x0  }
0xee: {  	[sflag:s8] =	ssyncadd.s32 $0xFFFFFFB0  }
0xef: {  	[spmem:s3] =	stream.indirect.scatter.add.f32 [tilespmem:s31], [sflag:$0x4], $0x80, s1, s29, $0xb8;
	[tilespmem:$0x1E100] =	vst v63  }
0xf0: {  	_ =	swait.ge [sflag:s26], $0x2800  }
0xf1: {  	[sflag:s26] =	ssyncset.done $0x0  }
0xf2: {  	s18 =	simm.s32 $0x26C0;
	[sflag:s26] =	ssyncadd.s32 $0xFFFFD800  }
0xf3: {  	[tilespmem:s31], [sflag:$0x2] =	stream.indirect.gather [hbm4b:s2+s29], $0x80, s18, s29, $0xb8;
	[tilespmem:$0x1E100] =	vst v63  }
0xf4: {  	_ = 	snop  }
0xf5: {  	[tilespmem:s1], [sflag:$0x2] =	stream.linear.gather [hbm4b:s21+s4], $0x50, $0x38;
	[tilespmem:$0x1E100] =	vst v63  }
0xf6: {  	_ =	swait.ge [sflag:s9], $0x2800  }
0xf7: {  	[sflag:s9] =	ssyncset.done $0x0  }
0xf8: {  	[sflag:s9] =	ssyncadd.s32 $0xFFFFD800  }
0xf9: {  	_ =	swait.ge [sflag:s9], $0x50  }
0xfa: {  	[sflag:s9] =	ssyncset.done $0x0  }
0xfb: {  	[sflag:s9] =	ssyncadd.s32 $0xFFFFFFB0  }
0xfc: {  	[spmem:s3] =	stream.indirect.scatter.add.f32 [tilespmem:s0], [sflag:$0x4], $0x80, s7, s29, $0xb8;
	[tilespmem:$0x1E100] =	vst v63  }
0xfd: {  	_ =	swait.ge [sflag:s26], $0x2800  }
0xfe: {  	[sflag:s26] =	ssyncset.done $0x0  }
0xff: {  	[sflag:s26] =	ssyncadd.s32 $0xFFFFD800  }
0x100: {  	_ =	swait.ge [sflag:s28], $0x2800  }
0x101: {  	[sflag:s28] =	ssyncset.done $0x0  }
0x102: {  	[sflag:s28] =	ssyncadd.s32 $0xFFFFD800  }
0x103: {  	_ =	swait.ge [sflag:s28], $0x50  }
0x104: {  	[sflag:s28] =	ssyncset.done $0x0  }
0x105: {  	[sflag:s28] =	ssyncadd.s32 $0xFFFFFFB0  }
0x106: {  	[spmem:s3] =	stream.indirect.scatter.add.f32 [tilespmem:s25], [sflag:$0x4], $0x80, s30, s29, $0xb8;
	[tilespmem:$0x1E100] =	vst v63  }
0x107: {  	_ =	swait.ge [sflag:s26], $0x2800  }
0x108: {  	[sflag:s26] =	ssyncset.done $0x0  }
0x109: {  	[sflag:s26] =	ssyncadd.s32 $0xFFFFD800  }
0x10a: {  	_ =	swait.ge [sflag:s8], $0x2800  }
0x10b: {  	[sflag:s8] =	ssyncset.done $0x0  }
0x10c: {  	[sflag:s8] =	ssyncadd.s32 $0xFFFFD800  }
0x10d: {  	_ =	swait.ge [sflag:s8], $0x50  }
0x10e: {  	[sflag:s8] =	ssyncset.done $0x0  }
0x10f: {  	[sflag:s8] =	ssyncadd.s32 $0xFFFFFFB0  }
0x110: {  	[spmem:s3] =	stream.indirect.scatter.add.f32 [tilespmem:s31], [sflag:$0x4], $0x80, s1, s29, $0xb8;
	[tilespmem:$0x1E100] =	vst v63  }
0x111: {  	_ =	swait.ge [sflag:s26], $0x2800  }
0x112: {  	[sflag:s26] =	ssyncset.done $0x0  }
0x113: {  	s19 =	stileid.u32;
	[sflag:s26] =	ssyncadd.s32 $0xFFFFD800  }
0x114: {  	s12 =	sshll.u32 s19, $0x6;
	[bflag:$0x0] =	sbarrier.arrive $0xFFFF  }
0x115: {  	s13 =	sshrl.u32 s11, $0x3;
	s12 =	sor.u32 $0x1C04, s12;
	s14 =	rddreg [dreg:$0x7]  }
0x116: {  	[hbm:s14], [sflag:s12] =	dma.local [spmem:s13], $0x2800  }
0x117: {  	_ =	swait.ge [sflag:s26], $0x2800  }
0x118: {  	s10 =	sadd.s32 $0x1, s10;
	s22 =	rddreg [dreg:$0x8]  }
0x119: {  	p0 =	sne.s32 s10, s22  }
.Ltmp2:
0x11a: {  	_ = 	snop;
	(pc) =	sbr.rel @p0 .LBB2_1-.Ltmp2, $3  }
0x11b: {  	_ =	sdelay $0x1  }
0x11c: {  	[sflag:s26] =	ssyncset.done $0x0  }
0x11d: {  	[sflag:s26] =	ssyncadd.s32 $0xFFFFD800  }
0x11e: {  	_ =	sfence.sel $0x180000  }
0x11f: {  	[bflag:$0x0] =	sbarrier.arrive $0xFFFF  }
0x120: {  	_ =	strace $0x9000004D  }
0x121: {  	s0 =	stileid.u32;
	[bflag:$0x2] =	sbarrier.arrive $0xFFFF  }
0x122: {  	p0 =	sne.s32 s0, $0x0;
	s0 =	rddreg [dreg:$0x3]  }
0x123: {  	s0 =	sadd.s32 @!p0 $0x100000, s0  }
0x124: {  	[sflag:s0] =	ssyncadd.tile.s32 @!p0 $0x1;
	_ =	shalt  }
.Lfunc_end2:
_tile_overlayer_lowered:
.L_overlay_start_2:
0x125: {  	(tag) =	ssettag $0x2  }
0x126: {  	s0 =	rddreg [dreg:$0x0];
	s2 =	stileid.u32  }
0x127: {  	s1 =	rddreg [dreg:$0x1];
	p0 =	sne.s32 s2, $0x0  }
0x128: {  	s3 =	rddreg [dreg:$0x2];
	[bflag:$0x3] =	sbarrier.arrive $0xFFFF;
	s2 =	simm.s32 @!p0 $0x1C04  }
0x129: {  	[timem:s3], [sflag:s2] =	dma.local @!p0 [hbm:s0], s1  }
0x12a: {  	s0 =	simm.s32 @!p0 $0x4  }
0x12b: {  	_ =	swait.ge @!p0 [sflag:s0], s1  }
0x12c: {  	s1 =	ssub.s32 @!p0 $0x0, s1;
	[sflag:s0] =	ssyncset.done @!p0 $0x0  }
0x12d: {  	[sflag:s0] =	ssyncadd.s32 @!p0 s1  }
0x12e: {  	[bflag:$0x3] =	sbarrier.arrive $0xFFFF  }
0x12f: {  	_ =	shalt  }

// kernel: kernel.8.cloned.1.call-start
scs
__scs_entry_jumppad:
0x0: {  	(pc) =	sbr.rel $0x88, $3  }
0x1: {  	(tag) =	ssettag $0x0;
	lr =	simm.s32 $0x1  }
0x2: {  	[smem:$0x3F99] =	sst lr;
	_ =	strace $0xD0000000  }
0x3: {  	_ = 	snop  }
0x4: {  	_ = 	snop  }
0x5: {  	_ = 	snop  }
0x6: {  	_ = 	snop  }
0x7: {  	_ = 	snop  }
__scs_overlays_trampoline_lowered:
0x8: {  	[smem:$0x3FA8] =	sst s0  }
0x9: {  	[smem:$0x3FA9] =	sst s1  }
0xa: {  	[smem:$0x3FAA] =	sst s2  }
0xb: {  	[smem:$0x3FAB] =	sst s3  }
0xc: {  	[smem:$0x3FAC] =	sst s4  }
0xd: {  	[smem:$0x3FAD] =	sst s5  }
0xe: {  	[smem:$0x3FAE] =	sst s6  }
0xf: {  	[smem:$0x3FAF] =	sst s7  }
0x10: {  	[smem:$0x3FB0] =	sst s8  }
0x11: {  	[smem:$0x3FB1] =	sst s9;
	s0 =	simm.s32 @!p0 $0x0  }
0x12: {  	s1 =	sld [smem:$0x3F97];
	s0 =	simm.s32 @p0 $0x1  }
0x13: {  	[smem:$0x3FB2] =	sst s0;
	s0 =	simm.s32 @!p1 $0x0  }
0x14: {  	s2 =	sld [smem:$0x3F96];
	s0 =	simm.s32 @p1 $0x1  }
0x15: {  	[smem:$0x3FB3] =	sst s0;
	s0 =	simm.s32 @!p2 $0x0  }
0x16: {  	s3 =	sld [smem:$0x3FDB];
	s0 =	simm.s32 @p2 $0x1  }
0x17: {  	s4 =	simm.s32 $0x1BF5;
	[smem:$0x3FB5] =	sst s0  }
0x18: {  	s0 =	sld [smem:$0x3F98];
	_ =	swait.ge [sflag:s4], $0x0  }
0x19: {  	s7 =	sld [smem:$0x3F99]  }
0x1a: {  	s8 =	sadd.s32 $0xFFFFE003, lr  }
0x1b: {  	s9 =	sadd.s32 $0xFFFFFEF7, lr;
	s5 =	simm.s32 $0xFFFFFFFF;
	p2 =	slt.u32 s8, $0xFFFFF086  }
0x1c: {  	p1 =	slt.u32 s9, $0xF7A;
	s5 =	simm.s32 @!p2 $0x0  }
0x1d: {  	s5 =	simm.s32 @p1 $0x1;
	p0 =	seq.s32 s7, s2  }
0x1e: {  	s7 =	smul.u32 @!p0 $0xF7A, s2;
	p2 =	seq.s32 @!p0 s5, $0x0  }
0x1f: {  	s9 =	smul.u32 $0xF7A, s1;
	s8 =	simm.s32 @!p0 $0x1BF5;
	p2 =	por !p2, p0  }
0x20: {  	[sflag:s8] =	ssyncset.s32 @!p0 $0xFFFFF086;
	s6 =	sadd.s32 @!p0 s3, s7;
	s7 =	simm.s32 @!p0 $0x108  }
0x21: {  	s3 =	sadd.s32 s3, s9;
	s6 =	sadd.s32 @!p0 $0x88, s6;
	s7 =	simm.s32 @p2 $0x1082  }
0x22: {  	[simem:s7], [sflag:s8] =	dma.local @!p0 [hbm:s6], $0xF7A  }
0x23: {  	s9 =	sor.u32 $0xD0000000, s2;
	s6 =	simm.s32 $0x108;
	_ =	swait.ge @!p0 [sflag:s8], $0x0  }
0x24: {  	s3 =	sadd.s32 $0x88, s3;
	s6 =	simm.s32 @!p1 $0x1082;
	[sflag:s4] =	ssyncset.s32 $0xFFFFF086  }
0x25: {  	[simem:s6], [sflag:s4] =	dma.local [hbm:s3], $0xF7A  }
0x26: {  	[smem:$0x3F99] =	sst s1;
	(tag) =	ssettag s2;
	_ =	strace s9  }
0x27: {  	s1 =	sld [smem:$0x3FA9]  }
0x28: {  	s2 =	sld [smem:$0x3FAA]  }
0x29: {  	s4 =	sld [smem:$0x3FAC]  }
0x2a: {  	p0 =	seq.s32 s5, $0x0;
	s5 =	sld [smem:$0x3FAD]  }
0x2b: {  	s6 =	sld [smem:$0x3FAE]  }
0x2c: {  	s7 =	sld [smem:$0x3FAF]  }
0x2d: {  	s3 =	simm.s32 $0x108;
	s8 =	sld [smem:$0x3FB0]  }
0x2e: {  	s3 =	simm.s32 @!p0 $0x1082;
	s9 =	sld [smem:$0x3FB1]  }
0x2f: {  	lr =	sadd.s32 s0, s3;
	s0 =	sld [smem:$0x3FA8]  }
0x30: {  	s3 =	sld [smem:$0x3FAB]  }
0x31: {  	[smem:$0x3FB4] =	sst s10  }
0x32: {  	s10 =	sld [smem:$0x3FB2];
	_ =	sdelay $0x3  }
0x33: {  	p0 =	seq.s32 s10, $0x1;
	s10 =	sld [smem:$0x3FB4];
	_ =	sdelay $0x3  }
0x34: {  	[smem:$0x3FB4] =	sst s10  }
0x35: {  	s10 =	sld [smem:$0x3FB3];
	_ =	sdelay $0x3  }
0x36: {  	p1 =	seq.s32 s10, $0x1;
	s10 =	sld [smem:$0x3FB4];
	_ =	sdelay $0x3  }
0x37: {  	[smem:$0x3FB4] =	sst s10  }
0x38: {  	s10 =	sld [smem:$0x3FB5]  }
0x39: {  	_ = 	snop;
	(pc) =	sbr.ind lr, $3  }
0x3a: {  	_ = 	snop  }
0x3b: {  	_ = 	snop  }
0x3c: {  	p2 =	seq.s32 s10, $0x1;
	s10 =	sld [smem:$0x3FB4]  }
0x3d: {  	_ =	shalt  }
0x3e: {  	_ =	shalt  }
0x3f: {  	_ =	shalt  }
0x40: {  	_ =	shalt  }
0x41: {  	_ =	shalt  }
0x42: {  	_ =	shalt  }
0x43: {  	_ =	shalt  }
0x44: {  	_ =	shalt  }
0x45: {  	_ =	shalt  }
0x46: {  	_ =	shalt  }
0x47: {  	_ =	shalt  }
0x48: {  	_ =	shalt  }
0x49: {  	_ =	shalt  }
0x4a: {  	_ =	shalt  }
0x4b: {  	_ =	shalt  }
0x4c: {  	_ =	shalt  }
0x4d: {  	_ =	shalt  }
0x4e: {  	_ =	shalt  }
0x4f: {  	_ =	shalt  }
0x50: {  	_ =	shalt  }
0x51: {  	_ =	shalt  }
0x52: {  	_ =	shalt  }
0x53: {  	_ =	shalt  }
0x54: {  	_ =	shalt  }
0x55: {  	_ =	shalt  }
0x56: {  	_ =	shalt  }
0x57: {  	_ =	shalt  }
0x58: {  	_ =	shalt  }
0x59: {  	_ =	shalt  }
0x5a: {  	_ =	shalt  }
0x5b: {  	_ =	shalt  }
0x5c: {  	_ =	shalt  }
0x5d: {  	_ =	shalt  }
0x5e: {  	_ =	shalt  }
0x5f: {  	_ =	shalt  }
0x60: {  	_ =	shalt  }
0x61: {  	_ =	shalt  }
0x62: {  	_ =	shalt  }
0x63: {  	_ =	shalt  }
0x64: {  	_ =	shalt  }
0x65: {  	_ =	shalt  }
0x66: {  	_ =	shalt  }
0x67: {  	_ =	shalt  }
0x68: {  	_ =	shalt  }
0x69: {  	_ =	shalt  }
0x6a: {  	_ =	shalt  }
0x6b: {  	_ =	shalt  }
0x6c: {  	_ =	shalt  }
0x6d: {  	_ =	shalt  }
0x6e: {  	_ =	shalt  }
0x6f: {  	_ =	shalt  }
0x70: {  	_ =	shalt  }
0x71: {  	_ =	shalt  }
0x72: {  	_ =	shalt  }
0x73: {  	_ =	shalt  }
0x74: {  	_ =	shalt  }
0x75: {  	_ =	shalt  }
0x76: {  	_ =	shalt  }
0x77: {  	_ =	shalt  }
0x78: {  	_ =	shalt  }
0x79: {  	_ =	shalt  }
0x7a: {  	_ =	shalt  }
0x7b: {  	_ =	shalt  }
0x7c: {  	_ =	shalt  }
0x7d: {  	_ =	shalt  }
0x7e: {  	_ =	shalt  }
0x7f: {  	_ =	shalt  }
0x80: {  	_ =	shalt  }
0x81: {  	_ =	shalt  }
0x82: {  	_ =	shalt  }
0x83: {  	_ =	shalt  }
0x84: {  	_ =	shalt  }
0x85: {  	_ =	shalt  }
0x86: {  	_ =	shalt  }
0x87: {  	_ =	shalt  }
.Lfunc_end0:
.L_simem_size_0:
called_computation_lowered:
.L_overlay_start_0:
0x88: {  	s2 =	sld [smem:$0x3FD9]  }
0x89: {  	s3 =	sld [smem:$0x3FFE];
	_ =	sdelay $0x1  }
0x8a: {  	s1 =	srdreg.scid  }
0x8b: {  	s0 =	sand.u32 $0x1, s1  }
0x8c: {  	s17 =	sshll.u32 s0, $0xA;
	s2 =	sadd.s32 s3, s2  }
0x8d: {  	s2 =	sadd.s32 s2, s17  }
0x8e: {  	[smem:$0x3FC0] =	sst s2  }
0x8f: {  	_ = 	snop  }
0x90: {  	s2 =	sld [smem:$0x3FD0];
	(tm) =	ssettm $0x1  }
0x91: {  	s18 =	sld [smem:$0x3FFB];
	_ =	sdelay $0x3  }
0x92: {  	_ =	strace s18  }
0x93: {  	s3 =	sld [smem:$0x3FFC];
	_ =	sdelay $0x3  }
0x94: {  	_ =	strace s3  }
0x95: {  	s3 =	sld [smem:$0x3FFD];
	_ =	sdelay $0x3  }
0x96: {  	_ =	strace s3  }
0x97: {  	_ =	strace $0x8FFFFFFF  }
0x98: {  	s19 =	sld [smem:$0x3FDB];
	_ =	sdelay $0x1  }
0x99: {  	s4 =	simm.s32 $_scs_section_size  }
0x9a: {  	s5 =	simm.s32 $_size__tile_overlayer_lowered;
	s6 =	simm.s32 $_tile_overlayer_lowered  }
0x9b: {  	s22 =	simm.s32 $0x1BFF;
	s21 =	sshll.u32 s6, $0x1;
	s3 =	sadd.s32 s4, s19  }
0x9c: {  	s7 =	simm.s32 $0x0;
	s20 =	sshll.u32 s5, $0x1;
	s5 =	sadd.s32 s21, s3  }
0x9d: {  	[timem:s7], [sflag:s22] =	dma.local [hbm:s5], s20  }
0x9e: {  	_ =	swait.ge [sflag:s22], s20  }
0x9f: {  	s4 =	ssub.s32 $0x0, s20;
	[sflag:s22] =	ssyncset.done $0x0  }
0xa0: {  	[sflag:s22] =	ssyncadd.s32 s4;
	_ =	sdelay $0x1  }
0xa1: {  	s23 =	simm.s32 $0x1B8B  }
0xa2: {  	_ =	swait.ge [sflag:s23], $0x1  }
0xa3: {  	[sflag:s23] =	ssyncset.done $0x0  }
0xa4: {  	s25 =	simm.s32 $0x1B8E;
	s24 =	sld [smem:$0x3FFE];
	[sflag:s23] =	ssyncadd.s32 $0xFFFFFFFF  }
0xa5: {  	s26 =	simm.s32 $execute0_lowered;
	[smem:$0x3FD2] =	sst s25  }
0xa6: {  	s5 =	sshll.u32 s26, $0x1;
	_ =	strace $0x80000046;
	[dreg:$0x1] =	wrdreg $0xFFFFFFFF  }
0xa7: {  	s28 =	simm.s32 $_size_execute0_lowered;
	s3 =	sadd.s32 s3, s5;
	[dreg:$0x0] =	wrdreg $0x0  }
0xa8: {  	s5 =	sshll.u32 s28, $0x1;
	[dreg:$0x2] =	wrdreg s3  }
0xa9: {  	[dreg:$0x3] =	wrdreg s5  }
0xaa: {  	[dreg:$0x4] =	wrdreg $0xC0  }
0xab: {  	_ =	task [dreg:s7], $0x5FFFF  }
0xac: {  	[dreg:$0x1] =	wrdreg $0xFFFFFFFF  }
0xad: {  	[dreg:$0x0] =	wrdreg $0x60  }
0xae: {  	[dreg:$0x2] =	wrdreg s24  }
0xaf: {  	[dreg:$0x3] =	wrdreg s2  }
0xb0: {  	[dreg:$0x4] =	wrdreg $0x9  }
0xb1: {  	_ =	task.clear_ibuf [dreg:s7], $0x5FFFF;
	_ =	strace $0x90000046  }
0xb2: {  	s29 =	simm.s32 $0x9;
	_ =	strace $0x80000048  }
0xb3: {  	_ =	swait.ge [sflag:s29], $0x1  }
0xb4: {  	[sflag:s29] =	ssyncadd.s32 $0xFFFFFFFF  }
0xb5: {  	_ =	strace $0x90000048  }
0xb6: {  	_ =	sfence  }
0xb7: {  	s30 =	sld [smem:$0x0];
	_ =	sdelay $0x2  }
0xb8: {  	s31 =	sshll.u32 s1, $0xD;
	s1 =	sshrl.u32 s1, $0x2  }
0xb9: {  	s3 =	sand.u32 $0x4000, s31;
	s1 =	sadd.s32 s1, s30  }
0xba: {  	s0 =	sor.u32 s3, s0;
	s1 =	sshll.u32 s1, $0x11  }
0xbb: {  	s0 =	sor.u32 s1, s0  }
0xbc: {  	s0 =	sadd.s32 $0x8F2B, s0  }
0xbd: {  	[sflag:s0] =	ssyncadd.remote.s32 $0x1  }
0xbe: {  	_ =	sfence.sel $0xFFFF  }
0xbf: {  	[dreg:$0x0] =	wrdreg $0xFFFFFFFF;
	(pc) =	sbr.abs _section_cstart, $3  }
0xc0: {  	[dreg:$0x1] =	wrdreg $0xFFFFFFFF  }
0xc1: {  	_ =	task.clear_ibuf [dreg:s7], $0x2FFFF;
	_ =	strace $0x9FFFFFFF  }
0xc2: {  	(tm) =	ssettm $0x7FFFFFFF  }
0xc3: {  	_ =	shalt  }
tec
execute0_lowered:
.L_overlay_start_1:
0x0: {  	(tag) =	ssettag $0x1  }
0x1: {  	s0 =	srdreg.scid  }
0x2: {  	s4 =	rddreg [dreg:$0x0];
	s3 =	sand.u32 $0x1, s0  }
0x3: {  	s5 =	rddreg [dreg:$0x1];
	s0 =	stileid.u32;
	s1 =	sshll.u32 s3, $0x4  }
0x4: {  	s2 =	simm.s32 $0x0;
	s9 =	simm.s32 $0x400;
	s6 =	sor.u32 s0, s1  }
0x5: {  	s10 =	simm.s32 $0x0;
	[smem:$0x7FF] =	sst s2;
	s7 =	sshrl.u32 s6, $0x3  }
0x6: {  	s8 =	sshll.u32 s0, $0x7;
	s3 =	ssub.s32 $0x2, s3;
	s7 =	smul.u32 $0x14000, s7  }
0x7: {  	s1 =	rddreg [dreg:$0x2];
	s8 =	sand.u32 $0x380, s8;
	s6 =	smul.u32 $0x4E2, s6  }
0x8: {  	_ =	strace $0x80000047;
	s31 =	sshrl.u32 s3, $0x1;
	s7 =	sor.u32 s8, s7  }
0x9: {  	s4 =	sadd.s32 s6, s4;
	s6 =	ssub.s32 s3, s31;
	s7 =	sshrl.u32 s7, $0x3  }
0xa: {  	s3 =	sadd.s32 $0xCA00, s4;
	s8 =	simm.s32 $0x80;
	s4 =	sadd.s32 s5, s7  }
0xb: {  	v0 =	vimm.f32 $0.0e+00;
	v1 =	vimm.f32 $1.000000000e+00;
	s5 =	smax.u32 s6, $0x1;
	s6 =	simm.s32 $0x1;
	s7 =	simm.s32 $0x2780  }
.LBB2_1:
0xc: {  	s11 =	simm.s32 $0x27C0  }
0xd: {  	[tilespmem:s11+$0xFFFFFFC0] =	vst v0  }
0xe: {  	[tilespmem:s11+$0x30] =	vst v0  }
0xf: {  	[tilespmem:s11+$0x20] =	vst v0  }
0x10: {  	[tilespmem:s11+$0x10] =	vst v0  }
0x11: {  	[tilespmem:s11+$0x0] =	vst v0  }
0x12: {  	[tilespmem:s11+$0xFFFFFFF0] =	vst v0  }
0x13: {  	s12 =	simm.s32 $0x0;
	[tilespmem:s11+$0xFFFFFFE0] =	vst v0  }
.LBB2_2:
0x14: {  	s12 =	sadd.s32 $0x8, s12;
	[tilespmem:s11+$0xFFFFFFD0] =	vst v0;
	s11 =	sadd.s32 $0x80, s11  }
0x15: {  	[tilespmem:s11+$0xFFFFFFC0] =	vst v0;
	p0 =	slt.u32 s12, $0x278  }
0x16: {  	[tilespmem:s11+$0x30] =	vst v0  }
.Ltmp0:
0x17: {  	[tilespmem:s11+$0x20] =	vst v0;
	(pc) =	sbr.rel @p0 .LBB2_2-.Ltmp0, $4  }
0x18: {  	[tilespmem:s11+$0x10] =	vst v0  }
0x19: {  	[tilespmem:s11+$0x0] =	vst v0  }
0x1a: {  	[tilespmem:s11+$0xFFFFFFF0] =	vst v0  }
0x1b: {  	[tilespmem:s11+$0xFFFFFFE0] =	vst v0  }
0x1c: {  	[tilespmem:s11+$0xFFFFFFD0] =	vst v0  }
0x1d: {  	[tilespmem:s2], [sflag:$0x1] =	stream.linear.gather [hbm4b:s3+s2], $0x2710, $0x38;
	[tilespmem:$0x4F80] =	vst v63  }
0x1e: {  	_ =	swait.ge [sflag:s6], $0x2710  }
0x1f: {  	[sflag:s6] =	ssyncset.done $0x0  }
0x20: {  	s11 =	simm.s32 $0xFFFFFFF0;
	s12 =	simm.s32 $0x80;
	[sflag:s6] =	ssyncadd.s32 $0xFFFFD8F0  }
.LBB2_4:
0x21: {  	v2 =	vld [tilespmem:s12+$0xFFFFFF80];
	_ =	sdelay $0x7  }
0x22: {  	[tilespmem:v2+s7+$0x0] =	vst.idx.add.f32.msk $0xffff, v1  }
0x23: {  	v2 =	vld [tilespmem:s12+$0xFFFFFF90];
	_ =	sdelay $0x7  }
0x24: {  	[tilespmem:v2+s7+$0x0] =	vst.idx.add.f32.msk $0xffff, v1  }
0x25: {  	v2 =	vld [tilespmem:s12+$0xFFFFFFA0];
	_ =	sdelay $0x7  }
0x26: {  	[tilespmem:v2+s7+$0x0] =	vst.idx.add.f32.msk $0xffff, v1  }
0x27: {  	v2 =	vld [tilespmem:s12+$0xFFFFFFB0];
	_ =	sdelay $0x7  }
0x28: {  	[tilespmem:v2+s7+$0x0] =	vst.idx.add.f32.msk $0xffff, v1  }
0x29: {  	v2 =	vld [tilespmem:s12+$0xFFFFFFC0];
	_ =	sdelay $0x7  }
0x2a: {  	[tilespmem:v2+s7+$0x0] =	vst.idx.add.f32.msk $0xffff, v1  }
0x2b: {  	v2 =	vld [tilespmem:s12+$0xFFFFFFD0];
	_ =	sdelay $0x7  }
0x2c: {  	[tilespmem:v2+s7+$0x0] =	vst.idx.add.f32.msk $0xffff, v1  }
0x2d: {  	v2 =	vld [tilespmem:s12+$0xFFFFFFE0];
	_ =	sdelay $0x7  }
0x2e: {  	[tilespmem:v2+s7+$0x0] =	vst.idx.add.f32.msk $0xffff, v1  }
0x2f: {  	v2 =	vld [tilespmem:s12+$0xFFFFFFF0];
	_ =	sdelay $0x7  }
0x30: {  	[tilespmem:v2+s7+$0x0] =	vst.idx.add.f32.msk $0xffff, v1  }
0x31: {  	v2 =	vld [tilespmem:s12+$0x0];
	_ =	sdelay $0x7  }
0x32: {  	[tilespmem:v2+s7+$0x0] =	vst.idx.add.f32.msk $0xffff, v1  }
0x33: {  	v2 =	vld [tilespmem:s12+$0x10];
	_ =	sdelay $0x7  }
0x34: {  	[tilespmem:v2+s7+$0x0] =	vst.idx.add.f32.msk $0xffff, v1  }
0x35: {  	v2 =	vld [tilespmem:s12+$0x20];
	_ =	sdelay $0x7  }
0x36: {  	[tilespmem:v2+s7+$0x0] =	vst.idx.add.f32.msk $0xffff, v1  }
0x37: {  	v2 =	vld [tilespmem:s12+$0x30];
	_ =	sdelay $0x7  }
0x38: {  	[tilespmem:v2+s7+$0x0] =	vst.idx.add.f32.msk $0xffff, v1  }
0x39: {  	v2 =	vld [tilespmem:s12+$0x40];
	_ =	sdelay $0x7  }
0x3a: {  	[tilespmem:v2+s7+$0x0] =	vst.idx.add.f32.msk $0xffff, v1  }
0x3b: {  	v2 =	vld [tilespmem:s12+$0x50];
	_ =	sdelay $0x7  }
0x3c: {  	[tilespmem:v2+s7+$0x0] =	vst.idx.add.f32.msk $0xffff, v1  }
0x3d: {  	v2 =	vld [tilespmem:s12+$0x60];
	_ =	sdelay $0x7  }
0x3e: {  	[tilespmem:v2+s7+$0x0] =	vst.idx.add.f32.msk $0xffff, v1  }
0x3f: {  	v2 =	vld [tilespmem:s12+$0x70];
	_ =	sdelay $0x1  }
0x40: {  	s11 =	sadd.s32 $0x10, s11  }
0x41: {  	p0 =	slt.u32 s11, $0x260  }
.Ltmp1:
0x42: {  	_ = 	snop;
	(pc) =	sbr.rel @p0 .LBB2_4-.Ltmp1, $2  }
0x43: {  	_ =	sdelay $0x2  }
0x44: {  	s12 =	sadd.s32 $0x100, s12;
	[tilespmem:v2+s7+$0x0] =	vst.idx.add.f32.msk $0xffff, v1  }
0x45: {  	v2 =	vld [tilespmem:$0x2700];
	_ =	sdelay $0x5  }
0x46: {  	s10 =	sadd.s32 $0x1, s10  }
0x47: {  	p0 =	sne.s32 s10, s5  }
.Ltmp2:
0x48: {  	[tilespmem:v2+s7+$0x0] =	vst.idx.add.f32.msk $0xffff, v1;
	(pc) =	sbr.rel @p0 .LBB2_1-.Ltmp2, $4  }
0x49: {  	[hbm4b:s4+s8] =	stream.strided.scatter [tilespmem:s7], [sflag:$0x1], $0x2800, s9, s8, $0x38;
	[tilespmem:$0x4F80] =	vst v63  }
0x4a: {  	_ =	swait.ge [sflag:s6], $0x2800  }
0x4b: {  	[sflag:s6] =	ssyncset.done $0x0  }
0x4c: {  	[sflag:s6] =	ssyncadd.s32 $0xFFFFD800  }
0x4d: {  	_ =	sfence.sel $0x180000  }
0x4e: {  	[bflag:$0x0] =	sbarrier.arrive $0xFFFF  }
0x4f: {  	p0 =	sne.s32 s0, $0x0;
	_ =	strace $0x90000047  }
0x50: {  	s0 =	sadd.s32 @!p0 $0x100000, s1;
	[bflag:$0x2] =	sbarrier.arrive $0xFFFF  }
0x51: {  	[sflag:s0] =	ssyncadd.tile.s32 @!p0 $0x1;
	_ =	shalt  }
.Lfunc_end2:
_tile_overlayer_lowered:
.L_overlay_start_2:
0x52: {  	(tag) =	ssettag $0x2  }
0x53: {  	s0 =	rddreg [dreg:$0x0];
	s2 =	stileid.u32  }
0x54: {  	s1 =	rddreg [dreg:$0x1];
	p0 =	sne.s32 s2, $0x0  }
0x55: {  	s3 =	rddreg [dreg:$0x2];
	[bflag:$0x3] =	sbarrier.arrive $0xFFFF;
	s2 =	simm.s32 @!p0 $0x1C01  }
0x56: {  	[timem:s3], [sflag:s2] =	dma.local @!p0 [hbm:s0], s1  }
0x57: {  	s0 =	simm.s32 @!p0 $0x1  }
0x58: {  	_ =	swait.ge @!p0 [sflag:s0], s1  }
0x59: {  	s1 =	ssub.s32 @!p0 $0x0, s1;
	[sflag:s0] =	ssyncset.done @!p0 $0x0  }
0x5a: {  	[sflag:s0] =	ssyncadd.s32 @!p0 s1  }
0x5b: {  	[bflag:$0x3] =	sbarrier.arrive $0xFFFF  }
0x5c: {  	_ =	shalt  }

</sc_bundles>
